<compile_context>
chip_gen: v7x
topology: tpu7x:2x2x1
jax: 0.10.2.dev20260603
libtpu: 0.0.44.dev20260713+nightly
codegen_flags: <defaults>
</compile_context>

<pallas_src>
import functools

import jax
import jax.numpy as jnp
from jax import lax
from jax.experimental import pallas as pl
from jax.experimental.pallas import tpu as pltpu
from jax.experimental.pallas import tpu_sc as plsc

N_FIELDS = 26
VOCAB = 100000
EMBED = 32
N_NUM = 13
N_TOK = N_FIELDS + N_NUM
LANES = 16
GROUPS = (4, 7, 7, 8)


def _run_group(xcat_t, xnum_t, tblg, w, bvec, *, batch, nf, with_num):
    info = plsc.get_sparse_core_info()
    nc, ns = info.num_cores, info.num_subcores
    nw = nc * ns
    assert nw == EMBED, "one worker per embed lane"
    ntok = nf + (N_NUM if with_num else 0)
    qb = batch // 4
    nblk = qb // LANES
    unroll = 8

    mesh = plsc.VectorSubcoreMesh(core_axis_name="c", subcore_axis_name="s")

    def body(xcat_ref, xnum_ref, tbl_ref, w_ref, b_ref, out_ref,
             plane_v, idx_v, oq_v, w_v, b_v, wsem):
        e = lax.axis_index("s") * nc + lax.axis_index("c")

        pltpu.sync_copy(w_ref, w_v)
        pltpu.sync_copy(b_ref, b_v)
        ee = jnp.full((LANES,), e, jnp.int32)
        we = plsc.load_gather(w_v, [ee])
        be = plsc.load_gather(b_v, [ee])

        def plane_body(t, carry):
            is_cat = t < nf

            @pl.when(is_cat)
            def _():
                pltpu.sync_copy(xcat_ref.at[t], idx_v)
                pltpu.sync_copy(tbl_ref.at[t, e], plane_v)

            @pl.when(jnp.logical_not(is_cat))
            def _():
                pltpu.sync_copy(xnum_ref.at[t - nf],
                                plane_v.at[pl.ds(0, batch)])

            def q_body(q, c):
                qbuf = oq_v.at[q % 2]

                @pl.when(t * 4 + q >= 2)
                def _():
                    pltpu.make_async_copy(
                        qbuf, out_ref.at[t, e, pl.ds(0, qb)], wsem).wait()

                @pl.when(is_cat)
                def _():
                    def blk(k, cc):
                        for u in range(unroll):
                            o = k * unroll + u
                            sl = pl.ds(q * qb + o * LANES, LANES)
                            idx16 = idx_v[sl]
                            s = plsc.load_gather(plane_v, [idx16])
                            qbuf[pl.ds(o * LANES, LANES)] = s
                        return cc

                    lax.fori_loop(0, nblk // unroll, blk, 0)

                @pl.when(jnp.logical_not(is_cat))
                def _():
                    def blk(k, cc):
                        for u in range(unroll):
                            o = k * unroll + u
                            sl = pl.ds(q * qb + o * LANES, LANES)
                            v16 = plane_v[sl]
                            qbuf[pl.ds(o * LANES, LANES)] = v16 * we + be
                        return cc

                    lax.fori_loop(0, nblk // unroll, blk, 0)

                pltpu.async_copy(qbuf, out_ref.at[t, e, pl.ds(q * qb, qb)],
                                 wsem)
                return c

            lax.fori_loop(0, 4, q_body, carry)
            return carry

        lax.fori_loop(0, ntok, plane_body, 0)

        def final_drain(q, c):
            pltpu.make_async_copy(
                oq_v.at[q], out_ref.at[ntok - 1, e, pl.ds(0, qb)],
                wsem).wait()
            return c

        lax.fori_loop(0, 2, final_drain, 0)

    call = pl.kernel(
        body,
        out_type=jax.ShapeDtypeStruct((ntok, EMBED, batch), jnp.float32),
        mesh=mesh,
        scratch_types=[
            pltpu.VMEM((VOCAB,), jnp.float32),
            pltpu.VMEM((batch,), jnp.int32),
            pltpu.VMEM((2, qb), jnp.float32),
            pltpu.VMEM((EMBED,), jnp.float32),
            pltpu.VMEM((EMBED,), jnp.float32),
            pltpu.SemaphoreType.DMA,
        ],
        compiler_params=pltpu.CompilerParams(
            use_tc_tiling_on_sc=False, needs_layout_passes=False),
    )
    return call(xcat_t, xnum_t, tblg, w, bvec)


@functools.partial(jax.jit, static_argnames=("batch",))
def _run(x_cat, x_num, tables, W, b, *, batch):
    xnum_t = x_num.T
    w = W.reshape(EMBED)
    outs = []
    f0 = 0
    for gi, nf in enumerate(GROUPS):
        last = gi == len(GROUPS) - 1
        xcat_g = x_cat[:, f0:f0 + nf].astype(jnp.int32).T
        tblg = jnp.transpose(tables[f0:f0 + nf], (0, 2, 1))
        outs.append(
            _run_group(xcat_g, xnum_t, tblg, w, b,
                       batch=batch, nf=nf, with_num=last))
        f0 += nf
    out_t = jnp.concatenate(outs, axis=0)
    return jnp.transpose(out_t, (2, 0, 1))


def kernel(x_cat, x_num, tables, W, b):
    return _run(x_cat, x_num, tables, W, b, batch=x_cat.shape[0])

# --- scband reference (transcript-rebuilt; emitter-appended) ---
"""Pipeline reference for scband-feature-tokenizer-19739669693166 (READ-ONLY COPY).

The authoritative reference and input builder live on the scoring server;
editing this copy changes nothing except your own understanding.
"""

import jax, jax.numpy as jnp
import numpy as np

N_FIELDS = 26
VOCAB = 100000
EMBED = 32
BATCH = 16384
N_NUM = 13


def setup_inputs(seed: int = 0) -> dict:
    key = jax.random.key(seed)
    k1, k2, k3, k4, k5 = jax.random.split(key, 5)
    x_cat = jax.random.randint(k1, (BATCH, N_FIELDS), 0, VOCAB)
    x_num = jax.random.normal(k3, (BATCH, N_NUM), dtype=jnp.float32)
    # 26 embedding tables, stacked: [N_FIELDS, VOCAB, EMBED]; padding_idx=0 rows zeroed
    tables = jax.random.normal(k2, (N_FIELDS, VOCAB, EMBED), dtype=jnp.float32) * 0.02
    tables = tables.at[:, 0, :].set(0.0)
    # nn.Linear(1, EMBED): weight [EMBED, 1], bias [EMBED]
    W = jax.random.normal(k4, (EMBED, 1), dtype=jnp.float32) * 0.1
    b = jax.random.normal(k5, (EMBED,), dtype=jnp.float32) * 0.01
    return {"x_cat": x_cat, "x_num": x_num, "tables": tables, "W": W, "b": b}


def reference(x_cat, x_num, tables, W, b):
    tokens = []
    for i in range(N_FIELDS):
        # embedding lookup: gather rows from table i
        tokens.append(jnp.take(tables[i], x_cat[:, i], axis=0))
    for i in range(N_NUM):
        # Linear(1, EMBED) applied to scalar feature
        tokens.append(x_num[:, i:i + 1] @ W.T + b)
    return jnp.stack(tokens, axis=1)  # [BATCH, N_FIELDS + N_NUM, EMBED]

if __name__ == "__main__":
    import jax
    _d = setup_inputs()
    print(jax.jit(kernel)(*tuple(_d.values())))

</pallas_src>

<mosaic_0001>
#map = affine_map<(d0, d1) -> (0, 0)>
#map1 = affine_map<(d0, d1) -> (0, 0, 0)>
#map2 = affine_map<(d0, d1) -> (0)>
module attributes {stable_mosaic.version = 14 : i64} {
  func.func @body(%arg0: i32, %arg1: i32, %arg2: memref<7x16384xi32, #tpu.memory_space<hbm>>, %arg3: memref<13x16384xf32, #tpu.memory_space<hbm>>, %arg4: memref<7x32x100000xf32, #tpu.memory_space<hbm>>, %arg5: memref<32xf32, #tpu.memory_space<hbm>>, %arg6: memref<32xf32, #tpu.memory_space<hbm>>, %arg7: memref<7x32x16384xf32, #tpu.memory_space<hbm>>, %arg8: memref<100000xf32, #tpu.memory_space<vmem>>, %arg9: memref<16384xi32, #tpu.memory_space<vmem>>, %arg10: memref<2x4096xf32, #tpu.memory_space<vmem>>, %arg11: memref<32xf32, #tpu.memory_space<vmem>>, %arg12: memref<32xf32, #tpu.memory_space<vmem>>, %arg13: memref<!tpu.dma_semaphore, #tpu.memory_space<semaphore_mem>>) attributes {dimension_semantics = [#tpu.dimension_semantics<core_parallel>, #tpu.dimension_semantics<subcore_parallel>], iteration_bounds = array<i64: 2, 16>, scalar_prefetch = 0 : i64, scratch_operands = 6 : i64, tpu.core_type = #tpu.core_type<sc_vector_subcore>, window_params = [{transform_indices = #map}, {transform_indices = #map}, {transform_indices = #map1}, {transform_indices = #map2}, {transform_indices = #map2}, {transform_indices = #map1}]} {
    %mul3A = arith.constant 2 : i32
    %mul3A_0 = arith.muli %arg1, %mul3A : i32
    %add3A = arith.addi %mul3A_0, %arg0 : i32
    "tpu.region"() ({
      %run_scoped3A = tpu.sem_alloc : memref<!tpu.dma_semaphore, #tpu.memory_space<semaphore_mem>>
      tpu.enqueue_dma source(%arg5 : memref<32xf32, #tpu.memory_space<hbm>>) target(%arg11 : memref<32xf32, #tpu.memory_space<vmem>>) target_semaphore(%run_scoped3A : memref<!tpu.dma_semaphore, #tpu.memory_space<semaphore_mem>>)
      tpu.wait_dma2 semaphore(%run_scoped3A : memref<!tpu.dma_semaphore, #tpu.memory_space<semaphore_mem>>) src(%arg5 : memref<32xf32, #tpu.memory_space<hbm>>) dst(%arg11 : memref<32xf32, #tpu.memory_space<vmem>>)
      tpu.yield
    }) : () -> ()
    "tpu.region"() ({
      %run_scoped3A = tpu.sem_alloc : memref<!tpu.dma_semaphore, #tpu.memory_space<semaphore_mem>>
      tpu.enqueue_dma source(%arg6 : memref<32xf32, #tpu.memory_space<hbm>>) target(%arg12 : memref<32xf32, #tpu.memory_space<vmem>>) target_semaphore(%run_scoped3A : memref<!tpu.dma_semaphore, #tpu.memory_space<semaphore_mem>>)
      tpu.wait_dma2 semaphore(%run_scoped3A : memref<!tpu.dma_semaphore, #tpu.memory_space<semaphore_mem>>) src(%arg6 : memref<32xf32, #tpu.memory_space<hbm>>) dst(%arg12 : memref<32xf32, #tpu.memory_space<vmem>>)
      tpu.yield
    }) : () -> ()
    %broadcast_in_dim3A = vector.broadcast %add3A : i32 to vector<16xi32>
    %gather3A = tpu.vector_load_idx %arg11[%broadcast_in_dim3A] : memref<32xf32, #tpu.memory_space<vmem>>[vector<16xi32>], vector<16xf32>,
    %gather3A_1 = tpu.vector_load_idx %arg12[%broadcast_in_dim3A] : memref<32xf32, #tpu.memory_space<vmem>>[vector<16xi32>], vector<16xf32>,
    %scan3A = arith.constant 0 : i32
    %scan3A_2 = arith.constant 0 : i32
    %scan3A_3 = arith.constant 7 : i32
    %scan3A_4 = arith.addi %scan3A_2, %scan3A_3 : i32
    %scan3A_5 = arith.constant 1 : i32
    scf.for %scan3A_13 = %scan3A_2 to %scan3A_4 step %scan3A_5  : i32 {
      %lt3A = arith.constant 7 : i32
      %lt3A_14 = arith.cmpi slt, %scan3A_13, %lt3A : i32
      %convert_element_type3A = arith.extui %lt3A_14 : i1 to i32
      %cond3A = arith.constant 0 : i32
      %cond3A_15 = arith.cmpi ne, %convert_element_type3A, %cond3A : i32
      scf.if %cond3A_15 {
        "tpu.region"() ({
          %run_scoped3A = tpu.sem_alloc : memref<!tpu.dma_semaphore, #tpu.memory_space<semaphore_mem>>
          %dma_start3A = arith.constant 0 : i32
          %dma_start3A_25 = tpu.memref_slice %arg2[%scan3A_13, %dma_start3A] : memref<7x16384xi32, #tpu.memory_space<hbm>> -> memref<1x16384xi32, #tpu.memory_space<hbm>>
          %dma_start3A_26 = tpu.memref_squeeze %dma_start3A_25 : memref<1x16384xi32, #tpu.memory_space<hbm>> -> memref<16384xi32, #tpu.memory_space<hbm>>
          %dma_start3A_27 = arith.constant 0 : i32
          %dma_start3A_28 = tpu.memref_slice %arg2[%scan3A_13, %dma_start3A_27] : memref<7x16384xi32, #tpu.memory_space<hbm>> -> memref<1x16384xi32, #tpu.memory_space<hbm>>
          %dma_start3A_29 = tpu.memref_squeeze %dma_start3A_28 : memref<1x16384xi32, #tpu.memory_space<hbm>> -> memref<16384xi32, #tpu.memory_space<hbm>>
          tpu.enqueue_dma source(%dma_start3A_29 : memref<16384xi32, #tpu.memory_space<hbm>>) target(%arg9 : memref<16384xi32, #tpu.memory_space<vmem>>) target_semaphore(%run_scoped3A : memref<!tpu.dma_semaphore, #tpu.memory_space<semaphore_mem>>)
          %dma_wait3A = arith.constant 0 : i32
          %dma_wait3A_30 = tpu.memref_slice %arg2[%scan3A_13, %dma_wait3A] : memref<7x16384xi32, #tpu.memory_space<hbm>> -> memref<1x16384xi32, #tpu.memory_space<hbm>>
          %dma_wait3A_31 = tpu.memref_squeeze %dma_wait3A_30 : memref<1x16384xi32, #tpu.memory_space<hbm>> -> memref<16384xi32, #tpu.memory_space<hbm>>
          %dma_wait3A_32 = arith.constant 0 : i32
          %dma_wait3A_33 = tpu.memref_slice %arg2[%scan3A_13, %dma_wait3A_32] : memref<7x16384xi32, #tpu.memory_space<hbm>> -> memref<1x16384xi32, #tpu.memory_space<hbm>>
          %dma_wait3A_34 = tpu.memref_squeeze %dma_wait3A_33 : memref<1x16384xi32, #tpu.memory_space<hbm>> -> memref<16384xi32, #tpu.memory_space<hbm>>
          tpu.wait_dma2 semaphore(%run_scoped3A : memref<!tpu.dma_semaphore, #tpu.memory_space<semaphore_mem>>) src(%dma_wait3A_34 : memref<16384xi32, #tpu.memory_space<hbm>>) dst(%arg9 : memref<16384xi32, #tpu.memory_space<vmem>>)
          tpu.yield
        }) : () -> ()
        "tpu.region"() ({
          %run_scoped3A = tpu.sem_alloc : memref<!tpu.dma_semaphore, #tpu.memory_space<semaphore_mem>>
          %dma_start3A = arith.constant 0 : i32
          %dma_start3A_25 = tpu.memref_slice %arg4[%scan3A_13, %add3A, %dma_start3A] : memref<7x32x100000xf32, #tpu.memory_space<hbm>> -> memref<1x1x100000xf32, #tpu.memory_space<hbm>>
          %dma_start3A_26 = tpu.memref_squeeze %dma_start3A_25 : memref<1x1x100000xf32, #tpu.memory_space<hbm>> -> memref<100000xf32, #tpu.memory_space<hbm>>
          %dma_start3A_27 = arith.constant 0 : i32
          %dma_start3A_28 = tpu.memref_slice %arg4[%scan3A_13, %add3A, %dma_start3A_27] : memref<7x32x100000xf32, #tpu.memory_space<hbm>> -> memref<1x1x100000xf32, #tpu.memory_space<hbm>>
          %dma_start3A_29 = tpu.memref_squeeze %dma_start3A_28 : memref<1x1x100000xf32, #tpu.memory_space<hbm>> -> memref<100000xf32, #tpu.memory_space<hbm>>
          tpu.enqueue_dma source(%dma_start3A_29 : memref<100000xf32, #tpu.memory_space<hbm>>) target(%arg8 : memref<100000xf32, #tpu.memory_space<vmem>>) target_semaphore(%run_scoped3A : memref<!tpu.dma_semaphore, #tpu.memory_space<semaphore_mem>>)
          %dma_wait3A = arith.constant 0 : i32
          %dma_wait3A_30 = tpu.memref_slice %arg4[%scan3A_13, %add3A, %dma_wait3A] : memref<7x32x100000xf32, #tpu.memory_space<hbm>> -> memref<1x1x100000xf32, #tpu.memory_space<hbm>>
          %dma_wait3A_31 = tpu.memref_squeeze %dma_wait3A_30 : memref<1x1x100000xf32, #tpu.memory_space<hbm>> -> memref<100000xf32, #tpu.memory_space<hbm>>
          %dma_wait3A_32 = arith.constant 0 : i32
          %dma_wait3A_33 = tpu.memref_slice %arg4[%scan3A_13, %add3A, %dma_wait3A_32] : memref<7x32x100000xf32, #tpu.memory_space<hbm>> -> memref<1x1x100000xf32, #tpu.memory_space<hbm>>
          %dma_wait3A_34 = tpu.memref_squeeze %dma_wait3A_33 : memref<1x1x100000xf32, #tpu.memory_space<hbm>> -> memref<100000xf32, #tpu.memory_space<hbm>>
          tpu.wait_dma2 semaphore(%run_scoped3A : memref<!tpu.dma_semaphore, #tpu.memory_space<semaphore_mem>>) src(%dma_wait3A_34 : memref<100000xf32, #tpu.memory_space<hbm>>) dst(%arg8 : memref<100000xf32, #tpu.memory_space<vmem>>)
          tpu.yield
        }) : () -> ()
      } else {
      }
      %not3A = arith.constant true
      %not3A_16 = arith.xori %lt3A_14, %not3A : i1
      %convert_element_type3A_17 = arith.extui %not3A_16 : i1 to i32
      %cond3A_18 = arith.constant 0 : i32
      %cond3A_19 = arith.cmpi ne, %convert_element_type3A_17, %cond3A_18 : i32
      scf.if %cond3A_19 {
        %sub3A = arith.constant 7 : i32
        %sub3A_25 = arith.subi %scan3A_13, %sub3A : i32
        "tpu.region"() ({
          %run_scoped3A = tpu.sem_alloc : memref<!tpu.dma_semaphore, #tpu.memory_space<semaphore_mem>>
          %dma_start3A = arith.constant 0 : i32
          %dma_start3A_26 = tpu.memref_slice %arg8[%dma_start3A] : memref<100000xf32, #tpu.memory_space<vmem>> -> memref<16384xf32, #tpu.memory_space<vmem>>
          %dma_start3A_27 = arith.constant 0 : i32
          %dma_start3A_28 = tpu.memref_slice %arg3[%sub3A_25, %dma_start3A_27] : memref<13x16384xf32, #tpu.memory_space<hbm>> -> memref<1x16384xf32, #tpu.memory_space<hbm>>
          %dma_start3A_29 = tpu.memref_squeeze %dma_start3A_28 : memref<1x16384xf32, #tpu.memory_space<hbm>> -> memref<16384xf32, #tpu.memory_space<hbm>>
          %dma_start3A_30 = arith.constant 0 : i32
          %dma_start3A_31 = tpu.memref_slice %arg8[%dma_start3A_30] : memref<100000xf32, #tpu.memory_space<vmem>> -> memref<16384xf32, #tpu.memory_space<vmem>>
          %dma_start3A_32 = arith.constant 0 : i32
          %dma_start3A_33 = tpu.memref_slice %arg3[%sub3A_25, %dma_start3A_32] : memref<13x16384xf32, #tpu.memory_space<hbm>> -> memref<1x16384xf32, #tpu.memory_space<hbm>>
          %dma_start3A_34 = tpu.memref_squeeze %dma_start3A_33 : memref<1x16384xf32, #tpu.memory_space<hbm>> -> memref<16384xf32, #tpu.memory_space<hbm>>
          tpu.enqueue_dma source(%dma_start3A_34 : memref<16384xf32, #tpu.memory_space<hbm>>) target(%dma_start3A_31 : memref<16384xf32, #tpu.memory_space<vmem>>) target_semaphore(%run_scoped3A : memref<!tpu.dma_semaphore, #tpu.memory_space<semaphore_mem>>)
          %dma_wait3A = arith.constant 0 : i32
          %dma_wait3A_35 = tpu.memref_slice %arg8[%dma_wait3A] : memref<100000xf32, #tpu.memory_space<vmem>> -> memref<16384xf32, #tpu.memory_space<vmem>>
          %dma_wait3A_36 = arith.constant 0 : i32
          %dma_wait3A_37 = tpu.memref_slice %arg3[%sub3A_25, %dma_wait3A_36] : memref<13x16384xf32, #tpu.memory_space<hbm>> -> memref<1x16384xf32, #tpu.memory_space<hbm>>
          %dma_wait3A_38 = tpu.memref_squeeze %dma_wait3A_37 : memref<1x16384xf32, #tpu.memory_space<hbm>> -> memref<16384xf32, #tpu.memory_space<hbm>>
          %dma_wait3A_39 = arith.constant 0 : i32
          %dma_wait3A_40 = tpu.memref_slice %arg8[%dma_wait3A_39] : memref<100000xf32, #tpu.memory_space<vmem>> -> memref<16384xf32, #tpu.memory_space<vmem>>
          %dma_wait3A_41 = arith.constant 0 : i32
          %dma_wait3A_42 = tpu.memref_slice %arg3[%sub3A_25, %dma_wait3A_41] : memref<13x16384xf32, #tpu.memory_space<hbm>> -> memref<1x16384xf32, #tpu.memory_space<hbm>>
          %dma_wait3A_43 = tpu.memref_squeeze %dma_wait3A_42 : memref<1x16384xf32, #tpu.memory_space<hbm>> -> memref<16384xf32, #tpu.memory_space<hbm>>
          tpu.wait_dma2 semaphore(%run_scoped3A : memref<!tpu.dma_semaphore, #tpu.memory_space<semaphore_mem>>) src(%dma_wait3A_43 : memref<16384xf32, #tpu.memory_space<hbm>>) dst(%dma_wait3A_40 : memref<16384xf32, #tpu.memory_space<vmem>>)
          tpu.yield
        }) : () -> ()
      } else {
      }
      %scan3A_20 = arith.constant 0 : i32
      %scan3A_21 = arith.constant 4 : i32
      %scan3A_22 = arith.addi %scan3A_20, %scan3A_21 : i32
      %scan3A_23 = arith.constant 1 : i32
      scf.for %scan3A_25 = %scan3A_20 to %scan3A_22 step %scan3A_23  : i32 {
        %jit3A = arith.constant 2 : i32
        %eq3A = arith.constant 0 : i32
        %eq3A_26 = arith.cmpi eq, %jit3A, %eq3A : i32
        %jit3A_27 = arith.constant 1 : i32
        %select_n3A = arith.select %eq3A_26, %jit3A_27, %jit3A : i32
        %rem3A = arith.remsi %scan3A_25, %select_n3A : i32
        %ne3A = arith.constant 0 : i32
        %ne3A_28 = arith.cmpi ne, %rem3A, %ne3A : i32
        %lt3A_29 = arith.constant 0 : i32
        %lt3A_30 = arith.cmpi slt, %rem3A, %lt3A_29 : i32
        %lt3A_31 = arith.constant 0 : i32
        %lt3A_32 = arith.cmpi slt, %select_n3A, %lt3A_31 : i32
        %ne3A_33 = arith.xori %lt3A_30, %lt3A_32 : i1
        %and3A = arith.andi %ne3A_33, %ne3A_28 : i1
        %add3A_34 = arith.addi %rem3A, %select_n3A : i32
        %select_n3A_35 = arith.select %and3A, %add3A_34, %rem3A : i32
        %mul3A_36 = arith.constant 4 : i32
        %mul3A_37 = arith.muli %scan3A_13, %mul3A_36 : i32
        %add3A_38 = arith.addi %mul3A_37, %scan3A_25 : i32
        %ge3A = arith.constant 2 : i32
        %ge3A_39 = arith.cmpi sge, %add3A_38, %ge3A : i32
        %convert_element_type3A_40 = arith.extui %ge3A_39 : i1 to i32
        %cond3A_41 = arith.constant 0 : i32
        %cond3A_42 = arith.cmpi ne, %convert_element_type3A_40, %cond3A_41 : i32
        scf.if %cond3A_42 {
          %dma_wait3A = arith.constant 0 : i32
          %dma_wait3A_62 = tpu.memref_slice %arg10[%select_n3A_35, %dma_wait3A] : memref<2x4096xf32, #tpu.memory_space<vmem>> -> memref<1x4096xf32, #tpu.memory_space<vmem>>
          %dma_wait3A_63 = tpu.memref_squeeze %dma_wait3A_62 : memref<1x4096xf32, #tpu.memory_space<vmem>> -> memref<4096xf32, #tpu.memory_space<vmem>>
          %dma_wait3A_64 = arith.constant 0 : i32
          %dma_wait3A_65 = tpu.memref_slice %arg7[%scan3A_13, %add3A, %dma_wait3A_64] : memref<7x32x16384xf32, #tpu.memory_space<hbm>> -> memref<1x1x4096xf32, #tpu.memory_space<hbm>>
          %dma_wait3A_66 = tpu.memref_squeeze %dma_wait3A_65 : memref<1x1x4096xf32, #tpu.memory_space<hbm>> -> memref<4096xf32, #tpu.memory_space<hbm>>
          %dma_wait3A_67 = arith.constant 0 : i32
          %dma_wait3A_68 = tpu.memref_slice %arg7[%scan3A_13, %add3A, %dma_wait3A_67] : memref<7x32x16384xf32, #tpu.memory_space<hbm>> -> memref<1x1x4096xf32, #tpu.memory_space<hbm>>
          %dma_wait3A_69 = tpu.memref_squeeze %dma_wait3A_68 : memref<1x1x4096xf32, #tpu.memory_space<hbm>> -> memref<4096xf32, #tpu.memory_space<hbm>>
          %dma_wait3A_70 = arith.constant 0 : i32
          %dma_wait3A_71 = tpu.memref_slice %arg10[%select_n3A_35, %dma_wait3A_70] : memref<2x4096xf32, #tpu.memory_space<vmem>> -> memref<1x4096xf32, #tpu.memory_space<vmem>>
          %dma_wait3A_72 = tpu.memref_squeeze %dma_wait3A_71 : memref<1x4096xf32, #tpu.memory_space<vmem>> -> memref<4096xf32, #tpu.memory_space<vmem>>
          tpu.wait_dma2 semaphore(%arg13 : memref<!tpu.dma_semaphore, #tpu.memory_space<semaphore_mem>>) src(%dma_wait3A_72 : memref<4096xf32, #tpu.memory_space<vmem>>) dst(%dma_wait3A_69 : memref<4096xf32, #tpu.memory_space<hbm>>)
        } else {
        }
        %convert_element_type3A_43 = arith.extui %lt3A_14 : i1 to i32
        %cond3A_44 = arith.constant 0 : i32
        %cond3A_45 = arith.cmpi ne, %convert_element_type3A_43, %cond3A_44 : i32
        scf.if %cond3A_45 {
          %scan3A_62 = arith.constant 0 : i32
          %scan3A_63 = arith.constant 0 : i32
          %scan3A_64 = arith.constant 32 : i32
          %scan3A_65 = arith.addi %scan3A_63, %scan3A_64 : i32
          %scan3A_66 = arith.constant 1 : i32
          scf.for %scan3A_68 = %scan3A_63 to %scan3A_65 step %scan3A_66  : i32 {
            %mul3A_69 = arith.constant 8 : i32
            %mul3A_70 = arith.muli %scan3A_68, %mul3A_69 : i32
            %add3A_71 = arith.constant 0 : i32
            %add3A_72 = arith.addi %mul3A_70, %add3A_71 : i32
            %mul3A_73 = arith.constant 4096 : i32
            %mul3A_74 = arith.muli %scan3A_25, %mul3A_73 : i32
            %mul3A_75 = arith.constant 16 : i32
            %mul3A_76 = arith.muli %add3A_72, %mul3A_75 : i32
            %add3A_77 = arith.addi %mul3A_74, %mul3A_76 : i32
            %get3A = arith.index_cast %add3A_77 : i32 to index
            %get3A_78 = tpu.vector_load %arg9[%get3A] {strides = array<i32>} : memref<16384xi32, #tpu.memory_space<vmem>>, vector<16xi32>,
            %gather3A_79 = tpu.vector_load_idx %arg8[%get3A_78] : memref<100000xf32, #tpu.memory_space<vmem>>[vector<16xi32>], vector<16xf32>,
            %mul3A_80 = arith.constant 16 : i32
            %mul3A_81 = arith.muli %add3A_72, %mul3A_80 : i32
            %swap3A = arith.constant 0 : i32
            %swap3A_82 = tpu.memref_slice %arg10[%select_n3A_35, %swap3A] : memref<2x4096xf32, #tpu.memory_space<vmem>> -> memref<1x4096xf32, #tpu.memory_space<vmem>>
            %swap3A_83 = tpu.memref_squeeze %swap3A_82 : memref<1x4096xf32, #tpu.memory_space<vmem>> -> memref<4096xf32, #tpu.memory_space<vmem>>
            %swap3A_84 = arith.index_cast %mul3A_81 : i32 to index
            %swap3A_85 = tpu.vector_load %swap3A_83[%swap3A_84] {strides = array<i32>} : memref<4096xf32, #tpu.memory_space<vmem>>, vector<16xf32>,
            tpu.vector_store %swap3A_83[%swap3A_84], %gather3A_79 {strides = array<i32>} : memref<4096xf32, #tpu.memory_space<vmem>>, vector<16xf32>,
            %mul3A_86 = arith.constant 8 : i32
            %mul3A_87 = arith.muli %scan3A_68, %mul3A_86 : i32
            %add3A_88 = arith.constant 1 : i32
            %add3A_89 = arith.addi %mul3A_87, %add3A_88 : i32
            %mul3A_90 = arith.constant 4096 : i32
            %mul3A_91 = arith.muli %scan3A_25, %mul3A_90 : i32
            %mul3A_92 = arith.constant 16 : i32
            %mul3A_93 = arith.muli %add3A_89, %mul3A_92 : i32
            %add3A_94 = arith.addi %mul3A_91, %mul3A_93 : i32
            %get3A_95 = arith.index_cast %add3A_94 : i32 to index
            %get3A_96 = tpu.vector_load %arg9[%get3A_95] {strides = array<i32>} : memref<16384xi32, #tpu.memory_space<vmem>>, vector<16xi32>,
            %gather3A_97 = tpu.vector_load_idx %arg8[%get3A_96] : memref<100000xf32, #tpu.memory_space<vmem>>[vector<16xi32>], vector<16xf32>,
            %mul3A_98 = arith.constant 16 : i32
            %mul3A_99 = arith.muli %add3A_89, %mul3A_98 : i32
            %swap3A_100 = arith.constant 0 : i32
            %swap3A_101 = tpu.memref_slice %arg10[%select_n3A_35, %swap3A_100] : memref<2x4096xf32, #tpu.memory_space<vmem>> -> memref<1x4096xf32, #tpu.memory_space<vmem>>
            %swap3A_102 = tpu.memref_squeeze %swap3A_101 : memref<1x4096xf32, #tpu.memory_space<vmem>> -> memref<4096xf32, #tpu.memory_space<vmem>>
            %swap3A_103 = arith.index_cast %mul3A_99 : i32 to index
            %swap3A_104 = tpu.vector_load %swap3A_102[%swap3A_103] {strides = array<i32>} : memref<4096xf32, #tpu.memory_space<vmem>>, vector<16xf32>,
            tpu.vector_store %swap3A_102[%swap3A_103], %gather3A_97 {strides = array<i32>} : memref<4096xf32, #tpu.memory_space<vmem>>, vector<16xf32>,
            %mul3A_105 = arith.constant 8 : i32
            %mul3A_106 = arith.muli %scan3A_68, %mul3A_105 : i32
            %add3A_107 = arith.constant 2 : i32
            %add3A_108 = arith.addi %mul3A_106, %add3A_107 : i32
            %mul3A_109 = arith.constant 4096 : i32
            %mul3A_110 = arith.muli %scan3A_25, %mul3A_109 : i32
            %mul3A_111 = arith.constant 16 : i32
            %mul3A_112 = arith.muli %add3A_108, %mul3A_111 : i32
            %add3A_113 = arith.addi %mul3A_110, %mul3A_112 : i32
            %get3A_114 = arith.index_cast %add3A_113 : i32 to index
            %get3A_115 = tpu.vector_load %arg9[%get3A_114] {strides = array<i32>} : memref<16384xi32, #tpu.memory_space<vmem>>, vector<16xi32>,
            %gather3A_116 = tpu.vector_load_idx %arg8[%get3A_115] : memref<100000xf32, #tpu.memory_space<vmem>>[vector<16xi32>], vector<16xf32>,
            %mul3A_117 = arith.constant 16 : i32
            %mul3A_118 = arith.muli %add3A_108, %mul3A_117 : i32
            %swap3A_119 = arith.constant 0 : i32
            %swap3A_120 = tpu.memref_slice %arg10[%select_n3A_35, %swap3A_119] : memref<2x4096xf32, #tpu.memory_space<vmem>> -> memref<1x4096xf32, #tpu.memory_space<vmem>>
            %swap3A_121 = tpu.memref_squeeze %swap3A_120 : memref<1x4096xf32, #tpu.memory_space<vmem>> -> memref<4096xf32, #tpu.memory_space<vmem>>
            %swap3A_122 = arith.index_cast %mul3A_118 : i32 to index
            %swap3A_123 = tpu.vector_load %swap3A_121[%swap3A_122] {strides = array<i32>} : memref<4096xf32, #tpu.memory_space<vmem>>, vector<16xf32>,
            tpu.vector_store %swap3A_121[%swap3A_122], %gather3A_116 {strides = array<i32>} : memref<4096xf32, #tpu.memory_space<vmem>>, vector<16xf32>,
            %mul3A_124 = arith.constant 8 : i32
            %mul3A_125 = arith.muli %scan3A_68, %mul3A_124 : i32
            %add3A_126 = arith.constant 3 : i32
            %add3A_127 = arith.addi %mul3A_125, %add3A_126 : i32
            %mul3A_128 = arith.constant 4096 : i32
            %mul3A_129 = arith.muli %scan3A_25, %mul3A_128 : i32
            %mul3A_130 = arith.constant 16 : i32
            %mul3A_131 = arith.muli %add3A_127, %mul3A_130 : i32
            %add3A_132 = arith.addi %mul3A_129, %mul3A_131 : i32
            %get3A_133 = arith.index_cast %add3A_132 : i32 to index
            %get3A_134 = tpu.vector_load %arg9[%get3A_133] {strides = array<i32>} : memref<16384xi32, #tpu.memory_space<vmem>>, vector<16xi32>,
            %gather3A_135 = tpu.vector_load_idx %arg8[%get3A_134] : memref<100000xf32, #tpu.memory_space<vmem>>[vector<16xi32>], vector<16xf32>,
            %mul3A_136 = arith.constant 16 : i32
            %mul3A_137 = arith.muli %add3A_127, %mul3A_136 : i32
            %swap3A_138 = arith.constant 0 : i32
            %swap3A_139 = tpu.memref_slice %arg10[%select_n3A_35, %swap3A_138] : memref<2x4096xf32, #tpu.memory_space<vmem>> -> memref<1x4096xf32, #tpu.memory_space<vmem>>
            %swap3A_140 = tpu.memref_squeeze %swap3A_139 : memref<1x4096xf32, #tpu.memory_space<vmem>> -> memref<4096xf32, #tpu.memory_space<vmem>>
            %swap3A_141 = arith.index_cast %mul3A_137 : i32 to index
            %swap3A_142 = tpu.vector_load %swap3A_140[%swap3A_141] {strides = array<i32>} : memref<4096xf32, #tpu.memory_space<vmem>>, vector<16xf32>,
            tpu.vector_store %swap3A_140[%swap3A_141], %gather3A_135 {strides = array<i32>} : memref<4096xf32, #tpu.memory_space<vmem>>, vector<16xf32>,
            %mul3A_143 = arith.constant 8 : i32
            %mul3A_144 = arith.muli %scan3A_68, %mul3A_143 : i32
            %add3A_145 = arith.constant 4 : i32
            %add3A_146 = arith.addi %mul3A_144, %add3A_145 : i32
            %mul3A_147 = arith.constant 4096 : i32
            %mul3A_148 = arith.muli %scan3A_25, %mul3A_147 : i32
            %mul3A_149 = arith.constant 16 : i32
            %mul3A_150 = arith.muli %add3A_146, %mul3A_149 : i32
            %add3A_151 = arith.addi %mul3A_148, %mul3A_150 : i32
            %get3A_152 = arith.index_cast %add3A_151 : i32 to index
            %get3A_153 = tpu.vector_load %arg9[%get3A_152] {strides = array<i32>} : memref<16384xi32, #tpu.memory_space<vmem>>, vector<16xi32>,
            %gather3A_154 = tpu.vector_load_idx %arg8[%get3A_153] : memref<100000xf32, #tpu.memory_space<vmem>>[vector<16xi32>], vector<16xf32>,
            %mul3A_155 = arith.constant 16 : i32
            %mul3A_156 = arith.muli %add3A_146, %mul3A_155 : i32
            %swap3A_157 = arith.constant 0 : i32
            %swap3A_158 = tpu.memref_slice %arg10[%select_n3A_35, %swap3A_157] : memref<2x4096xf32, #tpu.memory_space<vmem>> -> memref<1x4096xf32, #tpu.memory_space<vmem>>
            %swap3A_159 = tpu.memref_squeeze %swap3A_158 : memref<1x4096xf32, #tpu.memory_space<vmem>> -> memref<4096xf32, #tpu.memory_space<vmem>>
            %swap3A_160 = arith.index_cast %mul3A_156 : i32 to index
            %swap3A_161 = tpu.vector_load %swap3A_159[%swap3A_160] {strides = array<i32>} : memref<4096xf32, #tpu.memory_space<vmem>>, vector<16xf32>,
            tpu.vector_store %swap3A_159[%swap3A_160], %gather3A_154 {strides = array<i32>} : memref<4096xf32, #tpu.memory_space<vmem>>, vector<16xf32>,
            %mul3A_162 = arith.constant 8 : i32
            %mul3A_163 = arith.muli %scan3A_68, %mul3A_162 : i32
            %add3A_164 = arith.constant 5 : i32
            %add3A_165 = arith.addi %mul3A_163, %add3A_164 : i32
            %mul3A_166 = arith.constant 4096 : i32
            %mul3A_167 = arith.muli %scan3A_25, %mul3A_166 : i32
            %mul3A_168 = arith.constant 16 : i32
            %mul3A_169 = arith.muli %add3A_165, %mul3A_168 : i32
            %add3A_170 = arith.addi %mul3A_167, %mul3A_169 : i32
            %get3A_171 = arith.index_cast %add3A_170 : i32 to index
            %get3A_172 = tpu.vector_load %arg9[%get3A_171] {strides = array<i32>} : memref<16384xi32, #tpu.memory_space<vmem>>, vector<16xi32>,
            %gather3A_173 = tpu.vector_load_idx %arg8[%get3A_172] : memref<100000xf32, #tpu.memory_space<vmem>>[vector<16xi32>], vector<16xf32>,
            %mul3A_174 = arith.constant 16 : i32
            %mul3A_175 = arith.muli %add3A_165, %mul3A_174 : i32
            %swap3A_176 = arith.constant 0 : i32
            %swap3A_177 = tpu.memref_slice %arg10[%select_n3A_35, %swap3A_176] : memref<2x4096xf32, #tpu.memory_space<vmem>> -> memref<1x4096xf32, #tpu.memory_space<vmem>>
            %swap3A_178 = tpu.memref_squeeze %swap3A_177 : memref<1x4096xf32, #tpu.memory_space<vmem>> -> memref<4096xf32, #tpu.memory_space<vmem>>
            %swap3A_179 = arith.index_cast %mul3A_175 : i32 to index
            %swap3A_180 = tpu.vector_load %swap3A_178[%swap3A_179] {strides = array<i32>} : memref<4096xf32, #tpu.memory_space<vmem>>, vector<16xf32>,
            tpu.vector_store %swap3A_178[%swap3A_179], %gather3A_173 {strides = array<i32>} : memref<4096xf32, #tpu.memory_space<vmem>>, vector<16xf32>,
            %mul3A_181 = arith.constant 8 : i32
            %mul3A_182 = arith.muli %scan3A_68, %mul3A_181 : i32
            %add3A_183 = arith.constant 6 : i32
            %add3A_184 = arith.addi %mul3A_182, %add3A_183 : i32
            %mul3A_185 = arith.constant 4096 : i32
            %mul3A_186 = arith.muli %scan3A_25, %mul3A_185 : i32
            %mul3A_187 = arith.constant 16 : i32
            %mul3A_188 = arith.muli %add3A_184, %mul3A_187 : i32
            %add3A_189 = arith.addi %mul3A_186, %mul3A_188 : i32
            %get3A_190 = arith.index_cast %add3A_189 : i32 to index
            %get3A_191 = tpu.vector_load %arg9[%get3A_190] {strides = array<i32>} : memref<16384xi32, #tpu.memory_space<vmem>>, vector<16xi32>,
            %gather3A_192 = tpu.vector_load_idx %arg8[%get3A_191] : memref<100000xf32, #tpu.memory_space<vmem>>[vector<16xi32>], vector<16xf32>,
            %mul3A_193 = arith.constant 16 : i32
            %mul3A_194 = arith.muli %add3A_184, %mul3A_193 : i32
            %swap3A_195 = arith.constant 0 : i32
            %swap3A_196 = tpu.memref_slice %arg10[%select_n3A_35, %swap3A_195] : memref<2x4096xf32, #tpu.memory_space<vmem>> -> memref<1x4096xf32, #tpu.memory_space<vmem>>
            %swap3A_197 = tpu.memref_squeeze %swap3A_196 : memref<1x4096xf32, #tpu.memory_space<vmem>> -> memref<4096xf32, #tpu.memory_space<vmem>>
            %swap3A_198 = arith.index_cast %mul3A_194 : i32 to index
            %swap3A_199 = tpu.vector_load %swap3A_197[%swap3A_198] {strides = array<i32>} : memref<4096xf32, #tpu.memory_space<vmem>>, vector<16xf32>,
            tpu.vector_store %swap3A_197[%swap3A_198], %gather3A_192 {strides = array<i32>} : memref<4096xf32, #tpu.memory_space<vmem>>, vector<16xf32>,
            %mul3A_200 = arith.constant 8 : i32
            %mul3A_201 = arith.muli %scan3A_68, %mul3A_200 : i32
            %add3A_202 = arith.constant 7 : i32
            %add3A_203 = arith.addi %mul3A_201, %add3A_202 : i32
            %mul3A_204 = arith.constant 4096 : i32
            %mul3A_205 = arith.muli %scan3A_25, %mul3A_204 : i32
            %mul3A_206 = arith.constant 16 : i32
            %mul3A_207 = arith.muli %add3A_203, %mul3A_206 : i32
            %add3A_208 = arith.addi %mul3A_205, %mul3A_207 : i32
            %get3A_209 = arith.index_cast %add3A_208 : i32 to index
            %get3A_210 = tpu.vector_load %arg9[%get3A_209] {strides = array<i32>} : memref<16384xi32, #tpu.memory_space<vmem>>, vector<16xi32>,
            %gather3A_211 = tpu.vector_load_idx %arg8[%get3A_210] : memref<100000xf32, #tpu.memory_space<vmem>>[vector<16xi32>], vector<16xf32>,
            %mul3A_212 = arith.constant 16 : i32
            %mul3A_213 = arith.muli %add3A_203, %mul3A_212 : i32
            %swap3A_214 = arith.constant 0 : i32
            %swap3A_215 = tpu.memref_slice %arg10[%select_n3A_35, %swap3A_214] : memref<2x4096xf32, #tpu.memory_space<vmem>> -> memref<1x4096xf32, #tpu.memory_space<vmem>>
            %swap3A_216 = tpu.memref_squeeze %swap3A_215 : memref<1x4096xf32, #tpu.memory_space<vmem>> -> memref<4096xf32, #tpu.memory_space<vmem>>
            %swap3A_217 = arith.index_cast %mul3A_213 : i32 to index
            %swap3A_218 = tpu.vector_load %swap3A_216[%swap3A_217] {strides = array<i32>} : memref<4096xf32, #tpu.memory_space<vmem>>, vector<16xf32>,
            tpu.vector_store %swap3A_216[%swap3A_217], %gather3A_211 {strides = array<i32>} : memref<4096xf32, #tpu.memory_space<vmem>>, vector<16xf32>,
          }
          %scan3A_67 = arith.constant 32 : i32
        } else {
        }
        %not3A_46 = arith.constant true
        %not3A_47 = arith.xori %lt3A_14, %not3A_46 : i1
        %convert_element_type3A_48 = arith.extui %not3A_47 : i1 to i32
        %cond3A_49 = arith.constant 0 : i32
        %cond3A_50 = arith.cmpi ne, %convert_element_type3A_48, %cond3A_49 : i32
        scf.if %cond3A_50 {
          %scan3A_62 = arith.constant 0 : i32
          %scan3A_63 = arith.constant 0 : i32
          %scan3A_64 = arith.constant 32 : i32
          %scan3A_65 = arith.addi %scan3A_63, %scan3A_64 : i32
          %scan3A_66 = arith.constant 1 : i32
          scf.for %scan3A_68 = %scan3A_63 to %scan3A_65 step %scan3A_66  : i32 {
            %mul3A_69 = arith.constant 8 : i32
            %mul3A_70 = arith.muli %scan3A_68, %mul3A_69 : i32
            %add3A_71 = arith.constant 0 : i32
            %add3A_72 = arith.addi %mul3A_70, %add3A_71 : i32
            %mul3A_73 = arith.constant 4096 : i32
            %mul3A_74 = arith.muli %scan3A_25, %mul3A_73 : i32
            %mul3A_75 = arith.constant 16 : i32
            %mul3A_76 = arith.muli %add3A_72, %mul3A_75 : i32
            %add3A_77 = arith.addi %mul3A_74, %mul3A_76 : i32
            %get3A = arith.index_cast %add3A_77 : i32 to index
            %get3A_78 = tpu.vector_load %arg8[%get3A] {strides = array<i32>} : memref<100000xf32, #tpu.memory_space<vmem>>, vector<16xf32>,
            %mul3A_79 = arith.mulf %get3A_78, %gather3A : vector<16xf32>
            %add3A_80 = arith.addf %mul3A_79, %gather3A_1 : vector<16xf32>
            %mul3A_81 = arith.constant 16 : i32
            %mul3A_82 = arith.muli %add3A_72, %mul3A_81 : i32
            %swap3A = arith.constant 0 : i32
            %swap3A_83 = tpu.memref_slice %arg10[%select_n3A_35, %swap3A] : memref<2x4096xf32, #tpu.memory_space<vmem>> -> memref<1x4096xf32, #tpu.memory_space<vmem>>
            %swap3A_84 = tpu.memref_squeeze %swap3A_83 : memref<1x4096xf32, #tpu.memory_space<vmem>> -> memref<4096xf32, #tpu.memory_space<vmem>>
            %swap3A_85 = arith.index_cast %mul3A_82 : i32 to index
            %swap3A_86 = tpu.vector_load %swap3A_84[%swap3A_85] {strides = array<i32>} : memref<4096xf32, #tpu.memory_space<vmem>>, vector<16xf32>,
            tpu.vector_store %swap3A_84[%swap3A_85], %add3A_80 {strides = array<i32>} : memref<4096xf32, #tpu.memory_space<vmem>>, vector<16xf32>,
            %mul3A_87 = arith.constant 8 : i32
            %mul3A_88 = arith.muli %scan3A_68, %mul3A_87 : i32
            %add3A_89 = arith.constant 1 : i32
            %add3A_90 = arith.addi %mul3A_88, %add3A_89 : i32
            %mul3A_91 = arith.constant 4096 : i32
            %mul3A_92 = arith.muli %scan3A_25, %mul3A_91 : i32
            %mul3A_93 = arith.constant 16 : i32
            %mul3A_94 = arith.muli %add3A_90, %mul3A_93 : i32
            %add3A_95 = arith.addi %mul3A_92, %mul3A_94 : i32
            %get3A_96 = arith.index_cast %add3A_95 : i32 to index
            %get3A_97 = tpu.vector_load %arg8[%get3A_96] {strides = array<i32>} : memref<100000xf32, #tpu.memory_space<vmem>>, vector<16xf32>,
            %mul3A_98 = arith.mulf %get3A_97, %gather3A : vector<16xf32>
            %add3A_99 = arith.addf %mul3A_98, %gather3A_1 : vector<16xf32>
            %mul3A_100 = arith.constant 16 : i32
            %mul3A_101 = arith.muli %add3A_90, %mul3A_100 : i32
            %swap3A_102 = arith.constant 0 : i32
            %swap3A_103 = tpu.memref_slice %arg10[%select_n3A_35, %swap3A_102] : memref<2x4096xf32, #tpu.memory_space<vmem>> -> memref<1x4096xf32, #tpu.memory_space<vmem>>
            %swap3A_104 = tpu.memref_squeeze %swap3A_103 : memref<1x4096xf32, #tpu.memory_space<vmem>> -> memref<4096xf32, #tpu.memory_space<vmem>>
            %swap3A_105 = arith.index_cast %mul3A_101 : i32 to index
            %swap3A_106 = tpu.vector_load %swap3A_104[%swap3A_105] {strides = array<i32>} : memref<4096xf32, #tpu.memory_space<vmem>>, vector<16xf32>,
            tpu.vector_store %swap3A_104[%swap3A_105], %add3A_99 {strides = array<i32>} : memref<4096xf32, #tpu.memory_space<vmem>>, vector<16xf32>,
            %mul3A_107 = arith.constant 8 : i32
            %mul3A_108 = arith.muli %scan3A_68, %mul3A_107 : i32
            %add3A_109 = arith.constant 2 : i32
            %add3A_110 = arith.addi %mul3A_108, %add3A_109 : i32
            %mul3A_111 = arith.constant 4096 : i32
            %mul3A_112 = arith.muli %scan3A_25, %mul3A_111 : i32
            %mul3A_113 = arith.constant 16 : i32
            %mul3A_114 = arith.muli %add3A_110, %mul3A_113 : i32
            %add3A_115 = arith.addi %mul3A_112, %mul3A_114 : i32
            %get3A_116 = arith.index_cast %add3A_115 : i32 to index
            %get3A_117 = tpu.vector_load %arg8[%get3A_116] {strides = array<i32>} : memref<100000xf32, #tpu.memory_space<vmem>>, vector<16xf32>,
            %mul3A_118 = arith.mulf %get3A_117, %gather3A : vector<16xf32>
            %add3A_119 = arith.addf %mul3A_118, %gather3A_1 : vector<16xf32>
            %mul3A_120 = arith.constant 16 : i32
            %mul3A_121 = arith.muli %add3A_110, %mul3A_120 : i32
            %swap3A_122 = arith.constant 0 : i32
            %swap3A_123 = tpu.memref_slice %arg10[%select_n3A_35, %swap3A_122] : memref<2x4096xf32, #tpu.memory_space<vmem>> -> memref<1x4096xf32, #tpu.memory_space<vmem>>
            %swap3A_124 = tpu.memref_squeeze %swap3A_123 : memref<1x4096xf32, #tpu.memory_space<vmem>> -> memref<4096xf32, #tpu.memory_space<vmem>>
            %swap3A_125 = arith.index_cast %mul3A_121 : i32 to index
            %swap3A_126 = tpu.vector_load %swap3A_124[%swap3A_125] {strides = array<i32>} : memref<4096xf32, #tpu.memory_space<vmem>>, vector<16xf32>,
            tpu.vector_store %swap3A_124[%swap3A_125], %add3A_119 {strides = array<i32>} : memref<4096xf32, #tpu.memory_space<vmem>>, vector<16xf32>,
            %mul3A_127 = arith.constant 8 : i32
            %mul3A_128 = arith.muli %scan3A_68, %mul3A_127 : i32
            %add3A_129 = arith.constant 3 : i32
            %add3A_130 = arith.addi %mul3A_128, %add3A_129 : i32
            %mul3A_131 = arith.constant 4096 : i32
            %mul3A_132 = arith.muli %scan3A_25, %mul3A_131 : i32
            %mul3A_133 = arith.constant 16 : i32
            %mul3A_134 = arith.muli %add3A_130, %mul3A_133 : i32
            %add3A_135 = arith.addi %mul3A_132, %mul3A_134 : i32
            %get3A_136 = arith.index_cast %add3A_135 : i32 to index
            %get3A_137 = tpu.vector_load %arg8[%get3A_136] {strides = array<i32>} : memref<100000xf32, #tpu.memory_space<vmem>>, vector<16xf32>,
            %mul3A_138 = arith.mulf %get3A_137, %gather3A : vector<16xf32>
            %add3A_139 = arith.addf %mul3A_138, %gather3A_1 : vector<16xf32>
            %mul3A_140 = arith.constant 16 : i32
            %mul3A_141 = arith.muli %add3A_130, %mul3A_140 : i32
            %swap3A_142 = arith.constant 0 : i32
            %swap3A_143 = tpu.memref_slice %arg10[%select_n3A_35, %swap3A_142] : memref<2x4096xf32, #tpu.memory_space<vmem>> -> memref<1x4096xf32, #tpu.memory_space<vmem>>
            %swap3A_144 = tpu.memref_squeeze %swap3A_143 : memref<1x4096xf32, #tpu.memory_space<vmem>> -> memref<4096xf32, #tpu.memory_space<vmem>>
            %swap3A_145 = arith.index_cast %mul3A_141 : i32 to index
            %swap3A_146 = tpu.vector_load %swap3A_144[%swap3A_145] {strides = array<i32>} : memref<4096xf32, #tpu.memory_space<vmem>>, vector<16xf32>,
            tpu.vector_store %swap3A_144[%swap3A_145], %add3A_139 {strides = array<i32>} : memref<4096xf32, #tpu.memory_space<vmem>>, vector<16xf32>,
            %mul3A_147 = arith.constant 8 : i32
            %mul3A_148 = arith.muli %scan3A_68, %mul3A_147 : i32
            %add3A_149 = arith.constant 4 : i32
            %add3A_150 = arith.addi %mul3A_148, %add3A_149 : i32
            %mul3A_151 = arith.constant 4096 : i32
            %mul3A_152 = arith.muli %scan3A_25, %mul3A_151 : i32
            %mul3A_153 = arith.constant 16 : i32
            %mul3A_154 = arith.muli %add3A_150, %mul3A_153 : i32
            %add3A_155 = arith.addi %mul3A_152, %mul3A_154 : i32
            %get3A_156 = arith.index_cast %add3A_155 : i32 to index
            %get3A_157 = tpu.vector_load %arg8[%get3A_156] {strides = array<i32>} : memref<100000xf32, #tpu.memory_space<vmem>>, vector<16xf32>,
            %mul3A_158 = arith.mulf %get3A_157, %gather3A : vector<16xf32>
            %add3A_159 = arith.addf %mul3A_158, %gather3A_1 : vector<16xf32>
            %mul3A_160 = arith.constant 16 : i32
            %mul3A_161 = arith.muli %add3A_150, %mul3A_160 : i32
            %swap3A_162 = arith.constant 0 : i32
            %swap3A_163 = tpu.memref_slice %arg10[%select_n3A_35, %swap3A_162] : memref<2x4096xf32, #tpu.memory_space<vmem>> -> memref<1x4096xf32, #tpu.memory_space<vmem>>
            %swap3A_164 = tpu.memref_squeeze %swap3A_163 : memref<1x4096xf32, #tpu.memory_space<vmem>> -> memref<4096xf32, #tpu.memory_space<vmem>>
            %swap3A_165 = arith.index_cast %mul3A_161 : i32 to index
            %swap3A_166 = tpu.vector_load %swap3A_164[%swap3A_165] {strides = array<i32>} : memref<4096xf32, #tpu.memory_space<vmem>>, vector<16xf32>,
            tpu.vector_store %swap3A_164[%swap3A_165], %add3A_159 {strides = array<i32>} : memref<4096xf32, #tpu.memory_space<vmem>>, vector<16xf32>,
            %mul3A_167 = arith.constant 8 : i32
            %mul3A_168 = arith.muli %scan3A_68, %mul3A_167 : i32
            %add3A_169 = arith.constant 5 : i32
            %add3A_170 = arith.addi %mul3A_168, %add3A_169 : i32
            %mul3A_171 = arith.constant 4096 : i32
            %mul3A_172 = arith.muli %scan3A_25, %mul3A_171 : i32
            %mul3A_173 = arith.constant 16 : i32
            %mul3A_174 = arith.muli %add3A_170, %mul3A_173 : i32
            %add3A_175 = arith.addi %mul3A_172, %mul3A_174 : i32
            %get3A_176 = arith.index_cast %add3A_175 : i32 to index
            %get3A_177 = tpu.vector_load %arg8[%get3A_176] {strides = array<i32>} : memref<100000xf32, #tpu.memory_space<vmem>>, vector<16xf32>,
            %mul3A_178 = arith.mulf %get3A_177, %gather3A : vector<16xf32>
            %add3A_179 = arith.addf %mul3A_178, %gather3A_1 : vector<16xf32>
            %mul3A_180 = arith.constant 16 : i32
            %mul3A_181 = arith.muli %add3A_170, %mul3A_180 : i32
            %swap3A_182 = arith.constant 0 : i32
            %swap3A_183 = tpu.memref_slice %arg10[%select_n3A_35, %swap3A_182] : memref<2x4096xf32, #tpu.memory_space<vmem>> -> memref<1x4096xf32, #tpu.memory_space<vmem>>
            %swap3A_184 = tpu.memref_squeeze %swap3A_183 : memref<1x4096xf32, #tpu.memory_space<vmem>> -> memref<4096xf32, #tpu.memory_space<vmem>>
            %swap3A_185 = arith.index_cast %mul3A_181 : i32 to index
            %swap3A_186 = tpu.vector_load %swap3A_184[%swap3A_185] {strides = array<i32>} : memref<4096xf32, #tpu.memory_space<vmem>>, vector<16xf32>,
            tpu.vector_store %swap3A_184[%swap3A_185], %add3A_179 {strides = array<i32>} : memref<4096xf32, #tpu.memory_space<vmem>>, vector<16xf32>,
            %mul3A_187 = arith.constant 8 : i32
            %mul3A_188 = arith.muli %scan3A_68, %mul3A_187 : i32
            %add3A_189 = arith.constant 6 : i32
            %add3A_190 = arith.addi %mul3A_188, %add3A_189 : i32
            %mul3A_191 = arith.constant 4096 : i32
            %mul3A_192 = arith.muli %scan3A_25, %mul3A_191 : i32
            %mul3A_193 = arith.constant 16 : i32
            %mul3A_194 = arith.muli %add3A_190, %mul3A_193 : i32
            %add3A_195 = arith.addi %mul3A_192, %mul3A_194 : i32
            %get3A_196 = arith.index_cast %add3A_195 : i32 to index
            %get3A_197 = tpu.vector_load %arg8[%get3A_196] {strides = array<i32>} : memref<100000xf32, #tpu.memory_space<vmem>>, vector<16xf32>,
            %mul3A_198 = arith.mulf %get3A_197, %gather3A : vector<16xf32>
            %add3A_199 = arith.addf %mul3A_198, %gather3A_1 : vector<16xf32>
            %mul3A_200 = arith.constant 16 : i32
            %mul3A_201 = arith.muli %add3A_190, %mul3A_200 : i32
            %swap3A_202 = arith.constant 0 : i32
            %swap3A_203 = tpu.memref_slice %arg10[%select_n3A_35, %swap3A_202] : memref<2x4096xf32, #tpu.memory_space<vmem>> -> memref<1x4096xf32, #tpu.memory_space<vmem>>
            %swap3A_204 = tpu.memref_squeeze %swap3A_203 : memref<1x4096xf32, #tpu.memory_space<vmem>> -> memref<4096xf32, #tpu.memory_space<vmem>>
            %swap3A_205 = arith.index_cast %mul3A_201 : i32 to index
            %swap3A_206 = tpu.vector_load %swap3A_204[%swap3A_205] {strides = array<i32>} : memref<4096xf32, #tpu.memory_space<vmem>>, vector<16xf32>,
            tpu.vector_store %swap3A_204[%swap3A_205], %add3A_199 {strides = array<i32>} : memref<4096xf32, #tpu.memory_space<vmem>>, vector<16xf32>,
            %mul3A_207 = arith.constant 8 : i32
            %mul3A_208 = arith.muli %scan3A_68, %mul3A_207 : i32
            %add3A_209 = arith.constant 7 : i32
            %add3A_210 = arith.addi %mul3A_208, %add3A_209 : i32
            %mul3A_211 = arith.constant 4096 : i32
            %mul3A_212 = arith.muli %scan3A_25, %mul3A_211 : i32
            %mul3A_213 = arith.constant 16 : i32
            %mul3A_214 = arith.muli %add3A_210, %mul3A_213 : i32
            %add3A_215 = arith.addi %mul3A_212, %mul3A_214 : i32
            %get3A_216 = arith.index_cast %add3A_215 : i32 to index
            %get3A_217 = tpu.vector_load %arg8[%get3A_216] {strides = array<i32>} : memref<100000xf32, #tpu.memory_space<vmem>>, vector<16xf32>,
            %mul3A_218 = arith.mulf %get3A_217, %gather3A : vector<16xf32>
            %add3A_219 = arith.addf %mul3A_218, %gather3A_1 : vector<16xf32>
            %mul3A_220 = arith.constant 16 : i32
            %mul3A_221 = arith.muli %add3A_210, %mul3A_220 : i32
            %swap3A_222 = arith.constant 0 : i32
            %swap3A_223 = tpu.memref_slice %arg10[%select_n3A_35, %swap3A_222] : memref<2x4096xf32, #tpu.memory_space<vmem>> -> memref<1x4096xf32, #tpu.memory_space<vmem>>
            %swap3A_224 = tpu.memref_squeeze %swap3A_223 : memref<1x4096xf32, #tpu.memory_space<vmem>> -> memref<4096xf32, #tpu.memory_space<vmem>>
            %swap3A_225 = arith.index_cast %mul3A_221 : i32 to index
            %swap3A_226 = tpu.vector_load %swap3A_224[%swap3A_225] {strides = array<i32>} : memref<4096xf32, #tpu.memory_space<vmem>>, vector<16xf32>,
            tpu.vector_store %swap3A_224[%swap3A_225], %add3A_219 {strides = array<i32>} : memref<4096xf32, #tpu.memory_space<vmem>>, vector<16xf32>,
          }
          %scan3A_67 = arith.constant 32 : i32
        } else {
        }
        %mul3A_51 = arith.constant 4096 : i32
        %mul3A_52 = arith.muli %scan3A_25, %mul3A_51 : i32
        %dma_start3A = arith.constant 0 : i32
        %dma_start3A_53 = tpu.memref_slice %arg10[%select_n3A_35, %dma_start3A] : memref<2x4096xf32, #tpu.memory_space<vmem>> -> memref<1x4096xf32, #tpu.memory_space<vmem>>
        %dma_start3A_54 = tpu.memref_squeeze %dma_start3A_53 : memref<1x4096xf32, #tpu.memory_space<vmem>> -> memref<4096xf32, #tpu.memory_space<vmem>>
        %dma_start3A_55 = tpu.memref_slice %arg7[%scan3A_13, %add3A, %mul3A_52] : memref<7x32x16384xf32, #tpu.memory_space<hbm>> -> memref<1x1x4096xf32, #tpu.memory_space<hbm>>
        %dma_start3A_56 = tpu.memref_squeeze %dma_start3A_55 : memref<1x1x4096xf32, #tpu.memory_space<hbm>> -> memref<4096xf32, #tpu.memory_space<hbm>>
        %dma_start3A_57 = tpu.memref_slice %arg7[%scan3A_13, %add3A, %mul3A_52] : memref<7x32x16384xf32, #tpu.memory_space<hbm>> -> memref<1x1x4096xf32, #tpu.memory_space<hbm>>
        %dma_start3A_58 = tpu.memref_squeeze %dma_start3A_57 : memref<1x1x4096xf32, #tpu.memory_space<hbm>> -> memref<4096xf32, #tpu.memory_space<hbm>>
        %dma_start3A_59 = arith.constant 0 : i32
        %dma_start3A_60 = tpu.memref_slice %arg10[%select_n3A_35, %dma_start3A_59] : memref<2x4096xf32, #tpu.memory_space<vmem>> -> memref<1x4096xf32, #tpu.memory_space<vmem>>
        %dma_start3A_61 = tpu.memref_squeeze %dma_start3A_60 : memref<1x4096xf32, #tpu.memory_space<vmem>> -> memref<4096xf32, #tpu.memory_space<vmem>>
        tpu.enqueue_dma source(%dma_start3A_61 : memref<4096xf32, #tpu.memory_space<vmem>>) target(%dma_start3A_58 : memref<4096xf32, #tpu.memory_space<hbm>>) target_semaphore(%arg13 : memref<!tpu.dma_semaphore, #tpu.memory_space<semaphore_mem>>)
      }
      %scan3A_24 = arith.constant 4 : i32
    }
    %scan3A_6 = arith.constant 7 : i32
    %scan3A_7 = arith.constant 0 : i32
    %scan3A_8 = arith.constant 0 : i32
    %scan3A_9 = arith.constant 2 : i32
    %scan3A_10 = arith.addi %scan3A_8, %scan3A_9 : i32
    %scan3A_11 = arith.constant 1 : i32
    scf.for %scan3A_13 = %scan3A_8 to %scan3A_10 step %scan3A_11  : i32 {
      %dma_wait3A = arith.constant 6 : i32
      %dma_wait3A_14 = arith.constant 0 : i32
      %dma_wait3A_15 = tpu.memref_slice %arg10[%scan3A_13, %dma_wait3A_14] : memref<2x4096xf32, #tpu.memory_space<vmem>> -> memref<1x4096xf32, #tpu.memory_space<vmem>>
      %dma_wait3A_16 = tpu.memref_squeeze %dma_wait3A_15 : memref<1x4096xf32, #tpu.memory_space<vmem>> -> memref<4096xf32, #tpu.memory_space<vmem>>
      %dma_wait3A_17 = arith.constant 0 : i32
      %dma_wait3A_18 = tpu.memref_slice %arg7[%dma_wait3A, %add3A, %dma_wait3A_17] : memref<7x32x16384xf32, #tpu.memory_space<hbm>> -> memref<1x1x4096xf32, #tpu.memory_space<hbm>>
      %dma_wait3A_19 = tpu.memref_squeeze %dma_wait3A_18 : memref<1x1x4096xf32, #tpu.memory_space<hbm>> -> memref<4096xf32, #tpu.memory_space<hbm>>
      %dma_wait3A_20 = arith.constant 0 : i32
      %dma_wait3A_21 = tpu.memref_slice %arg7[%dma_wait3A, %add3A, %dma_wait3A_20] : memref<7x32x16384xf32, #tpu.memory_space<hbm>> -> memref<1x1x4096xf32, #tpu.memory_space<hbm>>
      %dma_wait3A_22 = tpu.memref_squeeze %dma_wait3A_21 : memref<1x1x4096xf32, #tpu.memory_space<hbm>> -> memref<4096xf32, #tpu.memory_space<hbm>>
      %dma_wait3A_23 = arith.constant 0 : i32
      %dma_wait3A_24 = tpu.memref_slice %arg10[%scan3A_13, %dma_wait3A_23] : memref<2x4096xf32, #tpu.memory_space<vmem>> -> memref<1x4096xf32, #tpu.memory_space<vmem>>
      %dma_wait3A_25 = tpu.memref_squeeze %dma_wait3A_24 : memref<1x4096xf32, #tpu.memory_space<vmem>> -> memref<4096xf32, #tpu.memory_space<vmem>>
      tpu.wait_dma2 semaphore(%arg13 : memref<!tpu.dma_semaphore, #tpu.memory_space<semaphore_mem>>) src(%dma_wait3A_25 : memref<4096xf32, #tpu.memory_space<vmem>>) dst(%dma_wait3A_22 : memref<4096xf32, #tpu.memory_space<hbm>>)
    }
    %scan3A_12 = arith.constant 2 : i32
    return
  }
}

#map = affine_map<(d0, d1) -> (0, 0)>
#map1 = affine_map<(d0, d1) -> (0, 0, 0)>
#map2 = affine_map<(d0, d1) -> (0)>
module attributes {stable_mosaic.version = 14 : i64} {
  func.func @body(%arg0: i32, %arg1: i32, %arg2: memref<8x16384xi32, #tpu.memory_space<hbm>>, %arg3: memref<13x16384xf32, #tpu.memory_space<hbm>>, %arg4: memref<8x32x100000xf32, #tpu.memory_space<hbm>>, %arg5: memref<32xf32, #tpu.memory_space<hbm>>, %arg6: memref<32xf32, #tpu.memory_space<hbm>>, %arg7: memref<21x32x16384xf32, #tpu.memory_space<hbm>>, %arg8: memref<100000xf32, #tpu.memory_space<vmem>>, %arg9: memref<16384xi32, #tpu.memory_space<vmem>>, %arg10: memref<2x4096xf32, #tpu.memory_space<vmem>>, %arg11: memref<32xf32, #tpu.memory_space<vmem>>, %arg12: memref<32xf32, #tpu.memory_space<vmem>>, %arg13: memref<!tpu.dma_semaphore, #tpu.memory_space<semaphore_mem>>) attributes {dimension_semantics = [#tpu.dimension_semantics<core_parallel>, #tpu.dimension_semantics<subcore_parallel>], iteration_bounds = array<i64: 2, 16>, scalar_prefetch = 0 : i64, scratch_operands = 6 : i64, tpu.core_type = #tpu.core_type<sc_vector_subcore>, window_params = [{transform_indices = #map}, {transform_indices = #map}, {transform_indices = #map1}, {transform_indices = #map2}, {transform_indices = #map2}, {transform_indices = #map1}]} {
    %mul3A = arith.constant 2 : i32
    %mul3A_0 = arith.muli %arg1, %mul3A : i32
    %add3A = arith.addi %mul3A_0, %arg0 : i32
    "tpu.region"() ({
      %run_scoped3A = tpu.sem_alloc : memref<!tpu.dma_semaphore, #tpu.memory_space<semaphore_mem>>
      tpu.enqueue_dma source(%arg5 : memref<32xf32, #tpu.memory_space<hbm>>) target(%arg11 : memref<32xf32, #tpu.memory_space<vmem>>) target_semaphore(%run_scoped3A : memref<!tpu.dma_semaphore, #tpu.memory_space<semaphore_mem>>)
      tpu.wait_dma2 semaphore(%run_scoped3A : memref<!tpu.dma_semaphore, #tpu.memory_space<semaphore_mem>>) src(%arg5 : memref<32xf32, #tpu.memory_space<hbm>>) dst(%arg11 : memref<32xf32, #tpu.memory_space<vmem>>)
      tpu.yield
    }) : () -> ()
    "tpu.region"() ({
      %run_scoped3A = tpu.sem_alloc : memref<!tpu.dma_semaphore, #tpu.memory_space<semaphore_mem>>
      tpu.enqueue_dma source(%arg6 : memref<32xf32, #tpu.memory_space<hbm>>) target(%arg12 : memref<32xf32, #tpu.memory_space<vmem>>) target_semaphore(%run_scoped3A : memref<!tpu.dma_semaphore, #tpu.memory_space<semaphore_mem>>)
      tpu.wait_dma2 semaphore(%run_scoped3A : memref<!tpu.dma_semaphore, #tpu.memory_space<semaphore_mem>>) src(%arg6 : memref<32xf32, #tpu.memory_space<hbm>>) dst(%arg12 : memref<32xf32, #tpu.memory_space<vmem>>)
      tpu.yield
    }) : () -> ()
    %broadcast_in_dim3A = vector.broadcast %add3A : i32 to vector<16xi32>
    %gather3A = tpu.vector_load_idx %arg11[%broadcast_in_dim3A] : memref<32xf32, #tpu.memory_space<vmem>>[vector<16xi32>], vector<16xf32>,
    %gather3A_1 = tpu.vector_load_idx %arg12[%broadcast_in_dim3A] : memref<32xf32, #tpu.memory_space<vmem>>[vector<16xi32>], vector<16xf32>,
    %scan3A = arith.constant 0 : i32
    %scan3A_2 = arith.constant 0 : i32
    %scan3A_3 = arith.constant 21 : i32
    %scan3A_4 = arith.addi %scan3A_2, %scan3A_3 : i32
    %scan3A_5 = arith.constant 1 : i32
    scf.for %scan3A_13 = %scan3A_2 to %scan3A_4 step %scan3A_5  : i32 {
      %lt3A = arith.constant 8 : i32
      %lt3A_14 = arith.cmpi slt, %scan3A_13, %lt3A : i32
      %convert_element_type3A = arith.extui %lt3A_14 : i1 to i32
      %cond3A = arith.constant 0 : i32
      %cond3A_15 = arith.cmpi ne, %convert_element_type3A, %cond3A : i32
      scf.if %cond3A_15 {
        "tpu.region"() ({
          %run_scoped3A = tpu.sem_alloc : memref<!tpu.dma_semaphore, #tpu.memory_space<semaphore_mem>>
          %dma_start3A = arith.constant 0 : i32
          %dma_start3A_25 = tpu.memref_slice %arg2[%scan3A_13, %dma_start3A] : memref<8x16384xi32, #tpu.memory_space<hbm>> -> memref<1x16384xi32, #tpu.memory_space<hbm>>
          %dma_start3A_26 = tpu.memref_squeeze %dma_start3A_25 : memref<1x16384xi32, #tpu.memory_space<hbm>> -> memref<16384xi32, #tpu.memory_space<hbm>>
          %dma_start3A_27 = arith.constant 0 : i32
          %dma_start3A_28 = tpu.memref_slice %arg2[%scan3A_13, %dma_start3A_27] : memref<8x16384xi32, #tpu.memory_space<hbm>> -> memref<1x16384xi32, #tpu.memory_space<hbm>>
          %dma_start3A_29 = tpu.memref_squeeze %dma_start3A_28 : memref<1x16384xi32, #tpu.memory_space<hbm>> -> memref<16384xi32, #tpu.memory_space<hbm>>
          tpu.enqueue_dma source(%dma_start3A_29 : memref<16384xi32, #tpu.memory_space<hbm>>) target(%arg9 : memref<16384xi32, #tpu.memory_space<vmem>>) target_semaphore(%run_scoped3A : memref<!tpu.dma_semaphore, #tpu.memory_space<semaphore_mem>>)
          %dma_wait3A = arith.constant 0 : i32
          %dma_wait3A_30 = tpu.memref_slice %arg2[%scan3A_13, %dma_wait3A] : memref<8x16384xi32, #tpu.memory_space<hbm>> -> memref<1x16384xi32, #tpu.memory_space<hbm>>
          %dma_wait3A_31 = tpu.memref_squeeze %dma_wait3A_30 : memref<1x16384xi32, #tpu.memory_space<hbm>> -> memref<16384xi32, #tpu.memory_space<hbm>>
          %dma_wait3A_32 = arith.constant 0 : i32
          %dma_wait3A_33 = tpu.memref_slice %arg2[%scan3A_13, %dma_wait3A_32] : memref<8x16384xi32, #tpu.memory_space<hbm>> -> memref<1x16384xi32, #tpu.memory_space<hbm>>
          %dma_wait3A_34 = tpu.memref_squeeze %dma_wait3A_33 : memref<1x16384xi32, #tpu.memory_space<hbm>> -> memref<16384xi32, #tpu.memory_space<hbm>>
          tpu.wait_dma2 semaphore(%run_scoped3A : memref<!tpu.dma_semaphore, #tpu.memory_space<semaphore_mem>>) src(%dma_wait3A_34 : memref<16384xi32, #tpu.memory_space<hbm>>) dst(%arg9 : memref<16384xi32, #tpu.memory_space<vmem>>)
          tpu.yield
        }) : () -> ()
        "tpu.region"() ({
          %run_scoped3A = tpu.sem_alloc : memref<!tpu.dma_semaphore, #tpu.memory_space<semaphore_mem>>
          %dma_start3A = arith.constant 0 : i32
          %dma_start3A_25 = tpu.memref_slice %arg4[%scan3A_13, %add3A, %dma_start3A] : memref<8x32x100000xf32, #tpu.memory_space<hbm>> -> memref<1x1x100000xf32, #tpu.memory_space<hbm>>
          %dma_start3A_26 = tpu.memref_squeeze %dma_start3A_25 : memref<1x1x100000xf32, #tpu.memory_space<hbm>> -> memref<100000xf32, #tpu.memory_space<hbm>>
          %dma_start3A_27 = arith.constant 0 : i32
          %dma_start3A_28 = tpu.memref_slice %arg4[%scan3A_13, %add3A, %dma_start3A_27] : memref<8x32x100000xf32, #tpu.memory_space<hbm>> -> memref<1x1x100000xf32, #tpu.memory_space<hbm>>
          %dma_start3A_29 = tpu.memref_squeeze %dma_start3A_28 : memref<1x1x100000xf32, #tpu.memory_space<hbm>> -> memref<100000xf32, #tpu.memory_space<hbm>>
          tpu.enqueue_dma source(%dma_start3A_29 : memref<100000xf32, #tpu.memory_space<hbm>>) target(%arg8 : memref<100000xf32, #tpu.memory_space<vmem>>) target_semaphore(%run_scoped3A : memref<!tpu.dma_semaphore, #tpu.memory_space<semaphore_mem>>)
          %dma_wait3A = arith.constant 0 : i32
          %dma_wait3A_30 = tpu.memref_slice %arg4[%scan3A_13, %add3A, %dma_wait3A] : memref<8x32x100000xf32, #tpu.memory_space<hbm>> -> memref<1x1x100000xf32, #tpu.memory_space<hbm>>
          %dma_wait3A_31 = tpu.memref_squeeze %dma_wait3A_30 : memref<1x1x100000xf32, #tpu.memory_space<hbm>> -> memref<100000xf32, #tpu.memory_space<hbm>>
          %dma_wait3A_32 = arith.constant 0 : i32
          %dma_wait3A_33 = tpu.memref_slice %arg4[%scan3A_13, %add3A, %dma_wait3A_32] : memref<8x32x100000xf32, #tpu.memory_space<hbm>> -> memref<1x1x100000xf32, #tpu.memory_space<hbm>>
          %dma_wait3A_34 = tpu.memref_squeeze %dma_wait3A_33 : memref<1x1x100000xf32, #tpu.memory_space<hbm>> -> memref<100000xf32, #tpu.memory_space<hbm>>
          tpu.wait_dma2 semaphore(%run_scoped3A : memref<!tpu.dma_semaphore, #tpu.memory_space<semaphore_mem>>) src(%dma_wait3A_34 : memref<100000xf32, #tpu.memory_space<hbm>>) dst(%arg8 : memref<100000xf32, #tpu.memory_space<vmem>>)
          tpu.yield
        }) : () -> ()
      } else {
      }
      %not3A = arith.constant true
      %not3A_16 = arith.xori %lt3A_14, %not3A : i1
      %convert_element_type3A_17 = arith.extui %not3A_16 : i1 to i32
      %cond3A_18 = arith.constant 0 : i32
      %cond3A_19 = arith.cmpi ne, %convert_element_type3A_17, %cond3A_18 : i32
      scf.if %cond3A_19 {
        %sub3A = arith.constant 8 : i32
        %sub3A_25 = arith.subi %scan3A_13, %sub3A : i32
        "tpu.region"() ({
          %run_scoped3A = tpu.sem_alloc : memref<!tpu.dma_semaphore, #tpu.memory_space<semaphore_mem>>
          %dma_start3A = arith.constant 0 : i32
          %dma_start3A_26 = tpu.memref_slice %arg8[%dma_start3A] : memref<100000xf32, #tpu.memory_space<vmem>> -> memref<16384xf32, #tpu.memory_space<vmem>>
          %dma_start3A_27 = arith.constant 0 : i32
          %dma_start3A_28 = tpu.memref_slice %arg3[%sub3A_25, %dma_start3A_27] : memref<13x16384xf32, #tpu.memory_space<hbm>> -> memref<1x16384xf32, #tpu.memory_space<hbm>>
          %dma_start3A_29 = tpu.memref_squeeze %dma_start3A_28 : memref<1x16384xf32, #tpu.memory_space<hbm>> -> memref<16384xf32, #tpu.memory_space<hbm>>
          %dma_start3A_30 = arith.constant 0 : i32
          %dma_start3A_31 = tpu.memref_slice %arg8[%dma_start3A_30] : memref<100000xf32, #tpu.memory_space<vmem>> -> memref<16384xf32, #tpu.memory_space<vmem>>
          %dma_start3A_32 = arith.constant 0 : i32
          %dma_start3A_33 = tpu.memref_slice %arg3[%sub3A_25, %dma_start3A_32] : memref<13x16384xf32, #tpu.memory_space<hbm>> -> memref<1x16384xf32, #tpu.memory_space<hbm>>
          %dma_start3A_34 = tpu.memref_squeeze %dma_start3A_33 : memref<1x16384xf32, #tpu.memory_space<hbm>> -> memref<16384xf32, #tpu.memory_space<hbm>>
          tpu.enqueue_dma source(%dma_start3A_34 : memref<16384xf32, #tpu.memory_space<hbm>>) target(%dma_start3A_31 : memref<16384xf32, #tpu.memory_space<vmem>>) target_semaphore(%run_scoped3A : memref<!tpu.dma_semaphore, #tpu.memory_space<semaphore_mem>>)
          %dma_wait3A = arith.constant 0 : i32
          %dma_wait3A_35 = tpu.memref_slice %arg8[%dma_wait3A] : memref<100000xf32, #tpu.memory_space<vmem>> -> memref<16384xf32, #tpu.memory_space<vmem>>
          %dma_wait3A_36 = arith.constant 0 : i32
          %dma_wait3A_37 = tpu.memref_slice %arg3[%sub3A_25, %dma_wait3A_36] : memref<13x16384xf32, #tpu.memory_space<hbm>> -> memref<1x16384xf32, #tpu.memory_space<hbm>>
          %dma_wait3A_38 = tpu.memref_squeeze %dma_wait3A_37 : memref<1x16384xf32, #tpu.memory_space<hbm>> -> memref<16384xf32, #tpu.memory_space<hbm>>
          %dma_wait3A_39 = arith.constant 0 : i32
          %dma_wait3A_40 = tpu.memref_slice %arg8[%dma_wait3A_39] : memref<100000xf32, #tpu.memory_space<vmem>> -> memref<16384xf32, #tpu.memory_space<vmem>>
          %dma_wait3A_41 = arith.constant 0 : i32
          %dma_wait3A_42 = tpu.memref_slice %arg3[%sub3A_25, %dma_wait3A_41] : memref<13x16384xf32, #tpu.memory_space<hbm>> -> memref<1x16384xf32, #tpu.memory_space<hbm>>
          %dma_wait3A_43 = tpu.memref_squeeze %dma_wait3A_42 : memref<1x16384xf32, #tpu.memory_space<hbm>> -> memref<16384xf32, #tpu.memory_space<hbm>>
          tpu.wait_dma2 semaphore(%run_scoped3A : memref<!tpu.dma_semaphore, #tpu.memory_space<semaphore_mem>>) src(%dma_wait3A_43 : memref<16384xf32, #tpu.memory_space<hbm>>) dst(%dma_wait3A_40 : memref<16384xf32, #tpu.memory_space<vmem>>)
          tpu.yield
        }) : () -> ()
      } else {
      }
      %scan3A_20 = arith.constant 0 : i32
      %scan3A_21 = arith.constant 4 : i32
      %scan3A_22 = arith.addi %scan3A_20, %scan3A_21 : i32
      %scan3A_23 = arith.constant 1 : i32
      scf.for %scan3A_25 = %scan3A_20 to %scan3A_22 step %scan3A_23  : i32 {
        %jit3A = arith.constant 2 : i32
        %eq3A = arith.constant 0 : i32
        %eq3A_26 = arith.cmpi eq, %jit3A, %eq3A : i32
        %jit3A_27 = arith.constant 1 : i32
        %select_n3A = arith.select %eq3A_26, %jit3A_27, %jit3A : i32
        %rem3A = arith.remsi %scan3A_25, %select_n3A : i32
        %ne3A = arith.constant 0 : i32
        %ne3A_28 = arith.cmpi ne, %rem3A, %ne3A : i32
        %lt3A_29 = arith.constant 0 : i32
        %lt3A_30 = arith.cmpi slt, %rem3A, %lt3A_29 : i32
        %lt3A_31 = arith.constant 0 : i32
        %lt3A_32 = arith.cmpi slt, %select_n3A, %lt3A_31 : i32
        %ne3A_33 = arith.xori %lt3A_30, %lt3A_32 : i1
        %and3A = arith.andi %ne3A_33, %ne3A_28 : i1
        %add3A_34 = arith.addi %rem3A, %select_n3A : i32
        %select_n3A_35 = arith.select %and3A, %add3A_34, %rem3A : i32
        %mul3A_36 = arith.constant 4 : i32
        %mul3A_37 = arith.muli %scan3A_13, %mul3A_36 : i32
        %add3A_38 = arith.addi %mul3A_37, %scan3A_25 : i32
        %ge3A = arith.constant 2 : i32
        %ge3A_39 = arith.cmpi sge, %add3A_38, %ge3A : i32
        %convert_element_type3A_40 = arith.extui %ge3A_39 : i1 to i32
        %cond3A_41 = arith.constant 0 : i32
        %cond3A_42 = arith.cmpi ne, %convert_element_type3A_40, %cond3A_41 : i32
        scf.if %cond3A_42 {
          %dma_wait3A = arith.constant 0 : i32
          %dma_wait3A_62 = tpu.memref_slice %arg10[%select_n3A_35, %dma_wait3A] : memref<2x4096xf32, #tpu.memory_space<vmem>> -> memref<1x4096xf32, #tpu.memory_space<vmem>>
          %dma_wait3A_63 = tpu.memref_squeeze %dma_wait3A_62 : memref<1x4096xf32, #tpu.memory_space<vmem>> -> memref<4096xf32, #tpu.memory_space<vmem>>
          %dma_wait3A_64 = arith.constant 0 : i32
          %dma_wait3A_65 = tpu.memref_slice %arg7[%scan3A_13, %add3A, %dma_wait3A_64] : memref<21x32x16384xf32, #tpu.memory_space<hbm>> -> memref<1x1x4096xf32, #tpu.memory_space<hbm>>
          %dma_wait3A_66 = tpu.memref_squeeze %dma_wait3A_65 : memref<1x1x4096xf32, #tpu.memory_space<hbm>> -> memref<4096xf32, #tpu.memory_space<hbm>>
          %dma_wait3A_67 = arith.constant 0 : i32
          %dma_wait3A_68 = tpu.memref_slice %arg7[%scan3A_13, %add3A, %dma_wait3A_67] : memref<21x32x16384xf32, #tpu.memory_space<hbm>> -> memref<1x1x4096xf32, #tpu.memory_space<hbm>>
          %dma_wait3A_69 = tpu.memref_squeeze %dma_wait3A_68 : memref<1x1x4096xf32, #tpu.memory_space<hbm>> -> memref<4096xf32, #tpu.memory_space<hbm>>
          %dma_wait3A_70 = arith.constant 0 : i32
          %dma_wait3A_71 = tpu.memref_slice %arg10[%select_n3A_35, %dma_wait3A_70] : memref<2x4096xf32, #tpu.memory_space<vmem>> -> memref<1x4096xf32, #tpu.memory_space<vmem>>
          %dma_wait3A_72 = tpu.memref_squeeze %dma_wait3A_71 : memref<1x4096xf32, #tpu.memory_space<vmem>> -> memref<4096xf32, #tpu.memory_space<vmem>>
          tpu.wait_dma2 semaphore(%arg13 : memref<!tpu.dma_semaphore, #tpu.memory_space<semaphore_mem>>) src(%dma_wait3A_72 : memref<4096xf32, #tpu.memory_space<vmem>>) dst(%dma_wait3A_69 : memref<4096xf32, #tpu.memory_space<hbm>>)
        } else {
        }
        %convert_element_type3A_43 = arith.extui %lt3A_14 : i1 to i32
        %cond3A_44 = arith.constant 0 : i32
        %cond3A_45 = arith.cmpi ne, %convert_element_type3A_43, %cond3A_44 : i32
        scf.if %cond3A_45 {
          %scan3A_62 = arith.constant 0 : i32
          %scan3A_63 = arith.constant 0 : i32
          %scan3A_64 = arith.constant 32 : i32
          %scan3A_65 = arith.addi %scan3A_63, %scan3A_64 : i32
          %scan3A_66 = arith.constant 1 : i32
          scf.for %scan3A_68 = %scan3A_63 to %scan3A_65 step %scan3A_66  : i32 {
            %mul3A_69 = arith.constant 8 : i32
            %mul3A_70 = arith.muli %scan3A_68, %mul3A_69 : i32
            %add3A_71 = arith.constant 0 : i32
            %add3A_72 = arith.addi %mul3A_70, %add3A_71 : i32
            %mul3A_73 = arith.constant 4096 : i32
            %mul3A_74 = arith.muli %scan3A_25, %mul3A_73 : i32
            %mul3A_75 = arith.constant 16 : i32
            %mul3A_76 = arith.muli %add3A_72, %mul3A_75 : i32
            %add3A_77 = arith.addi %mul3A_74, %mul3A_76 : i32
            %get3A = arith.index_cast %add3A_77 : i32 to index
            %get3A_78 = tpu.vector_load %arg9[%get3A] {strides = array<i32>} : memref<16384xi32, #tpu.memory_space<vmem>>, vector<16xi32>,
            %gather3A_79 = tpu.vector_load_idx %arg8[%get3A_78] : memref<100000xf32, #tpu.memory_space<vmem>>[vector<16xi32>], vector<16xf32>,
            %mul3A_80 = arith.constant 16 : i32
            %mul3A_81 = arith.muli %add3A_72, %mul3A_80 : i32
            %swap3A = arith.constant 0 : i32
            %swap3A_82 = tpu.memref_slice %arg10[%select_n3A_35, %swap3A] : memref<2x4096xf32, #tpu.memory_space<vmem>> -> memref<1x4096xf32, #tpu.memory_space<vmem>>
            %swap3A_83 = tpu.memref_squeeze %swap3A_82 : memref<1x4096xf32, #tpu.memory_space<vmem>> -> memref<4096xf32, #tpu.memory_space<vmem>>
            %swap3A_84 = arith.index_cast %mul3A_81 : i32 to index
            %swap3A_85 = tpu.vector_load %swap3A_83[%swap3A_84] {strides = array<i32>} : memref<4096xf32, #tpu.memory_space<vmem>>, vector<16xf32>,
            tpu.vector_store %swap3A_83[%swap3A_84], %gather3A_79 {strides = array<i32>} : memref<4096xf32, #tpu.memory_space<vmem>>, vector<16xf32>,
            %mul3A_86 = arith.constant 8 : i32
            %mul3A_87 = arith.muli %scan3A_68, %mul3A_86 : i32
            %add3A_88 = arith.constant 1 : i32
            %add3A_89 = arith.addi %mul3A_87, %add3A_88 : i32
            %mul3A_90 = arith.constant 4096 : i32
            %mul3A_91 = arith.muli %scan3A_25, %mul3A_90 : i32
            %mul3A_92 = arith.constant 16 : i32
            %mul3A_93 = arith.muli %add3A_89, %mul3A_92 : i32
            %add3A_94 = arith.addi %mul3A_91, %mul3A_93 : i32
            %get3A_95 = arith.index_cast %add3A_94 : i32 to index
            %get3A_96 = tpu.vector_load %arg9[%get3A_95] {strides = array<i32>} : memref<16384xi32, #tpu.memory_space<vmem>>, vector<16xi32>,
            %gather3A_97 = tpu.vector_load_idx %arg8[%get3A_96] : memref<100000xf32, #tpu.memory_space<vmem>>[vector<16xi32>], vector<16xf32>,
            %mul3A_98 = arith.constant 16 : i32
            %mul3A_99 = arith.muli %add3A_89, %mul3A_98 : i32
            %swap3A_100 = arith.constant 0 : i32
            %swap3A_101 = tpu.memref_slice %arg10[%select_n3A_35, %swap3A_100] : memref<2x4096xf32, #tpu.memory_space<vmem>> -> memref<1x4096xf32, #tpu.memory_space<vmem>>
            %swap3A_102 = tpu.memref_squeeze %swap3A_101 : memref<1x4096xf32, #tpu.memory_space<vmem>> -> memref<4096xf32, #tpu.memory_space<vmem>>
            %swap3A_103 = arith.index_cast %mul3A_99 : i32 to index
            %swap3A_104 = tpu.vector_load %swap3A_102[%swap3A_103] {strides = array<i32>} : memref<4096xf32, #tpu.memory_space<vmem>>, vector<16xf32>,
            tpu.vector_store %swap3A_102[%swap3A_103], %gather3A_97 {strides = array<i32>} : memref<4096xf32, #tpu.memory_space<vmem>>, vector<16xf32>,
            %mul3A_105 = arith.constant 8 : i32
            %mul3A_106 = arith.muli %scan3A_68, %mul3A_105 : i32
            %add3A_107 = arith.constant 2 : i32
            %add3A_108 = arith.addi %mul3A_106, %add3A_107 : i32
            %mul3A_109 = arith.constant 4096 : i32
            %mul3A_110 = arith.muli %scan3A_25, %mul3A_109 : i32
            %mul3A_111 = arith.constant 16 : i32
            %mul3A_112 = arith.muli %add3A_108, %mul3A_111 : i32
            %add3A_113 = arith.addi %mul3A_110, %mul3A_112 : i32
            %get3A_114 = arith.index_cast %add3A_113 : i32 to index
            %get3A_115 = tpu.vector_load %arg9[%get3A_114] {strides = array<i32>} : memref<16384xi32, #tpu.memory_space<vmem>>, vector<16xi32>,
            %gather3A_116 = tpu.vector_load_idx %arg8[%get3A_115] : memref<100000xf32, #tpu.memory_space<vmem>>[vector<16xi32>], vector<16xf32>,
            %mul3A_117 = arith.constant 16 : i32
            %mul3A_118 = arith.muli %add3A_108, %mul3A_117 : i32
            %swap3A_119 = arith.constant 0 : i32
            %swap3A_120 = tpu.memref_slice %arg10[%select_n3A_35, %swap3A_119] : memref<2x4096xf32, #tpu.memory_space<vmem>> -> memref<1x4096xf32, #tpu.memory_space<vmem>>
            %swap3A_121 = tpu.memref_squeeze %swap3A_120 : memref<1x4096xf32, #tpu.memory_space<vmem>> -> memref<4096xf32, #tpu.memory_space<vmem>>
            %swap3A_122 = arith.index_cast %mul3A_118 : i32 to index
            %swap3A_123 = tpu.vector_load %swap3A_121[%swap3A_122] {strides = array<i32>} : memref<4096xf32, #tpu.memory_space<vmem>>, vector<16xf32>,
            tpu.vector_store %swap3A_121[%swap3A_122], %gather3A_116 {strides = array<i32>} : memref<4096xf32, #tpu.memory_space<vmem>>, vector<16xf32>,
            %mul3A_124 = arith.constant 8 : i32
            %mul3A_125 = arith.muli %scan3A_68, %mul3A_124 : i32
            %add3A_126 = arith.constant 3 : i32
            %add3A_127 = arith.addi %mul3A_125, %add3A_126 : i32
            %mul3A_128 = arith.constant 4096 : i32
            %mul3A_129 = arith.muli %scan3A_25, %mul3A_128 : i32
            %mul3A_130 = arith.constant 16 : i32
            %mul3A_131 = arith.muli %add3A_127, %mul3A_130 : i32
            %add3A_132 = arith.addi %mul3A_129, %mul3A_131 : i32
            %get3A_133 = arith.index_cast %add3A_132 : i32 to index
            %get3A_134 = tpu.vector_load %arg9[%get3A_133] {strides = array<i32>} : memref<16384xi32, #tpu.memory_space<vmem>>, vector<16xi32>,
            %gather3A_135 = tpu.vector_load_idx %arg8[%get3A_134] : memref<100000xf32, #tpu.memory_space<vmem>>[vector<16xi32>], vector<16xf32>,
            %mul3A_136 = arith.constant 16 : i32
            %mul3A_137 = arith.muli %add3A_127, %mul3A_136 : i32
            %swap3A_138 = arith.constant 0 : i32
            %swap3A_139 = tpu.memref_slice %arg10[%select_n3A_35, %swap3A_138] : memref<2x4096xf32, #tpu.memory_space<vmem>> -> memref<1x4096xf32, #tpu.memory_space<vmem>>
            %swap3A_140 = tpu.memref_squeeze %swap3A_139 : memref<1x4096xf32, #tpu.memory_space<vmem>> -> memref<4096xf32, #tpu.memory_space<vmem>>
            %swap3A_141 = arith.index_cast %mul3A_137 : i32 to index
            %swap3A_142 = tpu.vector_load %swap3A_140[%swap3A_141] {strides = array<i32>} : memref<4096xf32, #tpu.memory_space<vmem>>, vector<16xf32>,
            tpu.vector_store %swap3A_140[%swap3A_141], %gather3A_135 {strides = array<i32>} : memref<4096xf32, #tpu.memory_space<vmem>>, vector<16xf32>,
            %mul3A_143 = arith.constant 8 : i32
            %mul3A_144 = arith.muli %scan3A_68, %mul3A_143 : i32
            %add3A_145 = arith.constant 4 : i32
            %add3A_146 = arith.addi %mul3A_144, %add3A_145 : i32
            %mul3A_147 = arith.constant 4096 : i32
            %mul3A_148 = arith.muli %scan3A_25, %mul3A_147 : i32
            %mul3A_149 = arith.constant 16 : i32
            %mul3A_150 = arith.muli %add3A_146, %mul3A_149 : i32
            %add3A_151 = arith.addi %mul3A_148, %mul3A_150 : i32
            %get3A_152 = arith.index_cast %add3A_151 : i32 to index
            %get3A_153 = tpu.vector_load %arg9[%get3A_152] {strides = array<i32>} : memref<16384xi32, #tpu.memory_space<vmem>>, vector<16xi32>,
            %gather3A_154 = tpu.vector_load_idx %arg8[%get3A_153] : memref<100000xf32, #tpu.memory_space<vmem>>[vector<16xi32>], vector<16xf32>,
            %mul3A_155 = arith.constant 16 : i32
            %mul3A_156 = arith.muli %add3A_146, %mul3A_155 : i32
            %swap3A_157 = arith.constant 0 : i32
            %swap3A_158 = tpu.memref_slice %arg10[%select_n3A_35, %swap3A_157] : memref<2x4096xf32, #tpu.memory_space<vmem>> -> memref<1x4096xf32, #tpu.memory_space<vmem>>
            %swap3A_159 = tpu.memref_squeeze %swap3A_158 : memref<1x4096xf32, #tpu.memory_space<vmem>> -> memref<4096xf32, #tpu.memory_space<vmem>>
            %swap3A_160 = arith.index_cast %mul3A_156 : i32 to index
            %swap3A_161 = tpu.vector_load %swap3A_159[%swap3A_160] {strides = array<i32>} : memref<4096xf32, #tpu.memory_space<vmem>>, vector<16xf32>,
            tpu.vector_store %swap3A_159[%swap3A_160], %gather3A_154 {strides = array<i32>} : memref<4096xf32, #tpu.memory_space<vmem>>, vector<16xf32>,
            %mul3A_162 = arith.constant 8 : i32
            %mul3A_163 = arith.muli %scan3A_68, %mul3A_162 : i32
            %add3A_164 = arith.constant 5 : i32
            %add3A_165 = arith.addi %mul3A_163, %add3A_164 : i32
            %mul3A_166 = arith.constant 4096 : i32
            %mul3A_167 = arith.muli %scan3A_25, %mul3A_166 : i32
            %mul3A_168 = arith.constant 16 : i32
            %mul3A_169 = arith.muli %add3A_165, %mul3A_168 : i32
            %add3A_170 = arith.addi %mul3A_167, %mul3A_169 : i32
            %get3A_171 = arith.index_cast %add3A_170 : i32 to index
            %get3A_172 = tpu.vector_load %arg9[%get3A_171] {strides = array<i32>} : memref<16384xi32, #tpu.memory_space<vmem>>, vector<16xi32>,
            %gather3A_173 = tpu.vector_load_idx %arg8[%get3A_172] : memref<100000xf32, #tpu.memory_space<vmem>>[vector<16xi32>], vector<16xf32>,
            %mul3A_174 = arith.constant 16 : i32
            %mul3A_175 = arith.muli %add3A_165, %mul3A_174 : i32
            %swap3A_176 = arith.constant 0 : i32
            %swap3A_177 = tpu.memref_slice %arg10[%select_n3A_35, %swap3A_176] : memref<2x4096xf32, #tpu.memory_space<vmem>> -> memref<1x4096xf32, #tpu.memory_space<vmem>>
            %swap3A_178 = tpu.memref_squeeze %swap3A_177 : memref<1x4096xf32, #tpu.memory_space<vmem>> -> memref<4096xf32, #tpu.memory_space<vmem>>
            %swap3A_179 = arith.index_cast %mul3A_175 : i32 to index
            %swap3A_180 = tpu.vector_load %swap3A_178[%swap3A_179] {strides = array<i32>} : memref<4096xf32, #tpu.memory_space<vmem>>, vector<16xf32>,
            tpu.vector_store %swap3A_178[%swap3A_179], %gather3A_173 {strides = array<i32>} : memref<4096xf32, #tpu.memory_space<vmem>>, vector<16xf32>,
            %mul3A_181 = arith.constant 8 : i32
            %mul3A_182 = arith.muli %scan3A_68, %mul3A_181 : i32
            %add3A_183 = arith.constant 6 : i32
            %add3A_184 = arith.addi %mul3A_182, %add3A_183 : i32
            %mul3A_185 = arith.constant 4096 : i32
            %mul3A_186 = arith.muli %scan3A_25, %mul3A_185 : i32
            %mul3A_187 = arith.constant 16 : i32
            %mul3A_188 = arith.muli %add3A_184, %mul3A_187 : i32
            %add3A_189 = arith.addi %mul3A_186, %mul3A_188 : i32
            %get3A_190 = arith.index_cast %add3A_189 : i32 to index
            %get3A_191 = tpu.vector_load %arg9[%get3A_190] {strides = array<i32>} : memref<16384xi32, #tpu.memory_space<vmem>>, vector<16xi32>,
            %gather3A_192 = tpu.vector_load_idx %arg8[%get3A_191] : memref<100000xf32, #tpu.memory_space<vmem>>[vector<16xi32>], vector<16xf32>,
            %mul3A_193 = arith.constant 16 : i32
            %mul3A_194 = arith.muli %add3A_184, %mul3A_193 : i32
            %swap3A_195 = arith.constant 0 : i32
            %swap3A_196 = tpu.memref_slice %arg10[%select_n3A_35, %swap3A_195] : memref<2x4096xf32, #tpu.memory_space<vmem>> -> memref<1x4096xf32, #tpu.memory_space<vmem>>
            %swap3A_197 = tpu.memref_squeeze %swap3A_196 : memref<1x4096xf32, #tpu.memory_space<vmem>> -> memref<4096xf32, #tpu.memory_space<vmem>>
            %swap3A_198 = arith.index_cast %mul3A_194 : i32 to index
            %swap3A_199 = tpu.vector_load %swap3A_197[%swap3A_198] {strides = array<i32>} : memref<4096xf32, #tpu.memory_space<vmem>>, vector<16xf32>,
            tpu.vector_store %swap3A_197[%swap3A_198], %gather3A_192 {strides = array<i32>} : memref<4096xf32, #tpu.memory_space<vmem>>, vector<16xf32>,
            %mul3A_200 = arith.constant 8 : i32
            %mul3A_201 = arith.muli %scan3A_68, %mul3A_200 : i32
            %add3A_202 = arith.constant 7 : i32
            %add3A_203 = arith.addi %mul3A_201, %add3A_202 : i32
            %mul3A_204 = arith.constant 4096 : i32
            %mul3A_205 = arith.muli %scan3A_25, %mul3A_204 : i32
            %mul3A_206 = arith.constant 16 : i32
            %mul3A_207 = arith.muli %add3A_203, %mul3A_206 : i32
            %add3A_208 = arith.addi %mul3A_205, %mul3A_207 : i32
            %get3A_209 = arith.index_cast %add3A_208 : i32 to index
            %get3A_210 = tpu.vector_load %arg9[%get3A_209] {strides = array<i32>} : memref<16384xi32, #tpu.memory_space<vmem>>, vector<16xi32>,
            %gather3A_211 = tpu.vector_load_idx %arg8[%get3A_210] : memref<100000xf32, #tpu.memory_space<vmem>>[vector<16xi32>], vector<16xf32>,
            %mul3A_212 = arith.constant 16 : i32
            %mul3A_213 = arith.muli %add3A_203, %mul3A_212 : i32
            %swap3A_214 = arith.constant 0 : i32
            %swap3A_215 = tpu.memref_slice %arg10[%select_n3A_35, %swap3A_214] : memref<2x4096xf32, #tpu.memory_space<vmem>> -> memref<1x4096xf32, #tpu.memory_space<vmem>>
            %swap3A_216 = tpu.memref_squeeze %swap3A_215 : memref<1x4096xf32, #tpu.memory_space<vmem>> -> memref<4096xf32, #tpu.memory_space<vmem>>
            %swap3A_217 = arith.index_cast %mul3A_213 : i32 to index
            %swap3A_218 = tpu.vector_load %swap3A_216[%swap3A_217] {strides = array<i32>} : memref<4096xf32, #tpu.memory_space<vmem>>, vector<16xf32>,
            tpu.vector_store %swap3A_216[%swap3A_217], %gather3A_211 {strides = array<i32>} : memref<4096xf32, #tpu.memory_space<vmem>>, vector<16xf32>,
          }
          %scan3A_67 = arith.constant 32 : i32
        } else {
        }
        %not3A_46 = arith.constant true
        %not3A_47 = arith.xori %lt3A_14, %not3A_46 : i1
        %convert_element_type3A_48 = arith.extui %not3A_47 : i1 to i32
        %cond3A_49 = arith.constant 0 : i32
        %cond3A_50 = arith.cmpi ne, %convert_element_type3A_48, %cond3A_49 : i32
        scf.if %cond3A_50 {
          %scan3A_62 = arith.constant 0 : i32
          %scan3A_63 = arith.constant 0 : i32
          %scan3A_64 = arith.constant 32 : i32
          %scan3A_65 = arith.addi %scan3A_63, %scan3A_64 : i32
          %scan3A_66 = arith.constant 1 : i32
          scf.for %scan3A_68 = %scan3A_63 to %scan3A_65 step %scan3A_66  : i32 {
            %mul3A_69 = arith.constant 8 : i32
            %mul3A_70 = arith.muli %scan3A_68, %mul3A_69 : i32
            %add3A_71 = arith.constant 0 : i32
            %add3A_72 = arith.addi %mul3A_70, %add3A_71 : i32
            %mul3A_73 = arith.constant 4096 : i32
            %mul3A_74 = arith.muli %scan3A_25, %mul3A_73 : i32
            %mul3A_75 = arith.constant 16 : i32
            %mul3A_76 = arith.muli %add3A_72, %mul3A_75 : i32
            %add3A_77 = arith.addi %mul3A_74, %mul3A_76 : i32
            %get3A = arith.index_cast %add3A_77 : i32 to index
            %get3A_78 = tpu.vector_load %arg8[%get3A] {strides = array<i32>} : memref<100000xf32, #tpu.memory_space<vmem>>, vector<16xf32>,
            %mul3A_79 = arith.mulf %get3A_78, %gather3A : vector<16xf32>
            %add3A_80 = arith.addf %mul3A_79, %gather3A_1 : vector<16xf32>
            %mul3A_81 = arith.constant 16 : i32
            %mul3A_82 = arith.muli %add3A_72, %mul3A_81 : i32
            %swap3A = arith.constant 0 : i32
            %swap3A_83 = tpu.memref_slice %arg10[%select_n3A_35, %swap3A] : memref<2x4096xf32, #tpu.memory_space<vmem>> -> memref<1x4096xf32, #tpu.memory_space<vmem>>
            %swap3A_84 = tpu.memref_squeeze %swap3A_83 : memref<1x4096xf32, #tpu.memory_space<vmem>> -> memref<4096xf32, #tpu.memory_space<vmem>>
            %swap3A_85 = arith.index_cast %mul3A_82 : i32 to index
            %swap3A_86 = tpu.vector_load %swap3A_84[%swap3A_85] {strides = array<i32>} : memref<4096xf32, #tpu.memory_space<vmem>>, vector<16xf32>,
            tpu.vector_store %swap3A_84[%swap3A_85], %add3A_80 {strides = array<i32>} : memref<4096xf32, #tpu.memory_space<vmem>>, vector<16xf32>,
            %mul3A_87 = arith.constant 8 : i32
            %mul3A_88 = arith.muli %scan3A_68, %mul3A_87 : i32
            %add3A_89 = arith.constant 1 : i32
            %add3A_90 = arith.addi %mul3A_88, %add3A_89 : i32
            %mul3A_91 = arith.constant 4096 : i32
            %mul3A_92 = arith.muli %scan3A_25, %mul3A_91 : i32
            %mul3A_93 = arith.constant 16 : i32
            %mul3A_94 = arith.muli %add3A_90, %mul3A_93 : i32
            %add3A_95 = arith.addi %mul3A_92, %mul3A_94 : i32
            %get3A_96 = arith.index_cast %add3A_95 : i32 to index
            %get3A_97 = tpu.vector_load %arg8[%get3A_96] {strides = array<i32>} : memref<100000xf32, #tpu.memory_space<vmem>>, vector<16xf32>,
            %mul3A_98 = arith.mulf %get3A_97, %gather3A : vector<16xf32>
            %add3A_99 = arith.addf %mul3A_98, %gather3A_1 : vector<16xf32>
            %mul3A_100 = arith.constant 16 : i32
            %mul3A_101 = arith.muli %add3A_90, %mul3A_100 : i32
            %swap3A_102 = arith.constant 0 : i32
            %swap3A_103 = tpu.memref_slice %arg10[%select_n3A_35, %swap3A_102] : memref<2x4096xf32, #tpu.memory_space<vmem>> -> memref<1x4096xf32, #tpu.memory_space<vmem>>
            %swap3A_104 = tpu.memref_squeeze %swap3A_103 : memref<1x4096xf32, #tpu.memory_space<vmem>> -> memref<4096xf32, #tpu.memory_space<vmem>>
            %swap3A_105 = arith.index_cast %mul3A_101 : i32 to index
            %swap3A_106 = tpu.vector_load %swap3A_104[%swap3A_105] {strides = array<i32>} : memref<4096xf32, #tpu.memory_space<vmem>>, vector<16xf32>,
            tpu.vector_store %swap3A_104[%swap3A_105], %add3A_99 {strides = array<i32>} : memref<4096xf32, #tpu.memory_space<vmem>>, vector<16xf32>,
            %mul3A_107 = arith.constant 8 : i32
            %mul3A_108 = arith.muli %scan3A_68, %mul3A_107 : i32
            %add3A_109 = arith.constant 2 : i32
            %add3A_110 = arith.addi %mul3A_108, %add3A_109 : i32
            %mul3A_111 = arith.constant 4096 : i32
            %mul3A_112 = arith.muli %scan3A_25, %mul3A_111 : i32
            %mul3A_113 = arith.constant 16 : i32
            %mul3A_114 = arith.muli %add3A_110, %mul3A_113 : i32
            %add3A_115 = arith.addi %mul3A_112, %mul3A_114 : i32
            %get3A_116 = arith.index_cast %add3A_115 : i32 to index
            %get3A_117 = tpu.vector_load %arg8[%get3A_116] {strides = array<i32>} : memref<100000xf32, #tpu.memory_space<vmem>>, vector<16xf32>,
            %mul3A_118 = arith.mulf %get3A_117, %gather3A : vector<16xf32>
            %add3A_119 = arith.addf %mul3A_118, %gather3A_1 : vector<16xf32>
            %mul3A_120 = arith.constant 16 : i32
            %mul3A_121 = arith.muli %add3A_110, %mul3A_120 : i32
            %swap3A_122 = arith.constant 0 : i32
            %swap3A_123 = tpu.memref_slice %arg10[%select_n3A_35, %swap3A_122] : memref<2x4096xf32, #tpu.memory_space<vmem>> -> memref<1x4096xf32, #tpu.memory_space<vmem>>
            %swap3A_124 = tpu.memref_squeeze %swap3A_123 : memref<1x4096xf32, #tpu.memory_space<vmem>> -> memref<4096xf32, #tpu.memory_space<vmem>>
            %swap3A_125 = arith.index_cast %mul3A_121 : i32 to index
            %swap3A_126 = tpu.vector_load %swap3A_124[%swap3A_125] {strides = array<i32>} : memref<4096xf32, #tpu.memory_space<vmem>>, vector<16xf32>,
            tpu.vector_store %swap3A_124[%swap3A_125], %add3A_119 {strides = array<i32>} : memref<4096xf32, #tpu.memory_space<vmem>>, vector<16xf32>,
            %mul3A_127 = arith.constant 8 : i32
            %mul3A_128 = arith.muli %scan3A_68, %mul3A_127 : i32
            %add3A_129 = arith.constant 3 : i32
            %add3A_130 = arith.addi %mul3A_128, %add3A_129 : i32
            %mul3A_131 = arith.constant 4096 : i32
            %mul3A_132 = arith.muli %scan3A_25, %mul3A_131 : i32
            %mul3A_133 = arith.constant 16 : i32
            %mul3A_134 = arith.muli %add3A_130, %mul3A_133 : i32
            %add3A_135 = arith.addi %mul3A_132, %mul3A_134 : i32
            %get3A_136 = arith.index_cast %add3A_135 : i32 to index
            %get3A_137 = tpu.vector_load %arg8[%get3A_136] {strides = array<i32>} : memref<100000xf32, #tpu.memory_space<vmem>>, vector<16xf32>,
            %mul3A_138 = arith.mulf %get3A_137, %gather3A : vector<16xf32>
            %add3A_139 = arith.addf %mul3A_138, %gather3A_1 : vector<16xf32>
            %mul3A_140 = arith.constant 16 : i32
            %mul3A_141 = arith.muli %add3A_130, %mul3A_140 : i32
            %swap3A_142 = arith.constant 0 : i32
            %swap3A_143 = tpu.memref_slice %arg10[%select_n3A_35, %swap3A_142] : memref<2x4096xf32, #tpu.memory_space<vmem>> -> memref<1x4096xf32, #tpu.memory_space<vmem>>
            %swap3A_144 = tpu.memref_squeeze %swap3A_143 : memref<1x4096xf32, #tpu.memory_space<vmem>> -> memref<4096xf32, #tpu.memory_space<vmem>>
            %swap3A_145 = arith.index_cast %mul3A_141 : i32 to index
            %swap3A_146 = tpu.vector_load %swap3A_144[%swap3A_145] {strides = array<i32>} : memref<4096xf32, #tpu.memory_space<vmem>>, vector<16xf32>,
            tpu.vector_store %swap3A_144[%swap3A_145], %add3A_139 {strides = array<i32>} : memref<4096xf32, #tpu.memory_space<vmem>>, vector<16xf32>,
            %mul3A_147 = arith.constant 8 : i32
            %mul3A_148 = arith.muli %scan3A_68, %mul3A_147 : i32
            %add3A_149 = arith.constant 4 : i32
            %add3A_150 = arith.addi %mul3A_148, %add3A_149 : i32
            %mul3A_151 = arith.constant 4096 : i32
            %mul3A_152 = arith.muli %scan3A_25, %mul3A_151 : i32
            %mul3A_153 = arith.constant 16 : i32
            %mul3A_154 = arith.muli %add3A_150, %mul3A_153 : i32
            %add3A_155 = arith.addi %mul3A_152, %mul3A_154 : i32
            %get3A_156 = arith.index_cast %add3A_155 : i32 to index
            %get3A_157 = tpu.vector_load %arg8[%get3A_156] {strides = array<i32>} : memref<100000xf32, #tpu.memory_space<vmem>>, vector<16xf32>,
            %mul3A_158 = arith.mulf %get3A_157, %gather3A : vector<16xf32>
            %add3A_159 = arith.addf %mul3A_158, %gather3A_1 : vector<16xf32>
            %mul3A_160 = arith.constant 16 : i32
            %mul3A_161 = arith.muli %add3A_150, %mul3A_160 : i32
            %swap3A_162 = arith.constant 0 : i32
            %swap3A_163 = tpu.memref_slice %arg10[%select_n3A_35, %swap3A_162] : memref<2x4096xf32, #tpu.memory_space<vmem>> -> memref<1x4096xf32, #tpu.memory_space<vmem>>
            %swap3A_164 = tpu.memref_squeeze %swap3A_163 : memref<1x4096xf32, #tpu.memory_space<vmem>> -> memref<4096xf32, #tpu.memory_space<vmem>>
            %swap3A_165 = arith.index_cast %mul3A_161 : i32 to index
            %swap3A_166 = tpu.vector_load %swap3A_164[%swap3A_165] {strides = array<i32>} : memref<4096xf32, #tpu.memory_space<vmem>>, vector<16xf32>,
            tpu.vector_store %swap3A_164[%swap3A_165], %add3A_159 {strides = array<i32>} : memref<4096xf32, #tpu.memory_space<vmem>>, vector<16xf32>,
            %mul3A_167 = arith.constant 8 : i32
            %mul3A_168 = arith.muli %scan3A_68, %mul3A_167 : i32
            %add3A_169 = arith.constant 5 : i32
            %add3A_170 = arith.addi %mul3A_168, %add3A_169 : i32
            %mul3A_171 = arith.constant 4096 : i32
            %mul3A_172 = arith.muli %scan3A_25, %mul3A_171 : i32
            %mul3A_173 = arith.constant 16 : i32
            %mul3A_174 = arith.muli %add3A_170, %mul3A_173 : i32
            %add3A_175 = arith.addi %mul3A_172, %mul3A_174 : i32
            %get3A_176 = arith.index_cast %add3A_175 : i32 to index
            %get3A_177 = tpu.vector_load %arg8[%get3A_176] {strides = array<i32>} : memref<100000xf32, #tpu.memory_space<vmem>>, vector<16xf32>,
            %mul3A_178 = arith.mulf %get3A_177, %gather3A : vector<16xf32>
            %add3A_179 = arith.addf %mul3A_178, %gather3A_1 : vector<16xf32>
            %mul3A_180 = arith.constant 16 : i32
            %mul3A_181 = arith.muli %add3A_170, %mul3A_180 : i32
            %swap3A_182 = arith.constant 0 : i32
            %swap3A_183 = tpu.memref_slice %arg10[%select_n3A_35, %swap3A_182] : memref<2x4096xf32, #tpu.memory_space<vmem>> -> memref<1x4096xf32, #tpu.memory_space<vmem>>
            %swap3A_184 = tpu.memref_squeeze %swap3A_183 : memref<1x4096xf32, #tpu.memory_space<vmem>> -> memref<4096xf32, #tpu.memory_space<vmem>>
            %swap3A_185 = arith.index_cast %mul3A_181 : i32 to index
            %swap3A_186 = tpu.vector_load %swap3A_184[%swap3A_185] {strides = array<i32>} : memref<4096xf32, #tpu.memory_space<vmem>>, vector<16xf32>,
            tpu.vector_store %swap3A_184[%swap3A_185], %add3A_179 {strides = array<i32>} : memref<4096xf32, #tpu.memory_space<vmem>>, vector<16xf32>,
            %mul3A_187 = arith.constant 8 : i32
            %mul3A_188 = arith.muli %scan3A_68, %mul3A_187 : i32
            %add3A_189 = arith.constant 6 : i32
            %add3A_190 = arith.addi %mul3A_188, %add3A_189 : i32
            %mul3A_191 = arith.constant 4096 : i32
            %mul3A_192 = arith.muli %scan3A_25, %mul3A_191 : i32
            %mul3A_193 = arith.constant 16 : i32
            %mul3A_194 = arith.muli %add3A_190, %mul3A_193 : i32
            %add3A_195 = arith.addi %mul3A_192, %mul3A_194 : i32
            %get3A_196 = arith.index_cast %add3A_195 : i32 to index
            %get3A_197 = tpu.vector_load %arg8[%get3A_196] {strides = array<i32>} : memref<100000xf32, #tpu.memory_space<vmem>>, vector<16xf32>,
            %mul3A_198 = arith.mulf %get3A_197, %gather3A : vector<16xf32>
            %add3A_199 = arith.addf %mul3A_198, %gather3A_1 : vector<16xf32>
            %mul3A_200 = arith.constant 16 : i32
            %mul3A_201 = arith.muli %add3A_190, %mul3A_200 : i32
            %swap3A_202 = arith.constant 0 : i32
            %swap3A_203 = tpu.memref_slice %arg10[%select_n3A_35, %swap3A_202] : memref<2x4096xf32, #tpu.memory_space<vmem>> -> memref<1x4096xf32, #tpu.memory_space<vmem>>
            %swap3A_204 = tpu.memref_squeeze %swap3A_203 : memref<1x4096xf32, #tpu.memory_space<vmem>> -> memref<4096xf32, #tpu.memory_space<vmem>>
            %swap3A_205 = arith.index_cast %mul3A_201 : i32 to index
            %swap3A_206 = tpu.vector_load %swap3A_204[%swap3A_205] {strides = array<i32>} : memref<4096xf32, #tpu.memory_space<vmem>>, vector<16xf32>,
            tpu.vector_store %swap3A_204[%swap3A_205], %add3A_199 {strides = array<i32>} : memref<4096xf32, #tpu.memory_space<vmem>>, vector<16xf32>,
            %mul3A_207 = arith.constant 8 : i32
            %mul3A_208 = arith.muli %scan3A_68, %mul3A_207 : i32
            %add3A_209 = arith.constant 7 : i32
            %add3A_210 = arith.addi %mul3A_208, %add3A_209 : i32
            %mul3A_211 = arith.constant 4096 : i32
            %mul3A_212 = arith.muli %scan3A_25, %mul3A_211 : i32
            %mul3A_213 = arith.constant 16 : i32
            %mul3A_214 = arith.muli %add3A_210, %mul3A_213 : i32
            %add3A_215 = arith.addi %mul3A_212, %mul3A_214 : i32
            %get3A_216 = arith.index_cast %add3A_215 : i32 to index
            %get3A_217 = tpu.vector_load %arg8[%get3A_216] {strides = array<i32>} : memref<100000xf32, #tpu.memory_space<vmem>>, vector<16xf32>,
            %mul3A_218 = arith.mulf %get3A_217, %gather3A : vector<16xf32>
            %add3A_219 = arith.addf %mul3A_218, %gather3A_1 : vector<16xf32>
            %mul3A_220 = arith.constant 16 : i32
            %mul3A_221 = arith.muli %add3A_210, %mul3A_220 : i32
            %swap3A_222 = arith.constant 0 : i32
            %swap3A_223 = tpu.memref_slice %arg10[%select_n3A_35, %swap3A_222] : memref<2x4096xf32, #tpu.memory_space<vmem>> -> memref<1x4096xf32, #tpu.memory_space<vmem>>
            %swap3A_224 = tpu.memref_squeeze %swap3A_223 : memref<1x4096xf32, #tpu.memory_space<vmem>> -> memref<4096xf32, #tpu.memory_space<vmem>>
            %swap3A_225 = arith.index_cast %mul3A_221 : i32 to index
            %swap3A_226 = tpu.vector_load %swap3A_224[%swap3A_225] {strides = array<i32>} : memref<4096xf32, #tpu.memory_space<vmem>>, vector<16xf32>,
            tpu.vector_store %swap3A_224[%swap3A_225], %add3A_219 {strides = array<i32>} : memref<4096xf32, #tpu.memory_space<vmem>>, vector<16xf32>,
          }
          %scan3A_67 = arith.constant 32 : i32
        } else {
        }
        %mul3A_51 = arith.constant 4096 : i32
        %mul3A_52 = arith.muli %scan3A_25, %mul3A_51 : i32
        %dma_start3A = arith.constant 0 : i32
        %dma_start3A_53 = tpu.memref_slice %arg10[%select_n3A_35, %dma_start3A] : memref<2x4096xf32, #tpu.memory_space<vmem>> -> memref<1x4096xf32, #tpu.memory_space<vmem>>
        %dma_start3A_54 = tpu.memref_squeeze %dma_start3A_53 : memref<1x4096xf32, #tpu.memory_space<vmem>> -> memref<4096xf32, #tpu.memory_space<vmem>>
        %dma_start3A_55 = tpu.memref_slice %arg7[%scan3A_13, %add3A, %mul3A_52] : memref<21x32x16384xf32, #tpu.memory_space<hbm>> -> memref<1x1x4096xf32, #tpu.memory_space<hbm>>
        %dma_start3A_56 = tpu.memref_squeeze %dma_start3A_55 : memref<1x1x4096xf32, #tpu.memory_space<hbm>> -> memref<4096xf32, #tpu.memory_space<hbm>>
        %dma_start3A_57 = tpu.memref_slice %arg7[%scan3A_13, %add3A, %mul3A_52] : memref<21x32x16384xf32, #tpu.memory_space<hbm>> -> memref<1x1x4096xf32, #tpu.memory_space<hbm>>
        %dma_start3A_58 = tpu.memref_squeeze %dma_start3A_57 : memref<1x1x4096xf32, #tpu.memory_space<hbm>> -> memref<4096xf32, #tpu.memory_space<hbm>>
        %dma_start3A_59 = arith.constant 0 : i32
        %dma_start3A_60 = tpu.memref_slice %arg10[%select_n3A_35, %dma_start3A_59] : memref<2x4096xf32, #tpu.memory_space<vmem>> -> memref<1x4096xf32, #tpu.memory_space<vmem>>
        %dma_start3A_61 = tpu.memref_squeeze %dma_start3A_60 : memref<1x4096xf32, #tpu.memory_space<vmem>> -> memref<4096xf32, #tpu.memory_space<vmem>>
        tpu.enqueue_dma source(%dma_start3A_61 : memref<4096xf32, #tpu.memory_space<vmem>>) target(%dma_start3A_58 : memref<4096xf32, #tpu.memory_space<hbm>>) target_semaphore(%arg13 : memref<!tpu.dma_semaphore, #tpu.memory_space<semaphore_mem>>)
      }
      %scan3A_24 = arith.constant 4 : i32
    }
    %scan3A_6 = arith.constant 21 : i32
    %scan3A_7 = arith.constant 0 : i32
    %scan3A_8 = arith.constant 0 : i32
    %scan3A_9 = arith.constant 2 : i32
    %scan3A_10 = arith.addi %scan3A_8, %scan3A_9 : i32
    %scan3A_11 = arith.constant 1 : i32
    scf.for %scan3A_13 = %scan3A_8 to %scan3A_10 step %scan3A_11  : i32 {
      %dma_wait3A = arith.constant 20 : i32
      %dma_wait3A_14 = arith.constant 0 : i32
      %dma_wait3A_15 = tpu.memref_slice %arg10[%scan3A_13, %dma_wait3A_14] : memref<2x4096xf32, #tpu.memory_space<vmem>> -> memref<1x4096xf32, #tpu.memory_space<vmem>>
      %dma_wait3A_16 = tpu.memref_squeeze %dma_wait3A_15 : memref<1x4096xf32, #tpu.memory_space<vmem>> -> memref<4096xf32, #tpu.memory_space<vmem>>
      %dma_wait3A_17 = arith.constant 0 : i32
      %dma_wait3A_18 = tpu.memref_slice %arg7[%dma_wait3A, %add3A, %dma_wait3A_17] : memref<21x32x16384xf32, #tpu.memory_space<hbm>> -> memref<1x1x4096xf32, #tpu.memory_space<hbm>>
      %dma_wait3A_19 = tpu.memref_squeeze %dma_wait3A_18 : memref<1x1x4096xf32, #tpu.memory_space<hbm>> -> memref<4096xf32, #tpu.memory_space<hbm>>
      %dma_wait3A_20 = arith.constant 0 : i32
      %dma_wait3A_21 = tpu.memref_slice %arg7[%dma_wait3A, %add3A, %dma_wait3A_20] : memref<21x32x16384xf32, #tpu.memory_space<hbm>> -> memref<1x1x4096xf32, #tpu.memory_space<hbm>>
      %dma_wait3A_22 = tpu.memref_squeeze %dma_wait3A_21 : memref<1x1x4096xf32, #tpu.memory_space<hbm>> -> memref<4096xf32, #tpu.memory_space<hbm>>
      %dma_wait3A_23 = arith.constant 0 : i32
      %dma_wait3A_24 = tpu.memref_slice %arg10[%scan3A_13, %dma_wait3A_23] : memref<2x4096xf32, #tpu.memory_space<vmem>> -> memref<1x4096xf32, #tpu.memory_space<vmem>>
      %dma_wait3A_25 = tpu.memref_squeeze %dma_wait3A_24 : memref<1x4096xf32, #tpu.memory_space<vmem>> -> memref<4096xf32, #tpu.memory_space<vmem>>
      tpu.wait_dma2 semaphore(%arg13 : memref<!tpu.dma_semaphore, #tpu.memory_space<semaphore_mem>>) src(%dma_wait3A_25 : memref<4096xf32, #tpu.memory_space<vmem>>) dst(%dma_wait3A_22 : memref<4096xf32, #tpu.memory_space<hbm>>)
    }
    %scan3A_12 = arith.constant 2 : i32
    return
  }
}

#map = affine_map<(d0, d1) -> (0, 0)>
#map1 = affine_map<(d0, d1) -> (0, 0, 0)>
#map2 = affine_map<(d0, d1) -> (0)>
module attributes {stable_mosaic.version = 14 : i64} {
  func.func @body(%arg0: i32, %arg1: i32, %arg2: memref<7x16384xi32, #tpu.memory_space<hbm>>, %arg3: memref<13x16384xf32, #tpu.memory_space<hbm>>, %arg4: memref<7x32x100000xf32, #tpu.memory_space<hbm>>, %arg5: memref<32xf32, #tpu.memory_space<hbm>>, %arg6: memref<32xf32, #tpu.memory_space<hbm>>, %arg7: memref<7x32x16384xf32, #tpu.memory_space<hbm>>, %arg8: memref<100000xf32, #tpu.memory_space<vmem>>, %arg9: memref<16384xi32, #tpu.memory_space<vmem>>, %arg10: memref<2x4096xf32, #tpu.memory_space<vmem>>, %arg11: memref<32xf32, #tpu.memory_space<vmem>>, %arg12: memref<32xf32, #tpu.memory_space<vmem>>, %arg13: memref<!tpu.dma_semaphore, #tpu.memory_space<semaphore_mem>>) attributes {dimension_semantics = [#tpu.dimension_semantics<core_parallel>, #tpu.dimension_semantics<subcore_parallel>], iteration_bounds = array<i64: 2, 16>, scalar_prefetch = 0 : i64, scratch_operands = 6 : i64, tpu.core_type = #tpu.core_type<sc_vector_subcore>, window_params = [{transform_indices = #map}, {transform_indices = #map}, {transform_indices = #map1}, {transform_indices = #map2}, {transform_indices = #map2}, {transform_indices = #map1}]} {
    %mul3A = arith.constant 2 : i32
    %mul3A_0 = arith.muli %arg1, %mul3A : i32
    %add3A = arith.addi %mul3A_0, %arg0 : i32
    "tpu.region"() ({
      %run_scoped3A = tpu.sem_alloc : memref<!tpu.dma_semaphore, #tpu.memory_space<semaphore_mem>>
      tpu.enqueue_dma source(%arg5 : memref<32xf32, #tpu.memory_space<hbm>>) target(%arg11 : memref<32xf32, #tpu.memory_space<vmem>>) target_semaphore(%run_scoped3A : memref<!tpu.dma_semaphore, #tpu.memory_space<semaphore_mem>>)
      tpu.wait_dma2 semaphore(%run_scoped3A : memref<!tpu.dma_semaphore, #tpu.memory_space<semaphore_mem>>) src(%arg5 : memref<32xf32, #tpu.memory_space<hbm>>) dst(%arg11 : memref<32xf32, #tpu.memory_space<vmem>>)
      tpu.yield
    }) : () -> ()
    "tpu.region"() ({
      %run_scoped3A = tpu.sem_alloc : memref<!tpu.dma_semaphore, #tpu.memory_space<semaphore_mem>>
      tpu.enqueue_dma source(%arg6 : memref<32xf32, #tpu.memory_space<hbm>>) target(%arg12 : memref<32xf32, #tpu.memory_space<vmem>>) target_semaphore(%run_scoped3A : memref<!tpu.dma_semaphore, #tpu.memory_space<semaphore_mem>>)
      tpu.wait_dma2 semaphore(%run_scoped3A : memref<!tpu.dma_semaphore, #tpu.memory_space<semaphore_mem>>) src(%arg6 : memref<32xf32, #tpu.memory_space<hbm>>) dst(%arg12 : memref<32xf32, #tpu.memory_space<vmem>>)
      tpu.yield
    }) : () -> ()
    %broadcast_in_dim3A = vector.broadcast %add3A : i32 to vector<16xi32>
    %gather3A = tpu.vector_load_idx %arg11[%broadcast_in_dim3A] : memref<32xf32, #tpu.memory_space<vmem>>[vector<16xi32>], vector<16xf32>,
    %gather3A_1 = tpu.vector_load_idx %arg12[%broadcast_in_dim3A] : memref<32xf32, #tpu.memory_space<vmem>>[vector<16xi32>], vector<16xf32>,
    %scan3A = arith.constant 0 : i32
    %scan3A_2 = arith.constant 0 : i32
    %scan3A_3 = arith.constant 7 : i32
    %scan3A_4 = arith.addi %scan3A_2, %scan3A_3 : i32
    %scan3A_5 = arith.constant 1 : i32
    scf.for %scan3A_13 = %scan3A_2 to %scan3A_4 step %scan3A_5  : i32 {
      %lt3A = arith.constant 7 : i32
      %lt3A_14 = arith.cmpi slt, %scan3A_13, %lt3A : i32
      %convert_element_type3A = arith.extui %lt3A_14 : i1 to i32
      %cond3A = arith.constant 0 : i32
      %cond3A_15 = arith.cmpi ne, %convert_element_type3A, %cond3A : i32
      scf.if %cond3A_15 {
        "tpu.region"() ({
          %run_scoped3A = tpu.sem_alloc : memref<!tpu.dma_semaphore, #tpu.memory_space<semaphore_mem>>
          %dma_start3A = arith.constant 0 : i32
          %dma_start3A_25 = tpu.memref_slice %arg2[%scan3A_13, %dma_start3A] : memref<7x16384xi32, #tpu.memory_space<hbm>> -> memref<1x16384xi32, #tpu.memory_space<hbm>>
          %dma_start3A_26 = tpu.memref_squeeze %dma_start3A_25 : memref<1x16384xi32, #tpu.memory_space<hbm>> -> memref<16384xi32, #tpu.memory_space<hbm>>
          %dma_start3A_27 = arith.constant 0 : i32
          %dma_start3A_28 = tpu.memref_slice %arg2[%scan3A_13, %dma_start3A_27] : memref<7x16384xi32, #tpu.memory_space<hbm>> -> memref<1x16384xi32, #tpu.memory_space<hbm>>
          %dma_start3A_29 = tpu.memref_squeeze %dma_start3A_28 : memref<1x16384xi32, #tpu.memory_space<hbm>> -> memref<16384xi32, #tpu.memory_space<hbm>>
          tpu.enqueue_dma source(%dma_start3A_29 : memref<16384xi32, #tpu.memory_space<hbm>>) target(%arg9 : memref<16384xi32, #tpu.memory_space<vmem>>) target_semaphore(%run_scoped3A : memref<!tpu.dma_semaphore, #tpu.memory_space<semaphore_mem>>)
          %dma_wait3A = arith.constant 0 : i32
          %dma_wait3A_30 = tpu.memref_slice %arg2[%scan3A_13, %dma_wait3A] : memref<7x16384xi32, #tpu.memory_space<hbm>> -> memref<1x16384xi32, #tpu.memory_space<hbm>>
          %dma_wait3A_31 = tpu.memref_squeeze %dma_wait3A_30 : memref<1x16384xi32, #tpu.memory_space<hbm>> -> memref<16384xi32, #tpu.memory_space<hbm>>
          %dma_wait3A_32 = arith.constant 0 : i32
          %dma_wait3A_33 = tpu.memref_slice %arg2[%scan3A_13, %dma_wait3A_32] : memref<7x16384xi32, #tpu.memory_space<hbm>> -> memref<1x16384xi32, #tpu.memory_space<hbm>>
          %dma_wait3A_34 = tpu.memref_squeeze %dma_wait3A_33 : memref<1x16384xi32, #tpu.memory_space<hbm>> -> memref<16384xi32, #tpu.memory_space<hbm>>
          tpu.wait_dma2 semaphore(%run_scoped3A : memref<!tpu.dma_semaphore, #tpu.memory_space<semaphore_mem>>) src(%dma_wait3A_34 : memref<16384xi32, #tpu.memory_space<hbm>>) dst(%arg9 : memref<16384xi32, #tpu.memory_space<vmem>>)
          tpu.yield
        }) : () -> ()
        "tpu.region"() ({
          %run_scoped3A = tpu.sem_alloc : memref<!tpu.dma_semaphore, #tpu.memory_space<semaphore_mem>>
          %dma_start3A = arith.constant 0 : i32
          %dma_start3A_25 = tpu.memref_slice %arg4[%scan3A_13, %add3A, %dma_start3A] : memref<7x32x100000xf32, #tpu.memory_space<hbm>> -> memref<1x1x100000xf32, #tpu.memory_space<hbm>>
          %dma_start3A_26 = tpu.memref_squeeze %dma_start3A_25 : memref<1x1x100000xf32, #tpu.memory_space<hbm>> -> memref<100000xf32, #tpu.memory_space<hbm>>
          %dma_start3A_27 = arith.constant 0 : i32
          %dma_start3A_28 = tpu.memref_slice %arg4[%scan3A_13, %add3A, %dma_start3A_27] : memref<7x32x100000xf32, #tpu.memory_space<hbm>> -> memref<1x1x100000xf32, #tpu.memory_space<hbm>>
          %dma_start3A_29 = tpu.memref_squeeze %dma_start3A_28 : memref<1x1x100000xf32, #tpu.memory_space<hbm>> -> memref<100000xf32, #tpu.memory_space<hbm>>
          tpu.enqueue_dma source(%dma_start3A_29 : memref<100000xf32, #tpu.memory_space<hbm>>) target(%arg8 : memref<100000xf32, #tpu.memory_space<vmem>>) target_semaphore(%run_scoped3A : memref<!tpu.dma_semaphore, #tpu.memory_space<semaphore_mem>>)
          %dma_wait3A = arith.constant 0 : i32
          %dma_wait3A_30 = tpu.memref_slice %arg4[%scan3A_13, %add3A, %dma_wait3A] : memref<7x32x100000xf32, #tpu.memory_space<hbm>> -> memref<1x1x100000xf32, #tpu.memory_space<hbm>>
          %dma_wait3A_31 = tpu.memref_squeeze %dma_wait3A_30 : memref<1x1x100000xf32, #tpu.memory_space<hbm>> -> memref<100000xf32, #tpu.memory_space<hbm>>
          %dma_wait3A_32 = arith.constant 0 : i32
          %dma_wait3A_33 = tpu.memref_slice %arg4[%scan3A_13, %add3A, %dma_wait3A_32] : memref<7x32x100000xf32, #tpu.memory_space<hbm>> -> memref<1x1x100000xf32, #tpu.memory_space<hbm>>
          %dma_wait3A_34 = tpu.memref_squeeze %dma_wait3A_33 : memref<1x1x100000xf32, #tpu.memory_space<hbm>> -> memref<100000xf32, #tpu.memory_space<hbm>>
          tpu.wait_dma2 semaphore(%run_scoped3A : memref<!tpu.dma_semaphore, #tpu.memory_space<semaphore_mem>>) src(%dma_wait3A_34 : memref<100000xf32, #tpu.memory_space<hbm>>) dst(%arg8 : memref<100000xf32, #tpu.memory_space<vmem>>)
          tpu.yield
        }) : () -> ()
      } else {
      }
      %not3A = arith.constant true
      %not3A_16 = arith.xori %lt3A_14, %not3A : i1
      %convert_element_type3A_17 = arith.extui %not3A_16 : i1 to i32
      %cond3A_18 = arith.constant 0 : i32
      %cond3A_19 = arith.cmpi ne, %convert_element_type3A_17, %cond3A_18 : i32
      scf.if %cond3A_19 {
        %sub3A = arith.constant 7 : i32
        %sub3A_25 = arith.subi %scan3A_13, %sub3A : i32
        "tpu.region"() ({
          %run_scoped3A = tpu.sem_alloc : memref<!tpu.dma_semaphore, #tpu.memory_space<semaphore_mem>>
          %dma_start3A = arith.constant 0 : i32
          %dma_start3A_26 = tpu.memref_slice %arg8[%dma_start3A] : memref<100000xf32, #tpu.memory_space<vmem>> -> memref<16384xf32, #tpu.memory_space<vmem>>
          %dma_start3A_27 = arith.constant 0 : i32
          %dma_start3A_28 = tpu.memref_slice %arg3[%sub3A_25, %dma_start3A_27] : memref<13x16384xf32, #tpu.memory_space<hbm>> -> memref<1x16384xf32, #tpu.memory_space<hbm>>
          %dma_start3A_29 = tpu.memref_squeeze %dma_start3A_28 : memref<1x16384xf32, #tpu.memory_space<hbm>> -> memref<16384xf32, #tpu.memory_space<hbm>>
          %dma_start3A_30 = arith.constant 0 : i32
          %dma_start3A_31 = tpu.memref_slice %arg8[%dma_start3A_30] : memref<100000xf32, #tpu.memory_space<vmem>> -> memref<16384xf32, #tpu.memory_space<vmem>>
          %dma_start3A_32 = arith.constant 0 : i32
          %dma_start3A_33 = tpu.memref_slice %arg3[%sub3A_25, %dma_start3A_32] : memref<13x16384xf32, #tpu.memory_space<hbm>> -> memref<1x16384xf32, #tpu.memory_space<hbm>>
          %dma_start3A_34 = tpu.memref_squeeze %dma_start3A_33 : memref<1x16384xf32, #tpu.memory_space<hbm>> -> memref<16384xf32, #tpu.memory_space<hbm>>
          tpu.enqueue_dma source(%dma_start3A_34 : memref<16384xf32, #tpu.memory_space<hbm>>) target(%dma_start3A_31 : memref<16384xf32, #tpu.memory_space<vmem>>) target_semaphore(%run_scoped3A : memref<!tpu.dma_semaphore, #tpu.memory_space<semaphore_mem>>)
          %dma_wait3A = arith.constant 0 : i32
          %dma_wait3A_35 = tpu.memref_slice %arg8[%dma_wait3A] : memref<100000xf32, #tpu.memory_space<vmem>> -> memref<16384xf32, #tpu.memory_space<vmem>>
          %dma_wait3A_36 = arith.constant 0 : i32
          %dma_wait3A_37 = tpu.memref_slice %arg3[%sub3A_25, %dma_wait3A_36] : memref<13x16384xf32, #tpu.memory_space<hbm>> -> memref<1x16384xf32, #tpu.memory_space<hbm>>
          %dma_wait3A_38 = tpu.memref_squeeze %dma_wait3A_37 : memref<1x16384xf32, #tpu.memory_space<hbm>> -> memref<16384xf32, #tpu.memory_space<hbm>>
          %dma_wait3A_39 = arith.constant 0 : i32
          %dma_wait3A_40 = tpu.memref_slice %arg8[%dma_wait3A_39] : memref<100000xf32, #tpu.memory_space<vmem>> -> memref<16384xf32, #tpu.memory_space<vmem>>
          %dma_wait3A_41 = arith.constant 0 : i32
          %dma_wait3A_42 = tpu.memref_slice %arg3[%sub3A_25, %dma_wait3A_41] : memref<13x16384xf32, #tpu.memory_space<hbm>> -> memref<1x16384xf32, #tpu.memory_space<hbm>>
          %dma_wait3A_43 = tpu.memref_squeeze %dma_wait3A_42 : memref<1x16384xf32, #tpu.memory_space<hbm>> -> memref<16384xf32, #tpu.memory_space<hbm>>
          tpu.wait_dma2 semaphore(%run_scoped3A : memref<!tpu.dma_semaphore, #tpu.memory_space<semaphore_mem>>) src(%dma_wait3A_43 : memref<16384xf32, #tpu.memory_space<hbm>>) dst(%dma_wait3A_40 : memref<16384xf32, #tpu.memory_space<vmem>>)
          tpu.yield
        }) : () -> ()
      } else {
      }
      %scan3A_20 = arith.constant 0 : i32
      %scan3A_21 = arith.constant 4 : i32
      %scan3A_22 = arith.addi %scan3A_20, %scan3A_21 : i32
      %scan3A_23 = arith.constant 1 : i32
      scf.for %scan3A_25 = %scan3A_20 to %scan3A_22 step %scan3A_23  : i32 {
        %jit3A = arith.constant 2 : i32
        %eq3A = arith.constant 0 : i32
        %eq3A_26 = arith.cmpi eq, %jit3A, %eq3A : i32
        %jit3A_27 = arith.constant 1 : i32
        %select_n3A = arith.select %eq3A_26, %jit3A_27, %jit3A : i32
        %rem3A = arith.remsi %scan3A_25, %select_n3A : i32
        %ne3A = arith.constant 0 : i32
        %ne3A_28 = arith.cmpi ne, %rem3A, %ne3A : i32
        %lt3A_29 = arith.constant 0 : i32
        %lt3A_30 = arith.cmpi slt, %rem3A, %lt3A_29 : i32
        %lt3A_31 = arith.constant 0 : i32
        %lt3A_32 = arith.cmpi slt, %select_n3A, %lt3A_31 : i32
        %ne3A_33 = arith.xori %lt3A_30, %lt3A_32 : i1
        %and3A = arith.andi %ne3A_33, %ne3A_28 : i1
        %add3A_34 = arith.addi %rem3A, %select_n3A : i32
        %select_n3A_35 = arith.select %and3A, %add3A_34, %rem3A : i32
        %mul3A_36 = arith.constant 4 : i32
        %mul3A_37 = arith.muli %scan3A_13, %mul3A_36 : i32
        %add3A_38 = arith.addi %mul3A_37, %scan3A_25 : i32
        %ge3A = arith.constant 2 : i32
        %ge3A_39 = arith.cmpi sge, %add3A_38, %ge3A : i32
        %convert_element_type3A_40 = arith.extui %ge3A_39 : i1 to i32
        %cond3A_41 = arith.constant 0 : i32
        %cond3A_42 = arith.cmpi ne, %convert_element_type3A_40, %cond3A_41 : i32
        scf.if %cond3A_42 {
          %dma_wait3A = arith.constant 0 : i32
          %dma_wait3A_62 = tpu.memref_slice %arg10[%select_n3A_35, %dma_wait3A] : memref<2x4096xf32, #tpu.memory_space<vmem>> -> memref<1x4096xf32, #tpu.memory_space<vmem>>
          %dma_wait3A_63 = tpu.memref_squeeze %dma_wait3A_62 : memref<1x4096xf32, #tpu.memory_space<vmem>> -> memref<4096xf32, #tpu.memory_space<vmem>>
          %dma_wait3A_64 = arith.constant 0 : i32
          %dma_wait3A_65 = tpu.memref_slice %arg7[%scan3A_13, %add3A, %dma_wait3A_64] : memref<7x32x16384xf32, #tpu.memory_space<hbm>> -> memref<1x1x4096xf32, #tpu.memory_space<hbm>>
          %dma_wait3A_66 = tpu.memref_squeeze %dma_wait3A_65 : memref<1x1x4096xf32, #tpu.memory_space<hbm>> -> memref<4096xf32, #tpu.memory_space<hbm>>
          %dma_wait3A_67 = arith.constant 0 : i32
          %dma_wait3A_68 = tpu.memref_slice %arg7[%scan3A_13, %add3A, %dma_wait3A_67] : memref<7x32x16384xf32, #tpu.memory_space<hbm>> -> memref<1x1x4096xf32, #tpu.memory_space<hbm>>
          %dma_wait3A_69 = tpu.memref_squeeze %dma_wait3A_68 : memref<1x1x4096xf32, #tpu.memory_space<hbm>> -> memref<4096xf32, #tpu.memory_space<hbm>>
          %dma_wait3A_70 = arith.constant 0 : i32
          %dma_wait3A_71 = tpu.memref_slice %arg10[%select_n3A_35, %dma_wait3A_70] : memref<2x4096xf32, #tpu.memory_space<vmem>> -> memref<1x4096xf32, #tpu.memory_space<vmem>>
          %dma_wait3A_72 = tpu.memref_squeeze %dma_wait3A_71 : memref<1x4096xf32, #tpu.memory_space<vmem>> -> memref<4096xf32, #tpu.memory_space<vmem>>
          tpu.wait_dma2 semaphore(%arg13 : memref<!tpu.dma_semaphore, #tpu.memory_space<semaphore_mem>>) src(%dma_wait3A_72 : memref<4096xf32, #tpu.memory_space<vmem>>) dst(%dma_wait3A_69 : memref<4096xf32, #tpu.memory_space<hbm>>)
        } else {
        }
        %convert_element_type3A_43 = arith.extui %lt3A_14 : i1 to i32
        %cond3A_44 = arith.constant 0 : i32
        %cond3A_45 = arith.cmpi ne, %convert_element_type3A_43, %cond3A_44 : i32
        scf.if %cond3A_45 {
          %scan3A_62 = arith.constant 0 : i32
          %scan3A_63 = arith.constant 0 : i32
          %scan3A_64 = arith.constant 32 : i32
          %scan3A_65 = arith.addi %scan3A_63, %scan3A_64 : i32
          %scan3A_66 = arith.constant 1 : i32
          scf.for %scan3A_68 = %scan3A_63 to %scan3A_65 step %scan3A_66  : i32 {
            %mul3A_69 = arith.constant 8 : i32
            %mul3A_70 = arith.muli %scan3A_68, %mul3A_69 : i32
            %add3A_71 = arith.constant 0 : i32
            %add3A_72 = arith.addi %mul3A_70, %add3A_71 : i32
            %mul3A_73 = arith.constant 4096 : i32
            %mul3A_74 = arith.muli %scan3A_25, %mul3A_73 : i32
            %mul3A_75 = arith.constant 16 : i32
            %mul3A_76 = arith.muli %add3A_72, %mul3A_75 : i32
            %add3A_77 = arith.addi %mul3A_74, %mul3A_76 : i32
            %get3A = arith.index_cast %add3A_77 : i32 to index
            %get3A_78 = tpu.vector_load %arg9[%get3A] {strides = array<i32>} : memref<16384xi32, #tpu.memory_space<vmem>>, vector<16xi32>,
            %gather3A_79 = tpu.vector_load_idx %arg8[%get3A_78] : memref<100000xf32, #tpu.memory_space<vmem>>[vector<16xi32>], vector<16xf32>,
            %mul3A_80 = arith.constant 16 : i32
            %mul3A_81 = arith.muli %add3A_72, %mul3A_80 : i32
            %swap3A = arith.constant 0 : i32
            %swap3A_82 = tpu.memref_slice %arg10[%select_n3A_35, %swap3A] : memref<2x4096xf32, #tpu.memory_space<vmem>> -> memref<1x4096xf32, #tpu.memory_space<vmem>>
            %swap3A_83 = tpu.memref_squeeze %swap3A_82 : memref<1x4096xf32, #tpu.memory_space<vmem>> -> memref<4096xf32, #tpu.memory_space<vmem>>
            %swap3A_84 = arith.index_cast %mul3A_81 : i32 to index
            %swap3A_85 = tpu.vector_load %swap3A_83[%swap3A_84] {strides = array<i32>} : memref<4096xf32, #tpu.memory_space<vmem>>, vector<16xf32>,
            tpu.vector_store %swap3A_83[%swap3A_84], %gather3A_79 {strides = array<i32>} : memref<4096xf32, #tpu.memory_space<vmem>>, vector<16xf32>,
            %mul3A_86 = arith.constant 8 : i32
            %mul3A_87 = arith.muli %scan3A_68, %mul3A_86 : i32
            %add3A_88 = arith.constant 1 : i32
            %add3A_89 = arith.addi %mul3A_87, %add3A_88 : i32
            %mul3A_90 = arith.constant 4096 : i32
            %mul3A_91 = arith.muli %scan3A_25, %mul3A_90 : i32
            %mul3A_92 = arith.constant 16 : i32
            %mul3A_93 = arith.muli %add3A_89, %mul3A_92 : i32
            %add3A_94 = arith.addi %mul3A_91, %mul3A_93 : i32
            %get3A_95 = arith.index_cast %add3A_94 : i32 to index
            %get3A_96 = tpu.vector_load %arg9[%get3A_95] {strides = array<i32>} : memref<16384xi32, #tpu.memory_space<vmem>>, vector<16xi32>,
            %gather3A_97 = tpu.vector_load_idx %arg8[%get3A_96] : memref<100000xf32, #tpu.memory_space<vmem>>[vector<16xi32>], vector<16xf32>,
            %mul3A_98 = arith.constant 16 : i32
            %mul3A_99 = arith.muli %add3A_89, %mul3A_98 : i32
            %swap3A_100 = arith.constant 0 : i32
            %swap3A_101 = tpu.memref_slice %arg10[%select_n3A_35, %swap3A_100] : memref<2x4096xf32, #tpu.memory_space<vmem>> -> memref<1x4096xf32, #tpu.memory_space<vmem>>
            %swap3A_102 = tpu.memref_squeeze %swap3A_101 : memref<1x4096xf32, #tpu.memory_space<vmem>> -> memref<4096xf32, #tpu.memory_space<vmem>>
            %swap3A_103 = arith.index_cast %mul3A_99 : i32 to index
            %swap3A_104 = tpu.vector_load %swap3A_102[%swap3A_103] {strides = array<i32>} : memref<4096xf32, #tpu.memory_space<vmem>>, vector<16xf32>,
            tpu.vector_store %swap3A_102[%swap3A_103], %gather3A_97 {strides = array<i32>} : memref<4096xf32, #tpu.memory_space<vmem>>, vector<16xf32>,
            %mul3A_105 = arith.constant 8 : i32
            %mul3A_106 = arith.muli %scan3A_68, %mul3A_105 : i32
            %add3A_107 = arith.constant 2 : i32
            %add3A_108 = arith.addi %mul3A_106, %add3A_107 : i32
            %mul3A_109 = arith.constant 4096 : i32
            %mul3A_110 = arith.muli %scan3A_25, %mul3A_109 : i32
            %mul3A_111 = arith.constant 16 : i32
            %mul3A_112 = arith.muli %add3A_108, %mul3A_111 : i32
            %add3A_113 = arith.addi %mul3A_110, %mul3A_112 : i32
            %get3A_114 = arith.index_cast %add3A_113 : i32 to index
            %get3A_115 = tpu.vector_load %arg9[%get3A_114] {strides = array<i32>} : memref<16384xi32, #tpu.memory_space<vmem>>, vector<16xi32>,
            %gather3A_116 = tpu.vector_load_idx %arg8[%get3A_115] : memref<100000xf32, #tpu.memory_space<vmem>>[vector<16xi32>], vector<16xf32>,
            %mul3A_117 = arith.constant 16 : i32
            %mul3A_118 = arith.muli %add3A_108, %mul3A_117 : i32
            %swap3A_119 = arith.constant 0 : i32
            %swap3A_120 = tpu.memref_slice %arg10[%select_n3A_35, %swap3A_119] : memref<2x4096xf32, #tpu.memory_space<vmem>> -> memref<1x4096xf32, #tpu.memory_space<vmem>>
            %swap3A_121 = tpu.memref_squeeze %swap3A_120 : memref<1x4096xf32, #tpu.memory_space<vmem>> -> memref<4096xf32, #tpu.memory_space<vmem>>
            %swap3A_122 = arith.index_cast %mul3A_118 : i32 to index
            %swap3A_123 = tpu.vector_load %swap3A_121[%swap3A_122] {strides = array<i32>} : memref<4096xf32, #tpu.memory_space<vmem>>, vector<16xf32>,
            tpu.vector_store %swap3A_121[%swap3A_122], %gather3A_116 {strides = array<i32>} : memref<4096xf32, #tpu.memory_space<vmem>>, vector<16xf32>,
            %mul3A_124 = arith.constant 8 : i32
            %mul3A_125 = arith.muli %scan3A_68, %mul3A_124 : i32
            %add3A_126 = arith.constant 3 : i32
            %add3A_127 = arith.addi %mul3A_125, %add3A_126 : i32
            %mul3A_128 = arith.constant 4096 : i32
            %mul3A_129 = arith.muli %scan3A_25, %mul3A_128 : i32
            %mul3A_130 = arith.constant 16 : i32
            %mul3A_131 = arith.muli %add3A_127, %mul3A_130 : i32
            %add3A_132 = arith.addi %mul3A_129, %mul3A_131 : i32
            %get3A_133 = arith.index_cast %add3A_132 : i32 to index
            %get3A_134 = tpu.vector_load %arg9[%get3A_133] {strides = array<i32>} : memref<16384xi32, #tpu.memory_space<vmem>>, vector<16xi32>,
            %gather3A_135 = tpu.vector_load_idx %arg8[%get3A_134] : memref<100000xf32, #tpu.memory_space<vmem>>[vector<16xi32>], vector<16xf32>,
            %mul3A_136 = arith.constant 16 : i32
            %mul3A_137 = arith.muli %add3A_127, %mul3A_136 : i32
            %swap3A_138 = arith.constant 0 : i32
            %swap3A_139 = tpu.memref_slice %arg10[%select_n3A_35, %swap3A_138] : memref<2x4096xf32, #tpu.memory_space<vmem>> -> memref<1x4096xf32, #tpu.memory_space<vmem>>
            %swap3A_140 = tpu.memref_squeeze %swap3A_139 : memref<1x4096xf32, #tpu.memory_space<vmem>> -> memref<4096xf32, #tpu.memory_space<vmem>>
            %swap3A_141 = arith.index_cast %mul3A_137 : i32 to index
            %swap3A_142 = tpu.vector_load %swap3A_140[%swap3A_141] {strides = array<i32>} : memref<4096xf32, #tpu.memory_space<vmem>>, vector<16xf32>,
            tpu.vector_store %swap3A_140[%swap3A_141], %gather3A_135 {strides = array<i32>} : memref<4096xf32, #tpu.memory_space<vmem>>, vector<16xf32>,
            %mul3A_143 = arith.constant 8 : i32
            %mul3A_144 = arith.muli %scan3A_68, %mul3A_143 : i32
            %add3A_145 = arith.constant 4 : i32
            %add3A_146 = arith.addi %mul3A_144, %add3A_145 : i32
            %mul3A_147 = arith.constant 4096 : i32
            %mul3A_148 = arith.muli %scan3A_25, %mul3A_147 : i32
            %mul3A_149 = arith.constant 16 : i32
            %mul3A_150 = arith.muli %add3A_146, %mul3A_149 : i32
            %add3A_151 = arith.addi %mul3A_148, %mul3A_150 : i32
            %get3A_152 = arith.index_cast %add3A_151 : i32 to index
            %get3A_153 = tpu.vector_load %arg9[%get3A_152] {strides = array<i32>} : memref<16384xi32, #tpu.memory_space<vmem>>, vector<16xi32>,
            %gather3A_154 = tpu.vector_load_idx %arg8[%get3A_153] : memref<100000xf32, #tpu.memory_space<vmem>>[vector<16xi32>], vector<16xf32>,
            %mul3A_155 = arith.constant 16 : i32
            %mul3A_156 = arith.muli %add3A_146, %mul3A_155 : i32
            %swap3A_157 = arith.constant 0 : i32
            %swap3A_158 = tpu.memref_slice %arg10[%select_n3A_35, %swap3A_157] : memref<2x4096xf32, #tpu.memory_space<vmem>> -> memref<1x4096xf32, #tpu.memory_space<vmem>>
            %swap3A_159 = tpu.memref_squeeze %swap3A_158 : memref<1x4096xf32, #tpu.memory_space<vmem>> -> memref<4096xf32, #tpu.memory_space<vmem>>
            %swap3A_160 = arith.index_cast %mul3A_156 : i32 to index
            %swap3A_161 = tpu.vector_load %swap3A_159[%swap3A_160] {strides = array<i32>} : memref<4096xf32, #tpu.memory_space<vmem>>, vector<16xf32>,
            tpu.vector_store %swap3A_159[%swap3A_160], %gather3A_154 {strides = array<i32>} : memref<4096xf32, #tpu.memory_space<vmem>>, vector<16xf32>,
            %mul3A_162 = arith.constant 8 : i32
            %mul3A_163 = arith.muli %scan3A_68, %mul3A_162 : i32
            %add3A_164 = arith.constant 5 : i32
            %add3A_165 = arith.addi %mul3A_163, %add3A_164 : i32
            %mul3A_166 = arith.constant 4096 : i32
            %mul3A_167 = arith.muli %scan3A_25, %mul3A_166 : i32
            %mul3A_168 = arith.constant 16 : i32
            %mul3A_169 = arith.muli %add3A_165, %mul3A_168 : i32
            %add3A_170 = arith.addi %mul3A_167, %mul3A_169 : i32
            %get3A_171 = arith.index_cast %add3A_170 : i32 to index
            %get3A_172 = tpu.vector_load %arg9[%get3A_171] {strides = array<i32>} : memref<16384xi32, #tpu.memory_space<vmem>>, vector<16xi32>,
            %gather3A_173 = tpu.vector_load_idx %arg8[%get3A_172] : memref<100000xf32, #tpu.memory_space<vmem>>[vector<16xi32>], vector<16xf32>,
            %mul3A_174 = arith.constant 16 : i32
            %mul3A_175 = arith.muli %add3A_165, %mul3A_174 : i32
            %swap3A_176 = arith.constant 0 : i32
            %swap3A_177 = tpu.memref_slice %arg10[%select_n3A_35, %swap3A_176] : memref<2x4096xf32, #tpu.memory_space<vmem>> -> memref<1x4096xf32, #tpu.memory_space<vmem>>
            %swap3A_178 = tpu.memref_squeeze %swap3A_177 : memref<1x4096xf32, #tpu.memory_space<vmem>> -> memref<4096xf32, #tpu.memory_space<vmem>>
            %swap3A_179 = arith.index_cast %mul3A_175 : i32 to index
            %swap3A_180 = tpu.vector_load %swap3A_178[%swap3A_179] {strides = array<i32>} : memref<4096xf32, #tpu.memory_space<vmem>>, vector<16xf32>,
            tpu.vector_store %swap3A_178[%swap3A_179], %gather3A_173 {strides = array<i32>} : memref<4096xf32, #tpu.memory_space<vmem>>, vector<16xf32>,
            %mul3A_181 = arith.constant 8 : i32
            %mul3A_182 = arith.muli %scan3A_68, %mul3A_181 : i32
            %add3A_183 = arith.constant 6 : i32
            %add3A_184 = arith.addi %mul3A_182, %add3A_183 : i32
            %mul3A_185 = arith.constant 4096 : i32
            %mul3A_186 = arith.muli %scan3A_25, %mul3A_185 : i32
            %mul3A_187 = arith.constant 16 : i32
            %mul3A_188 = arith.muli %add3A_184, %mul3A_187 : i32
            %add3A_189 = arith.addi %mul3A_186, %mul3A_188 : i32
            %get3A_190 = arith.index_cast %add3A_189 : i32 to index
            %get3A_191 = tpu.vector_load %arg9[%get3A_190] {strides = array<i32>} : memref<16384xi32, #tpu.memory_space<vmem>>, vector<16xi32>,
            %gather3A_192 = tpu.vector_load_idx %arg8[%get3A_191] : memref<100000xf32, #tpu.memory_space<vmem>>[vector<16xi32>], vector<16xf32>,
            %mul3A_193 = arith.constant 16 : i32
            %mul3A_194 = arith.muli %add3A_184, %mul3A_193 : i32
            %swap3A_195 = arith.constant 0 : i32
            %swap3A_196 = tpu.memref_slice %arg10[%select_n3A_35, %swap3A_195] : memref<2x4096xf32, #tpu.memory_space<vmem>> -> memref<1x4096xf32, #tpu.memory_space<vmem>>
            %swap3A_197 = tpu.memref_squeeze %swap3A_196 : memref<1x4096xf32, #tpu.memory_space<vmem>> -> memref<4096xf32, #tpu.memory_space<vmem>>
            %swap3A_198 = arith.index_cast %mul3A_194 : i32 to index
            %swap3A_199 = tpu.vector_load %swap3A_197[%swap3A_198] {strides = array<i32>} : memref<4096xf32, #tpu.memory_space<vmem>>, vector<16xf32>,
            tpu.vector_store %swap3A_197[%swap3A_198], %gather3A_192 {strides = array<i32>} : memref<4096xf32, #tpu.memory_space<vmem>>, vector<16xf32>,
            %mul3A_200 = arith.constant 8 : i32
            %mul3A_201 = arith.muli %scan3A_68, %mul3A_200 : i32
            %add3A_202 = arith.constant 7 : i32
            %add3A_203 = arith.addi %mul3A_201, %add3A_202 : i32
            %mul3A_204 = arith.constant 4096 : i32
            %mul3A_205 = arith.muli %scan3A_25, %mul3A_204 : i32
            %mul3A_206 = arith.constant 16 : i32
            %mul3A_207 = arith.muli %add3A_203, %mul3A_206 : i32
            %add3A_208 = arith.addi %mul3A_205, %mul3A_207 : i32
            %get3A_209 = arith.index_cast %add3A_208 : i32 to index
            %get3A_210 = tpu.vector_load %arg9[%get3A_209] {strides = array<i32>} : memref<16384xi32, #tpu.memory_space<vmem>>, vector<16xi32>,
            %gather3A_211 = tpu.vector_load_idx %arg8[%get3A_210] : memref<100000xf32, #tpu.memory_space<vmem>>[vector<16xi32>], vector<16xf32>,
            %mul3A_212 = arith.constant 16 : i32
            %mul3A_213 = arith.muli %add3A_203, %mul3A_212 : i32
            %swap3A_214 = arith.constant 0 : i32
            %swap3A_215 = tpu.memref_slice %arg10[%select_n3A_35, %swap3A_214] : memref<2x4096xf32, #tpu.memory_space<vmem>> -> memref<1x4096xf32, #tpu.memory_space<vmem>>
            %swap3A_216 = tpu.memref_squeeze %swap3A_215 : memref<1x4096xf32, #tpu.memory_space<vmem>> -> memref<4096xf32, #tpu.memory_space<vmem>>
            %swap3A_217 = arith.index_cast %mul3A_213 : i32 to index
            %swap3A_218 = tpu.vector_load %swap3A_216[%swap3A_217] {strides = array<i32>} : memref<4096xf32, #tpu.memory_space<vmem>>, vector<16xf32>,
            tpu.vector_store %swap3A_216[%swap3A_217], %gather3A_211 {strides = array<i32>} : memref<4096xf32, #tpu.memory_space<vmem>>, vector<16xf32>,
          }
          %scan3A_67 = arith.constant 32 : i32
        } else {
        }
        %not3A_46 = arith.constant true
        %not3A_47 = arith.xori %lt3A_14, %not3A_46 : i1
        %convert_element_type3A_48 = arith.extui %not3A_47 : i1 to i32
        %cond3A_49 = arith.constant 0 : i32
        %cond3A_50 = arith.cmpi ne, %convert_element_type3A_48, %cond3A_49 : i32
        scf.if %cond3A_50 {
          %scan3A_62 = arith.constant 0 : i32
          %scan3A_63 = arith.constant 0 : i32
          %scan3A_64 = arith.constant 32 : i32
          %scan3A_65 = arith.addi %scan3A_63, %scan3A_64 : i32
          %scan3A_66 = arith.constant 1 : i32
          scf.for %scan3A_68 = %scan3A_63 to %scan3A_65 step %scan3A_66  : i32 {
            %mul3A_69 = arith.constant 8 : i32
            %mul3A_70 = arith.muli %scan3A_68, %mul3A_69 : i32
            %add3A_71 = arith.constant 0 : i32
            %add3A_72 = arith.addi %mul3A_70, %add3A_71 : i32
            %mul3A_73 = arith.constant 4096 : i32
            %mul3A_74 = arith.muli %scan3A_25, %mul3A_73 : i32
            %mul3A_75 = arith.constant 16 : i32
            %mul3A_76 = arith.muli %add3A_72, %mul3A_75 : i32
            %add3A_77 = arith.addi %mul3A_74, %mul3A_76 : i32
            %get3A = arith.index_cast %add3A_77 : i32 to index
            %get3A_78 = tpu.vector_load %arg8[%get3A] {strides = array<i32>} : memref<100000xf32, #tpu.memory_space<vmem>>, vector<16xf32>,
            %mul3A_79 = arith.mulf %get3A_78, %gather3A : vector<16xf32>
            %add3A_80 = arith.addf %mul3A_79, %gather3A_1 : vector<16xf32>
            %mul3A_81 = arith.constant 16 : i32
            %mul3A_82 = arith.muli %add3A_72, %mul3A_81 : i32
            %swap3A = arith.constant 0 : i32
            %swap3A_83 = tpu.memref_slice %arg10[%select_n3A_35, %swap3A] : memref<2x4096xf32, #tpu.memory_space<vmem>> -> memref<1x4096xf32, #tpu.memory_space<vmem>>
            %swap3A_84 = tpu.memref_squeeze %swap3A_83 : memref<1x4096xf32, #tpu.memory_space<vmem>> -> memref<4096xf32, #tpu.memory_space<vmem>>
            %swap3A_85 = arith.index_cast %mul3A_82 : i32 to index
            %swap3A_86 = tpu.vector_load %swap3A_84[%swap3A_85] {strides = array<i32>} : memref<4096xf32, #tpu.memory_space<vmem>>, vector<16xf32>,
            tpu.vector_store %swap3A_84[%swap3A_85], %add3A_80 {strides = array<i32>} : memref<4096xf32, #tpu.memory_space<vmem>>, vector<16xf32>,
            %mul3A_87 = arith.constant 8 : i32
            %mul3A_88 = arith.muli %scan3A_68, %mul3A_87 : i32
            %add3A_89 = arith.constant 1 : i32
            %add3A_90 = arith.addi %mul3A_88, %add3A_89 : i32
            %mul3A_91 = arith.constant 4096 : i32
            %mul3A_92 = arith.muli %scan3A_25, %mul3A_91 : i32
            %mul3A_93 = arith.constant 16 : i32
            %mul3A_94 = arith.muli %add3A_90, %mul3A_93 : i32
            %add3A_95 = arith.addi %mul3A_92, %mul3A_94 : i32
            %get3A_96 = arith.index_cast %add3A_95 : i32 to index
            %get3A_97 = tpu.vector_load %arg8[%get3A_96] {strides = array<i32>} : memref<100000xf32, #tpu.memory_space<vmem>>, vector<16xf32>,
            %mul3A_98 = arith.mulf %get3A_97, %gather3A : vector<16xf32>
            %add3A_99 = arith.addf %mul3A_98, %gather3A_1 : vector<16xf32>
            %mul3A_100 = arith.constant 16 : i32
            %mul3A_101 = arith.muli %add3A_90, %mul3A_100 : i32
            %swap3A_102 = arith.constant 0 : i32
            %swap3A_103 = tpu.memref_slice %arg10[%select_n3A_35, %swap3A_102] : memref<2x4096xf32, #tpu.memory_space<vmem>> -> memref<1x4096xf32, #tpu.memory_space<vmem>>
            %swap3A_104 = tpu.memref_squeeze %swap3A_103 : memref<1x4096xf32, #tpu.memory_space<vmem>> -> memref<4096xf32, #tpu.memory_space<vmem>>
            %swap3A_105 = arith.index_cast %mul3A_101 : i32 to index
            %swap3A_106 = tpu.vector_load %swap3A_104[%swap3A_105] {strides = array<i32>} : memref<4096xf32, #tpu.memory_space<vmem>>, vector<16xf32>,
            tpu.vector_store %swap3A_104[%swap3A_105], %add3A_99 {strides = array<i32>} : memref<4096xf32, #tpu.memory_space<vmem>>, vector<16xf32>,
            %mul3A_107 = arith.constant 8 : i32
            %mul3A_108 = arith.muli %scan3A_68, %mul3A_107 : i32
            %add3A_109 = arith.constant 2 : i32
            %add3A_110 = arith.addi %mul3A_108, %add3A_109 : i32
            %mul3A_111 = arith.constant 4096 : i32
            %mul3A_112 = arith.muli %scan3A_25, %mul3A_111 : i32
            %mul3A_113 = arith.constant 16 : i32
            %mul3A_114 = arith.muli %add3A_110, %mul3A_113 : i32
            %add3A_115 = arith.addi %mul3A_112, %mul3A_114 : i32
            %get3A_116 = arith.index_cast %add3A_115 : i32 to index
            %get3A_117 = tpu.vector_load %arg8[%get3A_116] {strides = array<i32>} : memref<100000xf32, #tpu.memory_space<vmem>>, vector<16xf32>,
            %mul3A_118 = arith.mulf %get3A_117, %gather3A : vector<16xf32>
            %add3A_119 = arith.addf %mul3A_118, %gather3A_1 : vector<16xf32>
            %mul3A_120 = arith.constant 16 : i32
            %mul3A_121 = arith.muli %add3A_110, %mul3A_120 : i32
            %swap3A_122 = arith.constant 0 : i32
            %swap3A_123 = tpu.memref_slice %arg10[%select_n3A_35, %swap3A_122] : memref<2x4096xf32, #tpu.memory_space<vmem>> -> memref<1x4096xf32, #tpu.memory_space<vmem>>
            %swap3A_124 = tpu.memref_squeeze %swap3A_123 : memref<1x4096xf32, #tpu.memory_space<vmem>> -> memref<4096xf32, #tpu.memory_space<vmem>>
            %swap3A_125 = arith.index_cast %mul3A_121 : i32 to index
            %swap3A_126 = tpu.vector_load %swap3A_124[%swap3A_125] {strides = array<i32>} : memref<4096xf32, #tpu.memory_space<vmem>>, vector<16xf32>,
            tpu.vector_store %swap3A_124[%swap3A_125], %add3A_119 {strides = array<i32>} : memref<4096xf32, #tpu.memory_space<vmem>>, vector<16xf32>,
            %mul3A_127 = arith.constant 8 : i32
            %mul3A_128 = arith.muli %scan3A_68, %mul3A_127 : i32
            %add3A_129 = arith.constant 3 : i32
            %add3A_130 = arith.addi %mul3A_128, %add3A_129 : i32
            %mul3A_131 = arith.constant 4096 : i32
            %mul3A_132 = arith.muli %scan3A_25, %mul3A_131 : i32
            %mul3A_133 = arith.constant 16 : i32
            %mul3A_134 = arith.muli %add3A_130, %mul3A_133 : i32
            %add3A_135 = arith.addi %mul3A_132, %mul3A_134 : i32
            %get3A_136 = arith.index_cast %add3A_135 : i32 to index
            %get3A_137 = tpu.vector_load %arg8[%get3A_136] {strides = array<i32>} : memref<100000xf32, #tpu.memory_space<vmem>>, vector<16xf32>,
            %mul3A_138 = arith.mulf %get3A_137, %gather3A : vector<16xf32>
            %add3A_139 = arith.addf %mul3A_138, %gather3A_1 : vector<16xf32>
            %mul3A_140 = arith.constant 16 : i32
            %mul3A_141 = arith.muli %add3A_130, %mul3A_140 : i32
            %swap3A_142 = arith.constant 0 : i32
            %swap3A_143 = tpu.memref_slice %arg10[%select_n3A_35, %swap3A_142] : memref<2x4096xf32, #tpu.memory_space<vmem>> -> memref<1x4096xf32, #tpu.memory_space<vmem>>
            %swap3A_144 = tpu.memref_squeeze %swap3A_143 : memref<1x4096xf32, #tpu.memory_space<vmem>> -> memref<4096xf32, #tpu.memory_space<vmem>>
            %swap3A_145 = arith.index_cast %mul3A_141 : i32 to index
            %swap3A_146 = tpu.vector_load %swap3A_144[%swap3A_145] {strides = array<i32>} : memref<4096xf32, #tpu.memory_space<vmem>>, vector<16xf32>,
            tpu.vector_store %swap3A_144[%swap3A_145], %add3A_139 {strides = array<i32>} : memref<4096xf32, #tpu.memory_space<vmem>>, vector<16xf32>,
            %mul3A_147 = arith.constant 8 : i32
            %mul3A_148 = arith.muli %scan3A_68, %mul3A_147 : i32
            %add3A_149 = arith.constant 4 : i32
            %add3A_150 = arith.addi %mul3A_148, %add3A_149 : i32
            %mul3A_151 = arith.constant 4096 : i32
            %mul3A_152 = arith.muli %scan3A_25, %mul3A_151 : i32
            %mul3A_153 = arith.constant 16 : i32
            %mul3A_154 = arith.muli %add3A_150, %mul3A_153 : i32
            %add3A_155 = arith.addi %mul3A_152, %mul3A_154 : i32
            %get3A_156 = arith.index_cast %add3A_155 : i32 to index
            %get3A_157 = tpu.vector_load %arg8[%get3A_156] {strides = array<i32>} : memref<100000xf32, #tpu.memory_space<vmem>>, vector<16xf32>,
            %mul3A_158 = arith.mulf %get3A_157, %gather3A : vector<16xf32>
            %add3A_159 = arith.addf %mul3A_158, %gather3A_1 : vector<16xf32>
            %mul3A_160 = arith.constant 16 : i32
            %mul3A_161 = arith.muli %add3A_150, %mul3A_160 : i32
            %swap3A_162 = arith.constant 0 : i32
            %swap3A_163 = tpu.memref_slice %arg10[%select_n3A_35, %swap3A_162] : memref<2x4096xf32, #tpu.memory_space<vmem>> -> memref<1x4096xf32, #tpu.memory_space<vmem>>
            %swap3A_164 = tpu.memref_squeeze %swap3A_163 : memref<1x4096xf32, #tpu.memory_space<vmem>> -> memref<4096xf32, #tpu.memory_space<vmem>>
            %swap3A_165 = arith.index_cast %mul3A_161 : i32 to index
            %swap3A_166 = tpu.vector_load %swap3A_164[%swap3A_165] {strides = array<i32>} : memref<4096xf32, #tpu.memory_space<vmem>>, vector<16xf32>,
            tpu.vector_store %swap3A_164[%swap3A_165], %add3A_159 {strides = array<i32>} : memref<4096xf32, #tpu.memory_space<vmem>>, vector<16xf32>,
            %mul3A_167 = arith.constant 8 : i32
            %mul3A_168 = arith.muli %scan3A_68, %mul3A_167 : i32
            %add3A_169 = arith.constant 5 : i32
            %add3A_170 = arith.addi %mul3A_168, %add3A_169 : i32
            %mul3A_171 = arith.constant 4096 : i32
            %mul3A_172 = arith.muli %scan3A_25, %mul3A_171 : i32
            %mul3A_173 = arith.constant 16 : i32
            %mul3A_174 = arith.muli %add3A_170, %mul3A_173 : i32
            %add3A_175 = arith.addi %mul3A_172, %mul3A_174 : i32
            %get3A_176 = arith.index_cast %add3A_175 : i32 to index
            %get3A_177 = tpu.vector_load %arg8[%get3A_176] {strides = array<i32>} : memref<100000xf32, #tpu.memory_space<vmem>>, vector<16xf32>,
            %mul3A_178 = arith.mulf %get3A_177, %gather3A : vector<16xf32>
            %add3A_179 = arith.addf %mul3A_178, %gather3A_1 : vector<16xf32>
            %mul3A_180 = arith.constant 16 : i32
            %mul3A_181 = arith.muli %add3A_170, %mul3A_180 : i32
            %swap3A_182 = arith.constant 0 : i32
            %swap3A_183 = tpu.memref_slice %arg10[%select_n3A_35, %swap3A_182] : memref<2x4096xf32, #tpu.memory_space<vmem>> -> memref<1x4096xf32, #tpu.memory_space<vmem>>
            %swap3A_184 = tpu.memref_squeeze %swap3A_183 : memref<1x4096xf32, #tpu.memory_space<vmem>> -> memref<4096xf32, #tpu.memory_space<vmem>>
            %swap3A_185 = arith.index_cast %mul3A_181 : i32 to index
            %swap3A_186 = tpu.vector_load %swap3A_184[%swap3A_185] {strides = array<i32>} : memref<4096xf32, #tpu.memory_space<vmem>>, vector<16xf32>,
            tpu.vector_store %swap3A_184[%swap3A_185], %add3A_179 {strides = array<i32>} : memref<4096xf32, #tpu.memory_space<vmem>>, vector<16xf32>,
            %mul3A_187 = arith.constant 8 : i32
            %mul3A_188 = arith.muli %scan3A_68, %mul3A_187 : i32
            %add3A_189 = arith.constant 6 : i32
            %add3A_190 = arith.addi %mul3A_188, %add3A_189 : i32
            %mul3A_191 = arith.constant 4096 : i32
            %mul3A_192 = arith.muli %scan3A_25, %mul3A_191 : i32
            %mul3A_193 = arith.constant 16 : i32
            %mul3A_194 = arith.muli %add3A_190, %mul3A_193 : i32
            %add3A_195 = arith.addi %mul3A_192, %mul3A_194 : i32
            %get3A_196 = arith.index_cast %add3A_195 : i32 to index
            %get3A_197 = tpu.vector_load %arg8[%get3A_196] {strides = array<i32>} : memref<100000xf32, #tpu.memory_space<vmem>>, vector<16xf32>,
            %mul3A_198 = arith.mulf %get3A_197, %gather3A : vector<16xf32>
            %add3A_199 = arith.addf %mul3A_198, %gather3A_1 : vector<16xf32>
            %mul3A_200 = arith.constant 16 : i32
            %mul3A_201 = arith.muli %add3A_190, %mul3A_200 : i32
            %swap3A_202 = arith.constant 0 : i32
            %swap3A_203 = tpu.memref_slice %arg10[%select_n3A_35, %swap3A_202] : memref<2x4096xf32, #tpu.memory_space<vmem>> -> memref<1x4096xf32, #tpu.memory_space<vmem>>
            %swap3A_204 = tpu.memref_squeeze %swap3A_203 : memref<1x4096xf32, #tpu.memory_space<vmem>> -> memref<4096xf32, #tpu.memory_space<vmem>>
            %swap3A_205 = arith.index_cast %mul3A_201 : i32 to index
            %swap3A_206 = tpu.vector_load %swap3A_204[%swap3A_205] {strides = array<i32>} : memref<4096xf32, #tpu.memory_space<vmem>>, vector<16xf32>,
            tpu.vector_store %swap3A_204[%swap3A_205], %add3A_199 {strides = array<i32>} : memref<4096xf32, #tpu.memory_space<vmem>>, vector<16xf32>,
            %mul3A_207 = arith.constant 8 : i32
            %mul3A_208 = arith.muli %scan3A_68, %mul3A_207 : i32
            %add3A_209 = arith.constant 7 : i32
            %add3A_210 = arith.addi %mul3A_208, %add3A_209 : i32
            %mul3A_211 = arith.constant 4096 : i32
            %mul3A_212 = arith.muli %scan3A_25, %mul3A_211 : i32
            %mul3A_213 = arith.constant 16 : i32
            %mul3A_214 = arith.muli %add3A_210, %mul3A_213 : i32
            %add3A_215 = arith.addi %mul3A_212, %mul3A_214 : i32
            %get3A_216 = arith.index_cast %add3A_215 : i32 to index
            %get3A_217 = tpu.vector_load %arg8[%get3A_216] {strides = array<i32>} : memref<100000xf32, #tpu.memory_space<vmem>>, vector<16xf32>,
            %mul3A_218 = arith.mulf %get3A_217, %gather3A : vector<16xf32>
            %add3A_219 = arith.addf %mul3A_218, %gather3A_1 : vector<16xf32>
            %mul3A_220 = arith.constant 16 : i32
            %mul3A_221 = arith.muli %add3A_210, %mul3A_220 : i32
            %swap3A_222 = arith.constant 0 : i32
            %swap3A_223 = tpu.memref_slice %arg10[%select_n3A_35, %swap3A_222] : memref<2x4096xf32, #tpu.memory_space<vmem>> -> memref<1x4096xf32, #tpu.memory_space<vmem>>
            %swap3A_224 = tpu.memref_squeeze %swap3A_223 : memref<1x4096xf32, #tpu.memory_space<vmem>> -> memref<4096xf32, #tpu.memory_space<vmem>>
            %swap3A_225 = arith.index_cast %mul3A_221 : i32 to index
            %swap3A_226 = tpu.vector_load %swap3A_224[%swap3A_225] {strides = array<i32>} : memref<4096xf32, #tpu.memory_space<vmem>>, vector<16xf32>,
            tpu.vector_store %swap3A_224[%swap3A_225], %add3A_219 {strides = array<i32>} : memref<4096xf32, #tpu.memory_space<vmem>>, vector<16xf32>,
          }
          %scan3A_67 = arith.constant 32 : i32
        } else {
        }
        %mul3A_51 = arith.constant 4096 : i32
        %mul3A_52 = arith.muli %scan3A_25, %mul3A_51 : i32
        %dma_start3A = arith.constant 0 : i32
        %dma_start3A_53 = tpu.memref_slice %arg10[%select_n3A_35, %dma_start3A] : memref<2x4096xf32, #tpu.memory_space<vmem>> -> memref<1x4096xf32, #tpu.memory_space<vmem>>
        %dma_start3A_54 = tpu.memref_squeeze %dma_start3A_53 : memref<1x4096xf32, #tpu.memory_space<vmem>> -> memref<4096xf32, #tpu.memory_space<vmem>>
        %dma_start3A_55 = tpu.memref_slice %arg7[%scan3A_13, %add3A, %mul3A_52] : memref<7x32x16384xf32, #tpu.memory_space<hbm>> -> memref<1x1x4096xf32, #tpu.memory_space<hbm>>
        %dma_start3A_56 = tpu.memref_squeeze %dma_start3A_55 : memref<1x1x4096xf32, #tpu.memory_space<hbm>> -> memref<4096xf32, #tpu.memory_space<hbm>>
        %dma_start3A_57 = tpu.memref_slice %arg7[%scan3A_13, %add3A, %mul3A_52] : memref<7x32x16384xf32, #tpu.memory_space<hbm>> -> memref<1x1x4096xf32, #tpu.memory_space<hbm>>
        %dma_start3A_58 = tpu.memref_squeeze %dma_start3A_57 : memref<1x1x4096xf32, #tpu.memory_space<hbm>> -> memref<4096xf32, #tpu.memory_space<hbm>>
        %dma_start3A_59 = arith.constant 0 : i32
        %dma_start3A_60 = tpu.memref_slice %arg10[%select_n3A_35, %dma_start3A_59] : memref<2x4096xf32, #tpu.memory_space<vmem>> -> memref<1x4096xf32, #tpu.memory_space<vmem>>
        %dma_start3A_61 = tpu.memref_squeeze %dma_start3A_60 : memref<1x4096xf32, #tpu.memory_space<vmem>> -> memref<4096xf32, #tpu.memory_space<vmem>>
        tpu.enqueue_dma source(%dma_start3A_61 : memref<4096xf32, #tpu.memory_space<vmem>>) target(%dma_start3A_58 : memref<4096xf32, #tpu.memory_space<hbm>>) target_semaphore(%arg13 : memref<!tpu.dma_semaphore, #tpu.memory_space<semaphore_mem>>)
      }
      %scan3A_24 = arith.constant 4 : i32
    }
    %scan3A_6 = arith.constant 7 : i32
    %scan3A_7 = arith.constant 0 : i32
    %scan3A_8 = arith.constant 0 : i32
    %scan3A_9 = arith.constant 2 : i32
    %scan3A_10 = arith.addi %scan3A_8, %scan3A_9 : i32
    %scan3A_11 = arith.constant 1 : i32
    scf.for %scan3A_13 = %scan3A_8 to %scan3A_10 step %scan3A_11  : i32 {
      %dma_wait3A = arith.constant 6 : i32
      %dma_wait3A_14 = arith.constant 0 : i32
      %dma_wait3A_15 = tpu.memref_slice %arg10[%scan3A_13, %dma_wait3A_14] : memref<2x4096xf32, #tpu.memory_space<vmem>> -> memref<1x4096xf32, #tpu.memory_space<vmem>>
      %dma_wait3A_16 = tpu.memref_squeeze %dma_wait3A_15 : memref<1x4096xf32, #tpu.memory_space<vmem>> -> memref<4096xf32, #tpu.memory_space<vmem>>
      %dma_wait3A_17 = arith.constant 0 : i32
      %dma_wait3A_18 = tpu.memref_slice %arg7[%dma_wait3A, %add3A, %dma_wait3A_17] : memref<7x32x16384xf32, #tpu.memory_space<hbm>> -> memref<1x1x4096xf32, #tpu.memory_space<hbm>>
      %dma_wait3A_19 = tpu.memref_squeeze %dma_wait3A_18 : memref<1x1x4096xf32, #tpu.memory_space<hbm>> -> memref<4096xf32, #tpu.memory_space<hbm>>
      %dma_wait3A_20 = arith.constant 0 : i32
      %dma_wait3A_21 = tpu.memref_slice %arg7[%dma_wait3A, %add3A, %dma_wait3A_20] : memref<7x32x16384xf32, #tpu.memory_space<hbm>> -> memref<1x1x4096xf32, #tpu.memory_space<hbm>>
      %dma_wait3A_22 = tpu.memref_squeeze %dma_wait3A_21 : memref<1x1x4096xf32, #tpu.memory_space<hbm>> -> memref<4096xf32, #tpu.memory_space<hbm>>
      %dma_wait3A_23 = arith.constant 0 : i32
      %dma_wait3A_24 = tpu.memref_slice %arg10[%scan3A_13, %dma_wait3A_23] : memref<2x4096xf32, #tpu.memory_space<vmem>> -> memref<1x4096xf32, #tpu.memory_space<vmem>>
      %dma_wait3A_25 = tpu.memref_squeeze %dma_wait3A_24 : memref<1x4096xf32, #tpu.memory_space<vmem>> -> memref<4096xf32, #tpu.memory_space<vmem>>
      tpu.wait_dma2 semaphore(%arg13 : memref<!tpu.dma_semaphore, #tpu.memory_space<semaphore_mem>>) src(%dma_wait3A_25 : memref<4096xf32, #tpu.memory_space<vmem>>) dst(%dma_wait3A_22 : memref<4096xf32, #tpu.memory_space<hbm>>)
    }
    %scan3A_12 = arith.constant 2 : i32
    return
  }
}

#map = affine_map<(d0, d1) -> (0, 0)>
#map1 = affine_map<(d0, d1) -> (0, 0, 0)>
#map2 = affine_map<(d0, d1) -> (0)>
module attributes {stable_mosaic.version = 14 : i64} {
  func.func @body(%arg0: i32, %arg1: i32, %arg2: memref<4x16384xi32, #tpu.memory_space<hbm>>, %arg3: memref<13x16384xf32, #tpu.memory_space<hbm>>, %arg4: memref<4x32x100000xf32, #tpu.memory_space<hbm>>, %arg5: memref<32xf32, #tpu.memory_space<hbm>>, %arg6: memref<32xf32, #tpu.memory_space<hbm>>, %arg7: memref<4x32x16384xf32, #tpu.memory_space<hbm>>, %arg8: memref<100000xf32, #tpu.memory_space<vmem>>, %arg9: memref<16384xi32, #tpu.memory_space<vmem>>, %arg10: memref<2x4096xf32, #tpu.memory_space<vmem>>, %arg11: memref<32xf32, #tpu.memory_space<vmem>>, %arg12: memref<32xf32, #tpu.memory_space<vmem>>, %arg13: memref<!tpu.dma_semaphore, #tpu.memory_space<semaphore_mem>>) attributes {dimension_semantics = [#tpu.dimension_semantics<core_parallel>, #tpu.dimension_semantics<subcore_parallel>], iteration_bounds = array<i64: 2, 16>, scalar_prefetch = 0 : i64, scratch_operands = 6 : i64, tpu.core_type = #tpu.core_type<sc_vector_subcore>, window_params = [{transform_indices = #map}, {transform_indices = #map}, {transform_indices = #map1}, {transform_indices = #map2}, {transform_indices = #map2}, {transform_indices = #map1}]} {
    %mul3A = arith.constant 2 : i32
    %mul3A_0 = arith.muli %arg1, %mul3A : i32
    %add3A = arith.addi %mul3A_0, %arg0 : i32
    "tpu.region"() ({
      %run_scoped3A = tpu.sem_alloc : memref<!tpu.dma_semaphore, #tpu.memory_space<semaphore_mem>>
      tpu.enqueue_dma source(%arg5 : memref<32xf32, #tpu.memory_space<hbm>>) target(%arg11 : memref<32xf32, #tpu.memory_space<vmem>>) target_semaphore(%run_scoped3A : memref<!tpu.dma_semaphore, #tpu.memory_space<semaphore_mem>>)
      tpu.wait_dma2 semaphore(%run_scoped3A : memref<!tpu.dma_semaphore, #tpu.memory_space<semaphore_mem>>) src(%arg5 : memref<32xf32, #tpu.memory_space<hbm>>) dst(%arg11 : memref<32xf32, #tpu.memory_space<vmem>>)
      tpu.yield
    }) : () -> ()
    "tpu.region"() ({
      %run_scoped3A = tpu.sem_alloc : memref<!tpu.dma_semaphore, #tpu.memory_space<semaphore_mem>>
      tpu.enqueue_dma source(%arg6 : memref<32xf32, #tpu.memory_space<hbm>>) target(%arg12 : memref<32xf32, #tpu.memory_space<vmem>>) target_semaphore(%run_scoped3A : memref<!tpu.dma_semaphore, #tpu.memory_space<semaphore_mem>>)
      tpu.wait_dma2 semaphore(%run_scoped3A : memref<!tpu.dma_semaphore, #tpu.memory_space<semaphore_mem>>) src(%arg6 : memref<32xf32, #tpu.memory_space<hbm>>) dst(%arg12 : memref<32xf32, #tpu.memory_space<vmem>>)
      tpu.yield
    }) : () -> ()
    %broadcast_in_dim3A = vector.broadcast %add3A : i32 to vector<16xi32>
    %gather3A = tpu.vector_load_idx %arg11[%broadcast_in_dim3A] : memref<32xf32, #tpu.memory_space<vmem>>[vector<16xi32>], vector<16xf32>,
    %gather3A_1 = tpu.vector_load_idx %arg12[%broadcast_in_dim3A] : memref<32xf32, #tpu.memory_space<vmem>>[vector<16xi32>], vector<16xf32>,
    %scan3A = arith.constant 0 : i32
    %scan3A_2 = arith.constant 0 : i32
    %scan3A_3 = arith.constant 4 : i32
    %scan3A_4 = arith.addi %scan3A_2, %scan3A_3 : i32
    %scan3A_5 = arith.constant 1 : i32
    scf.for %scan3A_13 = %scan3A_2 to %scan3A_4 step %scan3A_5  : i32 {
      %lt3A = arith.constant 4 : i32
      %lt3A_14 = arith.cmpi slt, %scan3A_13, %lt3A : i32
      %convert_element_type3A = arith.extui %lt3A_14 : i1 to i32
      %cond3A = arith.constant 0 : i32
      %cond3A_15 = arith.cmpi ne, %convert_element_type3A, %cond3A : i32
      scf.if %cond3A_15 {
        "tpu.region"() ({
          %run_scoped3A = tpu.sem_alloc : memref<!tpu.dma_semaphore, #tpu.memory_space<semaphore_mem>>
          %dma_start3A = arith.constant 0 : i32
          %dma_start3A_25 = tpu.memref_slice %arg2[%scan3A_13, %dma_start3A] : memref<4x16384xi32, #tpu.memory_space<hbm>> -> memref<1x16384xi32, #tpu.memory_space<hbm>>
          %dma_start3A_26 = tpu.memref_squeeze %dma_start3A_25 : memref<1x16384xi32, #tpu.memory_space<hbm>> -> memref<16384xi32, #tpu.memory_space<hbm>>
          %dma_start3A_27 = arith.constant 0 : i32
          %dma_start3A_28 = tpu.memref_slice %arg2[%scan3A_13, %dma_start3A_27] : memref<4x16384xi32, #tpu.memory_space<hbm>> -> memref<1x16384xi32, #tpu.memory_space<hbm>>
          %dma_start3A_29 = tpu.memref_squeeze %dma_start3A_28 : memref<1x16384xi32, #tpu.memory_space<hbm>> -> memref<16384xi32, #tpu.memory_space<hbm>>
          tpu.enqueue_dma source(%dma_start3A_29 : memref<16384xi32, #tpu.memory_space<hbm>>) target(%arg9 : memref<16384xi32, #tpu.memory_space<vmem>>) target_semaphore(%run_scoped3A : memref<!tpu.dma_semaphore, #tpu.memory_space<semaphore_mem>>)
          %dma_wait3A = arith.constant 0 : i32
          %dma_wait3A_30 = tpu.memref_slice %arg2[%scan3A_13, %dma_wait3A] : memref<4x16384xi32, #tpu.memory_space<hbm>> -> memref<1x16384xi32, #tpu.memory_space<hbm>>
          %dma_wait3A_31 = tpu.memref_squeeze %dma_wait3A_30 : memref<1x16384xi32, #tpu.memory_space<hbm>> -> memref<16384xi32, #tpu.memory_space<hbm>>
          %dma_wait3A_32 = arith.constant 0 : i32
          %dma_wait3A_33 = tpu.memref_slice %arg2[%scan3A_13, %dma_wait3A_32] : memref<4x16384xi32, #tpu.memory_space<hbm>> -> memref<1x16384xi32, #tpu.memory_space<hbm>>
          %dma_wait3A_34 = tpu.memref_squeeze %dma_wait3A_33 : memref<1x16384xi32, #tpu.memory_space<hbm>> -> memref<16384xi32, #tpu.memory_space<hbm>>
          tpu.wait_dma2 semaphore(%run_scoped3A : memref<!tpu.dma_semaphore, #tpu.memory_space<semaphore_mem>>) src(%dma_wait3A_34 : memref<16384xi32, #tpu.memory_space<hbm>>) dst(%arg9 : memref<16384xi32, #tpu.memory_space<vmem>>)
          tpu.yield
        }) : () -> ()
        "tpu.region"() ({
          %run_scoped3A = tpu.sem_alloc : memref<!tpu.dma_semaphore, #tpu.memory_space<semaphore_mem>>
          %dma_start3A = arith.constant 0 : i32
          %dma_start3A_25 = tpu.memref_slice %arg4[%scan3A_13, %add3A, %dma_start3A] : memref<4x32x100000xf32, #tpu.memory_space<hbm>> -> memref<1x1x100000xf32, #tpu.memory_space<hbm>>
          %dma_start3A_26 = tpu.memref_squeeze %dma_start3A_25 : memref<1x1x100000xf32, #tpu.memory_space<hbm>> -> memref<100000xf32, #tpu.memory_space<hbm>>
          %dma_start3A_27 = arith.constant 0 : i32
          %dma_start3A_28 = tpu.memref_slice %arg4[%scan3A_13, %add3A, %dma_start3A_27] : memref<4x32x100000xf32, #tpu.memory_space<hbm>> -> memref<1x1x100000xf32, #tpu.memory_space<hbm>>
          %dma_start3A_29 = tpu.memref_squeeze %dma_start3A_28 : memref<1x1x100000xf32, #tpu.memory_space<hbm>> -> memref<100000xf32, #tpu.memory_space<hbm>>
          tpu.enqueue_dma source(%dma_start3A_29 : memref<100000xf32, #tpu.memory_space<hbm>>) target(%arg8 : memref<100000xf32, #tpu.memory_space<vmem>>) target_semaphore(%run_scoped3A : memref<!tpu.dma_semaphore, #tpu.memory_space<semaphore_mem>>)
          %dma_wait3A = arith.constant 0 : i32
          %dma_wait3A_30 = tpu.memref_slice %arg4[%scan3A_13, %add3A, %dma_wait3A] : memref<4x32x100000xf32, #tpu.memory_space<hbm>> -> memref<1x1x100000xf32, #tpu.memory_space<hbm>>
          %dma_wait3A_31 = tpu.memref_squeeze %dma_wait3A_30 : memref<1x1x100000xf32, #tpu.memory_space<hbm>> -> memref<100000xf32, #tpu.memory_space<hbm>>
          %dma_wait3A_32 = arith.constant 0 : i32
          %dma_wait3A_33 = tpu.memref_slice %arg4[%scan3A_13, %add3A, %dma_wait3A_32] : memref<4x32x100000xf32, #tpu.memory_space<hbm>> -> memref<1x1x100000xf32, #tpu.memory_space<hbm>>
          %dma_wait3A_34 = tpu.memref_squeeze %dma_wait3A_33 : memref<1x1x100000xf32, #tpu.memory_space<hbm>> -> memref<100000xf32, #tpu.memory_space<hbm>>
          tpu.wait_dma2 semaphore(%run_scoped3A : memref<!tpu.dma_semaphore, #tpu.memory_space<semaphore_mem>>) src(%dma_wait3A_34 : memref<100000xf32, #tpu.memory_space<hbm>>) dst(%arg8 : memref<100000xf32, #tpu.memory_space<vmem>>)
          tpu.yield
        }) : () -> ()
      } else {
      }
      %not3A = arith.constant true
      %not3A_16 = arith.xori %lt3A_14, %not3A : i1
      %convert_element_type3A_17 = arith.extui %not3A_16 : i1 to i32
      %cond3A_18 = arith.constant 0 : i32
      %cond3A_19 = arith.cmpi ne, %convert_element_type3A_17, %cond3A_18 : i32
      scf.if %cond3A_19 {
        %sub3A = arith.constant 4 : i32
        %sub3A_25 = arith.subi %scan3A_13, %sub3A : i32
        "tpu.region"() ({
          %run_scoped3A = tpu.sem_alloc : memref<!tpu.dma_semaphore, #tpu.memory_space<semaphore_mem>>
          %dma_start3A = arith.constant 0 : i32
          %dma_start3A_26 = tpu.memref_slice %arg8[%dma_start3A] : memref<100000xf32, #tpu.memory_space<vmem>> -> memref<16384xf32, #tpu.memory_space<vmem>>
          %dma_start3A_27 = arith.constant 0 : i32
          %dma_start3A_28 = tpu.memref_slice %arg3[%sub3A_25, %dma_start3A_27] : memref<13x16384xf32, #tpu.memory_space<hbm>> -> memref<1x16384xf32, #tpu.memory_space<hbm>>
          %dma_start3A_29 = tpu.memref_squeeze %dma_start3A_28 : memref<1x16384xf32, #tpu.memory_space<hbm>> -> memref<16384xf32, #tpu.memory_space<hbm>>
          %dma_start3A_30 = arith.constant 0 : i32
          %dma_start3A_31 = tpu.memref_slice %arg8[%dma_start3A_30] : memref<100000xf32, #tpu.memory_space<vmem>> -> memref<16384xf32, #tpu.memory_space<vmem>>
          %dma_start3A_32 = arith.constant 0 : i32
          %dma_start3A_33 = tpu.memref_slice %arg3[%sub3A_25, %dma_start3A_32] : memref<13x16384xf32, #tpu.memory_space<hbm>> -> memref<1x16384xf32, #tpu.memory_space<hbm>>
          %dma_start3A_34 = tpu.memref_squeeze %dma_start3A_33 : memref<1x16384xf32, #tpu.memory_space<hbm>> -> memref<16384xf32, #tpu.memory_space<hbm>>
          tpu.enqueue_dma source(%dma_start3A_34 : memref<16384xf32, #tpu.memory_space<hbm>>) target(%dma_start3A_31 : memref<16384xf32, #tpu.memory_space<vmem>>) target_semaphore(%run_scoped3A : memref<!tpu.dma_semaphore, #tpu.memory_space<semaphore_mem>>)
          %dma_wait3A = arith.constant 0 : i32
          %dma_wait3A_35 = tpu.memref_slice %arg8[%dma_wait3A] : memref<100000xf32, #tpu.memory_space<vmem>> -> memref<16384xf32, #tpu.memory_space<vmem>>
          %dma_wait3A_36 = arith.constant 0 : i32
          %dma_wait3A_37 = tpu.memref_slice %arg3[%sub3A_25, %dma_wait3A_36] : memref<13x16384xf32, #tpu.memory_space<hbm>> -> memref<1x16384xf32, #tpu.memory_space<hbm>>
          %dma_wait3A_38 = tpu.memref_squeeze %dma_wait3A_37 : memref<1x16384xf32, #tpu.memory_space<hbm>> -> memref<16384xf32, #tpu.memory_space<hbm>>
          %dma_wait3A_39 = arith.constant 0 : i32
          %dma_wait3A_40 = tpu.memref_slice %arg8[%dma_wait3A_39] : memref<100000xf32, #tpu.memory_space<vmem>> -> memref<16384xf32, #tpu.memory_space<vmem>>
          %dma_wait3A_41 = arith.constant 0 : i32
          %dma_wait3A_42 = tpu.memref_slice %arg3[%sub3A_25, %dma_wait3A_41] : memref<13x16384xf32, #tpu.memory_space<hbm>> -> memref<1x16384xf32, #tpu.memory_space<hbm>>
          %dma_wait3A_43 = tpu.memref_squeeze %dma_wait3A_42 : memref<1x16384xf32, #tpu.memory_space<hbm>> -> memref<16384xf32, #tpu.memory_space<hbm>>
          tpu.wait_dma2 semaphore(%run_scoped3A : memref<!tpu.dma_semaphore, #tpu.memory_space<semaphore_mem>>) src(%dma_wait3A_43 : memref<16384xf32, #tpu.memory_space<hbm>>) dst(%dma_wait3A_40 : memref<16384xf32, #tpu.memory_space<vmem>>)
          tpu.yield
        }) : () -> ()
      } else {
      }
      %scan3A_20 = arith.constant 0 : i32
      %scan3A_21 = arith.constant 4 : i32
      %scan3A_22 = arith.addi %scan3A_20, %scan3A_21 : i32
      %scan3A_23 = arith.constant 1 : i32
      scf.for %scan3A_25 = %scan3A_20 to %scan3A_22 step %scan3A_23  : i32 {
        %jit3A = arith.constant 2 : i32
        %eq3A = arith.constant 0 : i32
        %eq3A_26 = arith.cmpi eq, %jit3A, %eq3A : i32
        %jit3A_27 = arith.constant 1 : i32
        %select_n3A = arith.select %eq3A_26, %jit3A_27, %jit3A : i32
        %rem3A = arith.remsi %scan3A_25, %select_n3A : i32
        %ne3A = arith.constant 0 : i32
        %ne3A_28 = arith.cmpi ne, %rem3A, %ne3A : i32
        %lt3A_29 = arith.constant 0 : i32
        %lt3A_30 = arith.cmpi slt, %rem3A, %lt3A_29 : i32
        %lt3A_31 = arith.constant 0 : i32
        %lt3A_32 = arith.cmpi slt, %select_n3A, %lt3A_31 : i32
        %ne3A_33 = arith.xori %lt3A_30, %lt3A_32 : i1
        %and3A = arith.andi %ne3A_33, %ne3A_28 : i1
        %add3A_34 = arith.addi %rem3A, %select_n3A : i32
        %select_n3A_35 = arith.select %and3A, %add3A_34, %rem3A : i32
        %mul3A_36 = arith.constant 4 : i32
        %mul3A_37 = arith.muli %scan3A_13, %mul3A_36 : i32
        %add3A_38 = arith.addi %mul3A_37, %scan3A_25 : i32
        %ge3A = arith.constant 2 : i32
        %ge3A_39 = arith.cmpi sge, %add3A_38, %ge3A : i32
        %convert_element_type3A_40 = arith.extui %ge3A_39 : i1 to i32
        %cond3A_41 = arith.constant 0 : i32
        %cond3A_42 = arith.cmpi ne, %convert_element_type3A_40, %cond3A_41 : i32
        scf.if %cond3A_42 {
          %dma_wait3A = arith.constant 0 : i32
          %dma_wait3A_62 = tpu.memref_slice %arg10[%select_n3A_35, %dma_wait3A] : memref<2x4096xf32, #tpu.memory_space<vmem>> -> memref<1x4096xf32, #tpu.memory_space<vmem>>
          %dma_wait3A_63 = tpu.memref_squeeze %dma_wait3A_62 : memref<1x4096xf32, #tpu.memory_space<vmem>> -> memref<4096xf32, #tpu.memory_space<vmem>>
          %dma_wait3A_64 = arith.constant 0 : i32
          %dma_wait3A_65 = tpu.memref_slice %arg7[%scan3A_13, %add3A, %dma_wait3A_64] : memref<4x32x16384xf32, #tpu.memory_space<hbm>> -> memref<1x1x4096xf32, #tpu.memory_space<hbm>>
          %dma_wait3A_66 = tpu.memref_squeeze %dma_wait3A_65 : memref<1x1x4096xf32, #tpu.memory_space<hbm>> -> memref<4096xf32, #tpu.memory_space<hbm>>
          %dma_wait3A_67 = arith.constant 0 : i32
          %dma_wait3A_68 = tpu.memref_slice %arg7[%scan3A_13, %add3A, %dma_wait3A_67] : memref<4x32x16384xf32, #tpu.memory_space<hbm>> -> memref<1x1x4096xf32, #tpu.memory_space<hbm>>
          %dma_wait3A_69 = tpu.memref_squeeze %dma_wait3A_68 : memref<1x1x4096xf32, #tpu.memory_space<hbm>> -> memref<4096xf32, #tpu.memory_space<hbm>>
          %dma_wait3A_70 = arith.constant 0 : i32
          %dma_wait3A_71 = tpu.memref_slice %arg10[%select_n3A_35, %dma_wait3A_70] : memref<2x4096xf32, #tpu.memory_space<vmem>> -> memref<1x4096xf32, #tpu.memory_space<vmem>>
          %dma_wait3A_72 = tpu.memref_squeeze %dma_wait3A_71 : memref<1x4096xf32, #tpu.memory_space<vmem>> -> memref<4096xf32, #tpu.memory_space<vmem>>
          tpu.wait_dma2 semaphore(%arg13 : memref<!tpu.dma_semaphore, #tpu.memory_space<semaphore_mem>>) src(%dma_wait3A_72 : memref<4096xf32, #tpu.memory_space<vmem>>) dst(%dma_wait3A_69 : memref<4096xf32, #tpu.memory_space<hbm>>)
        } else {
        }
        %convert_element_type3A_43 = arith.extui %lt3A_14 : i1 to i32
        %cond3A_44 = arith.constant 0 : i32
        %cond3A_45 = arith.cmpi ne, %convert_element_type3A_43, %cond3A_44 : i32
        scf.if %cond3A_45 {
          %scan3A_62 = arith.constant 0 : i32
          %scan3A_63 = arith.constant 0 : i32
          %scan3A_64 = arith.constant 32 : i32
          %scan3A_65 = arith.addi %scan3A_63, %scan3A_64 : i32
          %scan3A_66 = arith.constant 1 : i32
          scf.for %scan3A_68 = %scan3A_63 to %scan3A_65 step %scan3A_66  : i32 {
            %mul3A_69 = arith.constant 8 : i32
            %mul3A_70 = arith.muli %scan3A_68, %mul3A_69 : i32
            %add3A_71 = arith.constant 0 : i32
            %add3A_72 = arith.addi %mul3A_70, %add3A_71 : i32
            %mul3A_73 = arith.constant 4096 : i32
            %mul3A_74 = arith.muli %scan3A_25, %mul3A_73 : i32
            %mul3A_75 = arith.constant 16 : i32
            %mul3A_76 = arith.muli %add3A_72, %mul3A_75 : i32
            %add3A_77 = arith.addi %mul3A_74, %mul3A_76 : i32
            %get3A = arith.index_cast %add3A_77 : i32 to index
            %get3A_78 = tpu.vector_load %arg9[%get3A] {strides = array<i32>} : memref<16384xi32, #tpu.memory_space<vmem>>, vector<16xi32>,
            %gather3A_79 = tpu.vector_load_idx %arg8[%get3A_78] : memref<100000xf32, #tpu.memory_space<vmem>>[vector<16xi32>], vector<16xf32>,
            %mul3A_80 = arith.constant 16 : i32
            %mul3A_81 = arith.muli %add3A_72, %mul3A_80 : i32
            %swap3A = arith.constant 0 : i32
            %swap3A_82 = tpu.memref_slice %arg10[%select_n3A_35, %swap3A] : memref<2x4096xf32, #tpu.memory_space<vmem>> -> memref<1x4096xf32, #tpu.memory_space<vmem>>
            %swap3A_83 = tpu.memref_squeeze %swap3A_82 : memref<1x4096xf32, #tpu.memory_space<vmem>> -> memref<4096xf32, #tpu.memory_space<vmem>>
            %swap3A_84 = arith.index_cast %mul3A_81 : i32 to index
            %swap3A_85 = tpu.vector_load %swap3A_83[%swap3A_84] {strides = array<i32>} : memref<4096xf32, #tpu.memory_space<vmem>>, vector<16xf32>,
            tpu.vector_store %swap3A_83[%swap3A_84], %gather3A_79 {strides = array<i32>} : memref<4096xf32, #tpu.memory_space<vmem>>, vector<16xf32>,
            %mul3A_86 = arith.constant 8 : i32
            %mul3A_87 = arith.muli %scan3A_68, %mul3A_86 : i32
            %add3A_88 = arith.constant 1 : i32
            %add3A_89 = arith.addi %mul3A_87, %add3A_88 : i32
            %mul3A_90 = arith.constant 4096 : i32
            %mul3A_91 = arith.muli %scan3A_25, %mul3A_90 : i32
            %mul3A_92 = arith.constant 16 : i32
            %mul3A_93 = arith.muli %add3A_89, %mul3A_92 : i32
            %add3A_94 = arith.addi %mul3A_91, %mul3A_93 : i32
            %get3A_95 = arith.index_cast %add3A_94 : i32 to index
            %get3A_96 = tpu.vector_load %arg9[%get3A_95] {strides = array<i32>} : memref<16384xi32, #tpu.memory_space<vmem>>, vector<16xi32>,
            %gather3A_97 = tpu.vector_load_idx %arg8[%get3A_96] : memref<100000xf32, #tpu.memory_space<vmem>>[vector<16xi32>], vector<16xf32>,
            %mul3A_98 = arith.constant 16 : i32
            %mul3A_99 = arith.muli %add3A_89, %mul3A_98 : i32
            %swap3A_100 = arith.constant 0 : i32
            %swap3A_101 = tpu.memref_slice %arg10[%select_n3A_35, %swap3A_100] : memref<2x4096xf32, #tpu.memory_space<vmem>> -> memref<1x4096xf32, #tpu.memory_space<vmem>>
            %swap3A_102 = tpu.memref_squeeze %swap3A_101 : memref<1x4096xf32, #tpu.memory_space<vmem>> -> memref<4096xf32, #tpu.memory_space<vmem>>
            %swap3A_103 = arith.index_cast %mul3A_99 : i32 to index
            %swap3A_104 = tpu.vector_load %swap3A_102[%swap3A_103] {strides = array<i32>} : memref<4096xf32, #tpu.memory_space<vmem>>, vector<16xf32>,
            tpu.vector_store %swap3A_102[%swap3A_103], %gather3A_97 {strides = array<i32>} : memref<4096xf32, #tpu.memory_space<vmem>>, vector<16xf32>,
            %mul3A_105 = arith.constant 8 : i32
            %mul3A_106 = arith.muli %scan3A_68, %mul3A_105 : i32
            %add3A_107 = arith.constant 2 : i32
            %add3A_108 = arith.addi %mul3A_106, %add3A_107 : i32
            %mul3A_109 = arith.constant 4096 : i32
            %mul3A_110 = arith.muli %scan3A_25, %mul3A_109 : i32
            %mul3A_111 = arith.constant 16 : i32
            %mul3A_112 = arith.muli %add3A_108, %mul3A_111 : i32
            %add3A_113 = arith.addi %mul3A_110, %mul3A_112 : i32
            %get3A_114 = arith.index_cast %add3A_113 : i32 to index
            %get3A_115 = tpu.vector_load %arg9[%get3A_114] {strides = array<i32>} : memref<16384xi32, #tpu.memory_space<vmem>>, vector<16xi32>,
            %gather3A_116 = tpu.vector_load_idx %arg8[%get3A_115] : memref<100000xf32, #tpu.memory_space<vmem>>[vector<16xi32>], vector<16xf32>,
            %mul3A_117 = arith.constant 16 : i32
            %mul3A_118 = arith.muli %add3A_108, %mul3A_117 : i32
            %swap3A_119 = arith.constant 0 : i32
            %swap3A_120 = tpu.memref_slice %arg10[%select_n3A_35, %swap3A_119] : memref<2x4096xf32, #tpu.memory_space<vmem>> -> memref<1x4096xf32, #tpu.memory_space<vmem>>
            %swap3A_121 = tpu.memref_squeeze %swap3A_120 : memref<1x4096xf32, #tpu.memory_space<vmem>> -> memref<4096xf32, #tpu.memory_space<vmem>>
            %swap3A_122 = arith.index_cast %mul3A_118 : i32 to index
            %swap3A_123 = tpu.vector_load %swap3A_121[%swap3A_122] {strides = array<i32>} : memref<4096xf32, #tpu.memory_space<vmem>>, vector<16xf32>,
            tpu.vector_store %swap3A_121[%swap3A_122], %gather3A_116 {strides = array<i32>} : memref<4096xf32, #tpu.memory_space<vmem>>, vector<16xf32>,
            %mul3A_124 = arith.constant 8 : i32
            %mul3A_125 = arith.muli %scan3A_68, %mul3A_124 : i32
            %add3A_126 = arith.constant 3 : i32
            %add3A_127 = arith.addi %mul3A_125, %add3A_126 : i32
            %mul3A_128 = arith.constant 4096 : i32
            %mul3A_129 = arith.muli %scan3A_25, %mul3A_128 : i32
            %mul3A_130 = arith.constant 16 : i32
            %mul3A_131 = arith.muli %add3A_127, %mul3A_130 : i32
            %add3A_132 = arith.addi %mul3A_129, %mul3A_131 : i32
            %get3A_133 = arith.index_cast %add3A_132 : i32 to index
            %get3A_134 = tpu.vector_load %arg9[%get3A_133] {strides = array<i32>} : memref<16384xi32, #tpu.memory_space<vmem>>, vector<16xi32>,
            %gather3A_135 = tpu.vector_load_idx %arg8[%get3A_134] : memref<100000xf32, #tpu.memory_space<vmem>>[vector<16xi32>], vector<16xf32>,
            %mul3A_136 = arith.constant 16 : i32
            %mul3A_137 = arith.muli %add3A_127, %mul3A_136 : i32
            %swap3A_138 = arith.constant 0 : i32
            %swap3A_139 = tpu.memref_slice %arg10[%select_n3A_35, %swap3A_138] : memref<2x4096xf32, #tpu.memory_space<vmem>> -> memref<1x4096xf32, #tpu.memory_space<vmem>>
            %swap3A_140 = tpu.memref_squeeze %swap3A_139 : memref<1x4096xf32, #tpu.memory_space<vmem>> -> memref<4096xf32, #tpu.memory_space<vmem>>
            %swap3A_141 = arith.index_cast %mul3A_137 : i32 to index
            %swap3A_142 = tpu.vector_load %swap3A_140[%swap3A_141] {strides = array<i32>} : memref<4096xf32, #tpu.memory_space<vmem>>, vector<16xf32>,
            tpu.vector_store %swap3A_140[%swap3A_141], %gather3A_135 {strides = array<i32>} : memref<4096xf32, #tpu.memory_space<vmem>>, vector<16xf32>,
            %mul3A_143 = arith.constant 8 : i32
            %mul3A_144 = arith.muli %scan3A_68, %mul3A_143 : i32
            %add3A_145 = arith.constant 4 : i32
            %add3A_146 = arith.addi %mul3A_144, %add3A_145 : i32
            %mul3A_147 = arith.constant 4096 : i32
            %mul3A_148 = arith.muli %scan3A_25, %mul3A_147 : i32
            %mul3A_149 = arith.constant 16 : i32
            %mul3A_150 = arith.muli %add3A_146, %mul3A_149 : i32
            %add3A_151 = arith.addi %mul3A_148, %mul3A_150 : i32
            %get3A_152 = arith.index_cast %add3A_151 : i32 to index
            %get3A_153 = tpu.vector_load %arg9[%get3A_152] {strides = array<i32>} : memref<16384xi32, #tpu.memory_space<vmem>>, vector<16xi32>,
            %gather3A_154 = tpu.vector_load_idx %arg8[%get3A_153] : memref<100000xf32, #tpu.memory_space<vmem>>[vector<16xi32>], vector<16xf32>,
            %mul3A_155 = arith.constant 16 : i32
            %mul3A_156 = arith.muli %add3A_146, %mul3A_155 : i32
            %swap3A_157 = arith.constant 0 : i32
            %swap3A_158 = tpu.memref_slice %arg10[%select_n3A_35, %swap3A_157] : memref<2x4096xf32, #tpu.memory_space<vmem>> -> memref<1x4096xf32, #tpu.memory_space<vmem>>
            %swap3A_159 = tpu.memref_squeeze %swap3A_158 : memref<1x4096xf32, #tpu.memory_space<vmem>> -> memref<4096xf32, #tpu.memory_space<vmem>>
            %swap3A_160 = arith.index_cast %mul3A_156 : i32 to index
            %swap3A_161 = tpu.vector_load %swap3A_159[%swap3A_160] {strides = array<i32>} : memref<4096xf32, #tpu.memory_space<vmem>>, vector<16xf32>,
            tpu.vector_store %swap3A_159[%swap3A_160], %gather3A_154 {strides = array<i32>} : memref<4096xf32, #tpu.memory_space<vmem>>, vector<16xf32>,
            %mul3A_162 = arith.constant 8 : i32
            %mul3A_163 = arith.muli %scan3A_68, %mul3A_162 : i32
            %add3A_164 = arith.constant 5 : i32
            %add3A_165 = arith.addi %mul3A_163, %add3A_164 : i32
            %mul3A_166 = arith.constant 4096 : i32
            %mul3A_167 = arith.muli %scan3A_25, %mul3A_166 : i32
            %mul3A_168 = arith.constant 16 : i32
            %mul3A_169 = arith.muli %add3A_165, %mul3A_168 : i32
            %add3A_170 = arith.addi %mul3A_167, %mul3A_169 : i32
            %get3A_171 = arith.index_cast %add3A_170 : i32 to index
            %get3A_172 = tpu.vector_load %arg9[%get3A_171] {strides = array<i32>} : memref<16384xi32, #tpu.memory_space<vmem>>, vector<16xi32>,
            %gather3A_173 = tpu.vector_load_idx %arg8[%get3A_172] : memref<100000xf32, #tpu.memory_space<vmem>>[vector<16xi32>], vector<16xf32>,
            %mul3A_174 = arith.constant 16 : i32
            %mul3A_175 = arith.muli %add3A_165, %mul3A_174 : i32
            %swap3A_176 = arith.constant 0 : i32
            %swap3A_177 = tpu.memref_slice %arg10[%select_n3A_35, %swap3A_176] : memref<2x4096xf32, #tpu.memory_space<vmem>> -> memref<1x4096xf32, #tpu.memory_space<vmem>>
            %swap3A_178 = tpu.memref_squeeze %swap3A_177 : memref<1x4096xf32, #tpu.memory_space<vmem>> -> memref<4096xf32, #tpu.memory_space<vmem>>
            %swap3A_179 = arith.index_cast %mul3A_175 : i32 to index
            %swap3A_180 = tpu.vector_load %swap3A_178[%swap3A_179] {strides = array<i32>} : memref<4096xf32, #tpu.memory_space<vmem>>, vector<16xf32>,
            tpu.vector_store %swap3A_178[%swap3A_179], %gather3A_173 {strides = array<i32>} : memref<4096xf32, #tpu.memory_space<vmem>>, vector<16xf32>,
            %mul3A_181 = arith.constant 8 : i32
            %mul3A_182 = arith.muli %scan3A_68, %mul3A_181 : i32
            %add3A_183 = arith.constant 6 : i32
            %add3A_184 = arith.addi %mul3A_182, %add3A_183 : i32
            %mul3A_185 = arith.constant 4096 : i32
            %mul3A_186 = arith.muli %scan3A_25, %mul3A_185 : i32
            %mul3A_187 = arith.constant 16 : i32
            %mul3A_188 = arith.muli %add3A_184, %mul3A_187 : i32
            %add3A_189 = arith.addi %mul3A_186, %mul3A_188 : i32
            %get3A_190 = arith.index_cast %add3A_189 : i32 to index
            %get3A_191 = tpu.vector_load %arg9[%get3A_190] {strides = array<i32>} : memref<16384xi32, #tpu.memory_space<vmem>>, vector<16xi32>,
            %gather3A_192 = tpu.vector_load_idx %arg8[%get3A_191] : memref<100000xf32, #tpu.memory_space<vmem>>[vector<16xi32>], vector<16xf32>,
            %mul3A_193 = arith.constant 16 : i32
            %mul3A_194 = arith.muli %add3A_184, %mul3A_193 : i32
            %swap3A_195 = arith.constant 0 : i32
            %swap3A_196 = tpu.memref_slice %arg10[%select_n3A_35, %swap3A_195] : memref<2x4096xf32, #tpu.memory_space<vmem>> -> memref<1x4096xf32, #tpu.memory_space<vmem>>
            %swap3A_197 = tpu.memref_squeeze %swap3A_196 : memref<1x4096xf32, #tpu.memory_space<vmem>> -> memref<4096xf32, #tpu.memory_space<vmem>>
            %swap3A_198 = arith.index_cast %mul3A_194 : i32 to index
            %swap3A_199 = tpu.vector_load %swap3A_197[%swap3A_198] {strides = array<i32>} : memref<4096xf32, #tpu.memory_space<vmem>>, vector<16xf32>,
            tpu.vector_store %swap3A_197[%swap3A_198], %gather3A_192 {strides = array<i32>} : memref<4096xf32, #tpu.memory_space<vmem>>, vector<16xf32>,
            %mul3A_200 = arith.constant 8 : i32
            %mul3A_201 = arith.muli %scan3A_68, %mul3A_200 : i32
            %add3A_202 = arith.constant 7 : i32
            %add3A_203 = arith.addi %mul3A_201, %add3A_202 : i32
            %mul3A_204 = arith.constant 4096 : i32
            %mul3A_205 = arith.muli %scan3A_25, %mul3A_204 : i32
            %mul3A_206 = arith.constant 16 : i32
            %mul3A_207 = arith.muli %add3A_203, %mul3A_206 : i32
            %add3A_208 = arith.addi %mul3A_205, %mul3A_207 : i32
            %get3A_209 = arith.index_cast %add3A_208 : i32 to index
            %get3A_210 = tpu.vector_load %arg9[%get3A_209] {strides = array<i32>} : memref<16384xi32, #tpu.memory_space<vmem>>, vector<16xi32>,
            %gather3A_211 = tpu.vector_load_idx %arg8[%get3A_210] : memref<100000xf32, #tpu.memory_space<vmem>>[vector<16xi32>], vector<16xf32>,
            %mul3A_212 = arith.constant 16 : i32
            %mul3A_213 = arith.muli %add3A_203, %mul3A_212 : i32
            %swap3A_214 = arith.constant 0 : i32
            %swap3A_215 = tpu.memref_slice %arg10[%select_n3A_35, %swap3A_214] : memref<2x4096xf32, #tpu.memory_space<vmem>> -> memref<1x4096xf32, #tpu.memory_space<vmem>>
            %swap3A_216 = tpu.memref_squeeze %swap3A_215 : memref<1x4096xf32, #tpu.memory_space<vmem>> -> memref<4096xf32, #tpu.memory_space<vmem>>
            %swap3A_217 = arith.index_cast %mul3A_213 : i32 to index
            %swap3A_218 = tpu.vector_load %swap3A_216[%swap3A_217] {strides = array<i32>} : memref<4096xf32, #tpu.memory_space<vmem>>, vector<16xf32>,
            tpu.vector_store %swap3A_216[%swap3A_217], %gather3A_211 {strides = array<i32>} : memref<4096xf32, #tpu.memory_space<vmem>>, vector<16xf32>,
          }
          %scan3A_67 = arith.constant 32 : i32
        } else {
        }
        %not3A_46 = arith.constant true
        %not3A_47 = arith.xori %lt3A_14, %not3A_46 : i1
        %convert_element_type3A_48 = arith.extui %not3A_47 : i1 to i32
        %cond3A_49 = arith.constant 0 : i32
        %cond3A_50 = arith.cmpi ne, %convert_element_type3A_48, %cond3A_49 : i32
        scf.if %cond3A_50 {
          %scan3A_62 = arith.constant 0 : i32
          %scan3A_63 = arith.constant 0 : i32
          %scan3A_64 = arith.constant 32 : i32
          %scan3A_65 = arith.addi %scan3A_63, %scan3A_64 : i32
          %scan3A_66 = arith.constant 1 : i32
          scf.for %scan3A_68 = %scan3A_63 to %scan3A_65 step %scan3A_66  : i32 {
            %mul3A_69 = arith.constant 8 : i32
            %mul3A_70 = arith.muli %scan3A_68, %mul3A_69 : i32
            %add3A_71 = arith.constant 0 : i32
            %add3A_72 = arith.addi %mul3A_70, %add3A_71 : i32
            %mul3A_73 = arith.constant 4096 : i32
            %mul3A_74 = arith.muli %scan3A_25, %mul3A_73 : i32
            %mul3A_75 = arith.constant 16 : i32
            %mul3A_76 = arith.muli %add3A_72, %mul3A_75 : i32
            %add3A_77 = arith.addi %mul3A_74, %mul3A_76 : i32
            %get3A = arith.index_cast %add3A_77 : i32 to index
            %get3A_78 = tpu.vector_load %arg8[%get3A] {strides = array<i32>} : memref<100000xf32, #tpu.memory_space<vmem>>, vector<16xf32>,
            %mul3A_79 = arith.mulf %get3A_78, %gather3A : vector<16xf32>
            %add3A_80 = arith.addf %mul3A_79, %gather3A_1 : vector<16xf32>
            %mul3A_81 = arith.constant 16 : i32
            %mul3A_82 = arith.muli %add3A_72, %mul3A_81 : i32
            %swap3A = arith.constant 0 : i32
            %swap3A_83 = tpu.memref_slice %arg10[%select_n3A_35, %swap3A] : memref<2x4096xf32, #tpu.memory_space<vmem>> -> memref<1x4096xf32, #tpu.memory_space<vmem>>
            %swap3A_84 = tpu.memref_squeeze %swap3A_83 : memref<1x4096xf32, #tpu.memory_space<vmem>> -> memref<4096xf32, #tpu.memory_space<vmem>>
            %swap3A_85 = arith.index_cast %mul3A_82 : i32 to index
            %swap3A_86 = tpu.vector_load %swap3A_84[%swap3A_85] {strides = array<i32>} : memref<4096xf32, #tpu.memory_space<vmem>>, vector<16xf32>,
            tpu.vector_store %swap3A_84[%swap3A_85], %add3A_80 {strides = array<i32>} : memref<4096xf32, #tpu.memory_space<vmem>>, vector<16xf32>,
            %mul3A_87 = arith.constant 8 : i32
            %mul3A_88 = arith.muli %scan3A_68, %mul3A_87 : i32
            %add3A_89 = arith.constant 1 : i32
            %add3A_90 = arith.addi %mul3A_88, %add3A_89 : i32
            %mul3A_91 = arith.constant 4096 : i32
            %mul3A_92 = arith.muli %scan3A_25, %mul3A_91 : i32
            %mul3A_93 = arith.constant 16 : i32
            %mul3A_94 = arith.muli %add3A_90, %mul3A_93 : i32
            %add3A_95 = arith.addi %mul3A_92, %mul3A_94 : i32
            %get3A_96 = arith.index_cast %add3A_95 : i32 to index
            %get3A_97 = tpu.vector_load %arg8[%get3A_96] {strides = array<i32>} : memref<100000xf32, #tpu.memory_space<vmem>>, vector<16xf32>,
            %mul3A_98 = arith.mulf %get3A_97, %gather3A : vector<16xf32>
            %add3A_99 = arith.addf %mul3A_98, %gather3A_1 : vector<16xf32>
            %mul3A_100 = arith.constant 16 : i32
            %mul3A_101 = arith.muli %add3A_90, %mul3A_100 : i32
            %swap3A_102 = arith.constant 0 : i32
            %swap3A_103 = tpu.memref_slice %arg10[%select_n3A_35, %swap3A_102] : memref<2x4096xf32, #tpu.memory_space<vmem>> -> memref<1x4096xf32, #tpu.memory_space<vmem>>
            %swap3A_104 = tpu.memref_squeeze %swap3A_103 : memref<1x4096xf32, #tpu.memory_space<vmem>> -> memref<4096xf32, #tpu.memory_space<vmem>>
            %swap3A_105 = arith.index_cast %mul3A_101 : i32 to index
            %swap3A_106 = tpu.vector_load %swap3A_104[%swap3A_105] {strides = array<i32>} : memref<4096xf32, #tpu.memory_space<vmem>>, vector<16xf32>,
            tpu.vector_store %swap3A_104[%swap3A_105], %add3A_99 {strides = array<i32>} : memref<4096xf32, #tpu.memory_space<vmem>>, vector<16xf32>,
            %mul3A_107 = arith.constant 8 : i32
            %mul3A_108 = arith.muli %scan3A_68, %mul3A_107 : i32
            %add3A_109 = arith.constant 2 : i32
            %add3A_110 = arith.addi %mul3A_108, %add3A_109 : i32
            %mul3A_111 = arith.constant 4096 : i32
            %mul3A_112 = arith.muli %scan3A_25, %mul3A_111 : i32
            %mul3A_113 = arith.constant 16 : i32
            %mul3A_114 = arith.muli %add3A_110, %mul3A_113 : i32
            %add3A_115 = arith.addi %mul3A_112, %mul3A_114 : i32
            %get3A_116 = arith.index_cast %add3A_115 : i32 to index
            %get3A_117 = tpu.vector_load %arg8[%get3A_116] {strides = array<i32>} : memref<100000xf32, #tpu.memory_space<vmem>>, vector<16xf32>,
            %mul3A_118 = arith.mulf %get3A_117, %gather3A : vector<16xf32>
            %add3A_119 = arith.addf %mul3A_118, %gather3A_1 : vector<16xf32>
            %mul3A_120 = arith.constant 16 : i32
            %mul3A_121 = arith.muli %add3A_110, %mul3A_120 : i32
            %swap3A_122 = arith.constant 0 : i32
            %swap3A_123 = tpu.memref_slice %arg10[%select_n3A_35, %swap3A_122] : memref<2x4096xf32, #tpu.memory_space<vmem>> -> memref<1x4096xf32, #tpu.memory_space<vmem>>
            %swap3A_124 = tpu.memref_squeeze %swap3A_123 : memref<1x4096xf32, #tpu.memory_space<vmem>> -> memref<4096xf32, #tpu.memory_space<vmem>>
            %swap3A_125 = arith.index_cast %mul3A_121 : i32 to index
            %swap3A_126 = tpu.vector_load %swap3A_124[%swap3A_125] {strides = array<i32>} : memref<4096xf32, #tpu.memory_space<vmem>>, vector<16xf32>,
            tpu.vector_store %swap3A_124[%swap3A_125], %add3A_119 {strides = array<i32>} : memref<4096xf32, #tpu.memory_space<vmem>>, vector<16xf32>,
            %mul3A_127 = arith.constant 8 : i32
            %mul3A_128 = arith.muli %scan3A_68, %mul3A_127 : i32
            %add3A_129 = arith.constant 3 : i32
            %add3A_130 = arith.addi %mul3A_128, %add3A_129 : i32
            %mul3A_131 = arith.constant 4096 : i32
            %mul3A_132 = arith.muli %scan3A_25, %mul3A_131 : i32
            %mul3A_133 = arith.constant 16 : i32
            %mul3A_134 = arith.muli %add3A_130, %mul3A_133 : i32
            %add3A_135 = arith.addi %mul3A_132, %mul3A_134 : i32
            %get3A_136 = arith.index_cast %add3A_135 : i32 to index
            %get3A_137 = tpu.vector_load %arg8[%get3A_136] {strides = array<i32>} : memref<100000xf32, #tpu.memory_space<vmem>>, vector<16xf32>,
            %mul3A_138 = arith.mulf %get3A_137, %gather3A : vector<16xf32>
            %add3A_139 = arith.addf %mul3A_138, %gather3A_1 : vector<16xf32>
            %mul3A_140 = arith.constant 16 : i32
            %mul3A_141 = arith.muli %add3A_130, %mul3A_140 : i32
            %swap3A_142 = arith.constant 0 : i32
            %swap3A_143 = tpu.memref_slice %arg10[%select_n3A_35, %swap3A_142] : memref<2x4096xf32, #tpu.memory_space<vmem>> -> memref<1x4096xf32, #tpu.memory_space<vmem>>
            %swap3A_144 = tpu.memref_squeeze %swap3A_143 : memref<1x4096xf32, #tpu.memory_space<vmem>> -> memref<4096xf32, #tpu.memory_space<vmem>>
            %swap3A_145 = arith.index_cast %mul3A_141 : i32 to index
            %swap3A_146 = tpu.vector_load %swap3A_144[%swap3A_145] {strides = array<i32>} : memref<4096xf32, #tpu.memory_space<vmem>>, vector<16xf32>,
            tpu.vector_store %swap3A_144[%swap3A_145], %add3A_139 {strides = array<i32>} : memref<4096xf32, #tpu.memory_space<vmem>>, vector<16xf32>,
            %mul3A_147 = arith.constant 8 : i32
            %mul3A_148 = arith.muli %scan3A_68, %mul3A_147 : i32
            %add3A_149 = arith.constant 4 : i32
            %add3A_150 = arith.addi %mul3A_148, %add3A_149 : i32
            %mul3A_151 = arith.constant 4096 : i32
            %mul3A_152 = arith.muli %scan3A_25, %mul3A_151 : i32
            %mul3A_153 = arith.constant 16 : i32
            %mul3A_154 = arith.muli %add3A_150, %mul3A_153 : i32
            %add3A_155 = arith.addi %mul3A_152, %mul3A_154 : i32
            %get3A_156 = arith.index_cast %add3A_155 : i32 to index
            %get3A_157 = tpu.vector_load %arg8[%get3A_156] {strides = array<i32>} : memref<100000xf32, #tpu.memory_space<vmem>>, vector<16xf32>,
            %mul3A_158 = arith.mulf %get3A_157, %gather3A : vector<16xf32>
            %add3A_159 = arith.addf %mul3A_158, %gather3A_1 : vector<16xf32>
            %mul3A_160 = arith.constant 16 : i32
            %mul3A_161 = arith.muli %add3A_150, %mul3A_160 : i32
            %swap3A_162 = arith.constant 0 : i32
            %swap3A_163 = tpu.memref_slice %arg10[%select_n3A_35, %swap3A_162] : memref<2x4096xf32, #tpu.memory_space<vmem>> -> memref<1x4096xf32, #tpu.memory_space<vmem>>
            %swap3A_164 = tpu.memref_squeeze %swap3A_163 : memref<1x4096xf32, #tpu.memory_space<vmem>> -> memref<4096xf32, #tpu.memory_space<vmem>>
            %swap3A_165 = arith.index_cast %mul3A_161 : i32 to index
            %swap3A_166 = tpu.vector_load %swap3A_164[%swap3A_165] {strides = array<i32>} : memref<4096xf32, #tpu.memory_space<vmem>>, vector<16xf32>,
            tpu.vector_store %swap3A_164[%swap3A_165], %add3A_159 {strides = array<i32>} : memref<4096xf32, #tpu.memory_space<vmem>>, vector<16xf32>,
            %mul3A_167 = arith.constant 8 : i32
            %mul3A_168 = arith.muli %scan3A_68, %mul3A_167 : i32
            %add3A_169 = arith.constant 5 : i32
            %add3A_170 = arith.addi %mul3A_168, %add3A_169 : i32
            %mul3A_171 = arith.constant 4096 : i32
            %mul3A_172 = arith.muli %scan3A_25, %mul3A_171 : i32
            %mul3A_173 = arith.constant 16 : i32
            %mul3A_174 = arith.muli %add3A_170, %mul3A_173 : i32
            %add3A_175 = arith.addi %mul3A_172, %mul3A_174 : i32
            %get3A_176 = arith.index_cast %add3A_175 : i32 to index
            %get3A_177 = tpu.vector_load %arg8[%get3A_176] {strides = array<i32>} : memref<100000xf32, #tpu.memory_space<vmem>>, vector<16xf32>,
            %mul3A_178 = arith.mulf %get3A_177, %gather3A : vector<16xf32>
            %add3A_179 = arith.addf %mul3A_178, %gather3A_1 : vector<16xf32>
            %mul3A_180 = arith.constant 16 : i32
            %mul3A_181 = arith.muli %add3A_170, %mul3A_180 : i32
            %swap3A_182 = arith.constant 0 : i32
            %swap3A_183 = tpu.memref_slice %arg10[%select_n3A_35, %swap3A_182] : memref<2x4096xf32, #tpu.memory_space<vmem>> -> memref<1x4096xf32, #tpu.memory_space<vmem>>
            %swap3A_184 = tpu.memref_squeeze %swap3A_183 : memref<1x4096xf32, #tpu.memory_space<vmem>> -> memref<4096xf32, #tpu.memory_space<vmem>>
            %swap3A_185 = arith.index_cast %mul3A_181 : i32 to index
            %swap3A_186 = tpu.vector_load %swap3A_184[%swap3A_185] {strides = array<i32>} : memref<4096xf32, #tpu.memory_space<vmem>>, vector<16xf32>,
            tpu.vector_store %swap3A_184[%swap3A_185], %add3A_179 {strides = array<i32>} : memref<4096xf32, #tpu.memory_space<vmem>>, vector<16xf32>,
            %mul3A_187 = arith.constant 8 : i32
            %mul3A_188 = arith.muli %scan3A_68, %mul3A_187 : i32
            %add3A_189 = arith.constant 6 : i32
            %add3A_190 = arith.addi %mul3A_188, %add3A_189 : i32
            %mul3A_191 = arith.constant 4096 : i32
            %mul3A_192 = arith.muli %scan3A_25, %mul3A_191 : i32
            %mul3A_193 = arith.constant 16 : i32
            %mul3A_194 = arith.muli %add3A_190, %mul3A_193 : i32
            %add3A_195 = arith.addi %mul3A_192, %mul3A_194 : i32
            %get3A_196 = arith.index_cast %add3A_195 : i32 to index
            %get3A_197 = tpu.vector_load %arg8[%get3A_196] {strides = array<i32>} : memref<100000xf32, #tpu.memory_space<vmem>>, vector<16xf32>,
            %mul3A_198 = arith.mulf %get3A_197, %gather3A : vector<16xf32>
            %add3A_199 = arith.addf %mul3A_198, %gather3A_1 : vector<16xf32>
            %mul3A_200 = arith.constant 16 : i32
            %mul3A_201 = arith.muli %add3A_190, %mul3A_200 : i32
            %swap3A_202 = arith.constant 0 : i32
            %swap3A_203 = tpu.memref_slice %arg10[%select_n3A_35, %swap3A_202] : memref<2x4096xf32, #tpu.memory_space<vmem>> -> memref<1x4096xf32, #tpu.memory_space<vmem>>
            %swap3A_204 = tpu.memref_squeeze %swap3A_203 : memref<1x4096xf32, #tpu.memory_space<vmem>> -> memref<4096xf32, #tpu.memory_space<vmem>>
            %swap3A_205 = arith.index_cast %mul3A_201 : i32 to index
            %swap3A_206 = tpu.vector_load %swap3A_204[%swap3A_205] {strides = array<i32>} : memref<4096xf32, #tpu.memory_space<vmem>>, vector<16xf32>,
            tpu.vector_store %swap3A_204[%swap3A_205], %add3A_199 {strides = array<i32>} : memref<4096xf32, #tpu.memory_space<vmem>>, vector<16xf32>,
            %mul3A_207 = arith.constant 8 : i32
            %mul3A_208 = arith.muli %scan3A_68, %mul3A_207 : i32
            %add3A_209 = arith.constant 7 : i32
            %add3A_210 = arith.addi %mul3A_208, %add3A_209 : i32
            %mul3A_211 = arith.constant 4096 : i32
            %mul3A_212 = arith.muli %scan3A_25, %mul3A_211 : i32
            %mul3A_213 = arith.constant 16 : i32
            %mul3A_214 = arith.muli %add3A_210, %mul3A_213 : i32
            %add3A_215 = arith.addi %mul3A_212, %mul3A_214 : i32
            %get3A_216 = arith.index_cast %add3A_215 : i32 to index
            %get3A_217 = tpu.vector_load %arg8[%get3A_216] {strides = array<i32>} : memref<100000xf32, #tpu.memory_space<vmem>>, vector<16xf32>,
            %mul3A_218 = arith.mulf %get3A_217, %gather3A : vector<16xf32>
            %add3A_219 = arith.addf %mul3A_218, %gather3A_1 : vector<16xf32>
            %mul3A_220 = arith.constant 16 : i32
            %mul3A_221 = arith.muli %add3A_210, %mul3A_220 : i32
            %swap3A_222 = arith.constant 0 : i32
            %swap3A_223 = tpu.memref_slice %arg10[%select_n3A_35, %swap3A_222] : memref<2x4096xf32, #tpu.memory_space<vmem>> -> memref<1x4096xf32, #tpu.memory_space<vmem>>
            %swap3A_224 = tpu.memref_squeeze %swap3A_223 : memref<1x4096xf32, #tpu.memory_space<vmem>> -> memref<4096xf32, #tpu.memory_space<vmem>>
            %swap3A_225 = arith.index_cast %mul3A_221 : i32 to index
            %swap3A_226 = tpu.vector_load %swap3A_224[%swap3A_225] {strides = array<i32>} : memref<4096xf32, #tpu.memory_space<vmem>>, vector<16xf32>,
            tpu.vector_store %swap3A_224[%swap3A_225], %add3A_219 {strides = array<i32>} : memref<4096xf32, #tpu.memory_space<vmem>>, vector<16xf32>,
          }
          %scan3A_67 = arith.constant 32 : i32
        } else {
        }
        %mul3A_51 = arith.constant 4096 : i32
        %mul3A_52 = arith.muli %scan3A_25, %mul3A_51 : i32
        %dma_start3A = arith.constant 0 : i32
        %dma_start3A_53 = tpu.memref_slice %arg10[%select_n3A_35, %dma_start3A] : memref<2x4096xf32, #tpu.memory_space<vmem>> -> memref<1x4096xf32, #tpu.memory_space<vmem>>
        %dma_start3A_54 = tpu.memref_squeeze %dma_start3A_53 : memref<1x4096xf32, #tpu.memory_space<vmem>> -> memref<4096xf32, #tpu.memory_space<vmem>>
        %dma_start3A_55 = tpu.memref_slice %arg7[%scan3A_13, %add3A, %mul3A_52] : memref<4x32x16384xf32, #tpu.memory_space<hbm>> -> memref<1x1x4096xf32, #tpu.memory_space<hbm>>
        %dma_start3A_56 = tpu.memref_squeeze %dma_start3A_55 : memref<1x1x4096xf32, #tpu.memory_space<hbm>> -> memref<4096xf32, #tpu.memory_space<hbm>>
        %dma_start3A_57 = tpu.memref_slice %arg7[%scan3A_13, %add3A, %mul3A_52] : memref<4x32x16384xf32, #tpu.memory_space<hbm>> -> memref<1x1x4096xf32, #tpu.memory_space<hbm>>
        %dma_start3A_58 = tpu.memref_squeeze %dma_start3A_57 : memref<1x1x4096xf32, #tpu.memory_space<hbm>> -> memref<4096xf32, #tpu.memory_space<hbm>>
        %dma_start3A_59 = arith.constant 0 : i32
        %dma_start3A_60 = tpu.memref_slice %arg10[%select_n3A_35, %dma_start3A_59] : memref<2x4096xf32, #tpu.memory_space<vmem>> -> memref<1x4096xf32, #tpu.memory_space<vmem>>
        %dma_start3A_61 = tpu.memref_squeeze %dma_start3A_60 : memref<1x4096xf32, #tpu.memory_space<vmem>> -> memref<4096xf32, #tpu.memory_space<vmem>>
        tpu.enqueue_dma source(%dma_start3A_61 : memref<4096xf32, #tpu.memory_space<vmem>>) target(%dma_start3A_58 : memref<4096xf32, #tpu.memory_space<hbm>>) target_semaphore(%arg13 : memref<!tpu.dma_semaphore, #tpu.memory_space<semaphore_mem>>)
      }
      %scan3A_24 = arith.constant 4 : i32
    }
    %scan3A_6 = arith.constant 4 : i32
    %scan3A_7 = arith.constant 0 : i32
    %scan3A_8 = arith.constant 0 : i32
    %scan3A_9 = arith.constant 2 : i32
    %scan3A_10 = arith.addi %scan3A_8, %scan3A_9 : i32
    %scan3A_11 = arith.constant 1 : i32
    scf.for %scan3A_13 = %scan3A_8 to %scan3A_10 step %scan3A_11  : i32 {
      %dma_wait3A = arith.constant 3 : i32
      %dma_wait3A_14 = arith.constant 0 : i32
      %dma_wait3A_15 = tpu.memref_slice %arg10[%scan3A_13, %dma_wait3A_14] : memref<2x4096xf32, #tpu.memory_space<vmem>> -> memref<1x4096xf32, #tpu.memory_space<vmem>>
      %dma_wait3A_16 = tpu.memref_squeeze %dma_wait3A_15 : memref<1x4096xf32, #tpu.memory_space<vmem>> -> memref<4096xf32, #tpu.memory_space<vmem>>
      %dma_wait3A_17 = arith.constant 0 : i32
      %dma_wait3A_18 = tpu.memref_slice %arg7[%dma_wait3A, %add3A, %dma_wait3A_17] : memref<4x32x16384xf32, #tpu.memory_space<hbm>> -> memref<1x1x4096xf32, #tpu.memory_space<hbm>>
      %dma_wait3A_19 = tpu.memref_squeeze %dma_wait3A_18 : memref<1x1x4096xf32, #tpu.memory_space<hbm>> -> memref<4096xf32, #tpu.memory_space<hbm>>
      %dma_wait3A_20 = arith.constant 0 : i32
      %dma_wait3A_21 = tpu.memref_slice %arg7[%dma_wait3A, %add3A, %dma_wait3A_20] : memref<4x32x16384xf32, #tpu.memory_space<hbm>> -> memref<1x1x4096xf32, #tpu.memory_space<hbm>>
      %dma_wait3A_22 = tpu.memref_squeeze %dma_wait3A_21 : memref<1x1x4096xf32, #tpu.memory_space<hbm>> -> memref<4096xf32, #tpu.memory_space<hbm>>
      %dma_wait3A_23 = arith.constant 0 : i32
      %dma_wait3A_24 = tpu.memref_slice %arg10[%scan3A_13, %dma_wait3A_23] : memref<2x4096xf32, #tpu.memory_space<vmem>> -> memref<1x4096xf32, #tpu.memory_space<vmem>>
      %dma_wait3A_25 = tpu.memref_squeeze %dma_wait3A_24 : memref<1x4096xf32, #tpu.memory_space<vmem>> -> memref<4096xf32, #tpu.memory_space<vmem>>
      tpu.wait_dma2 semaphore(%arg13 : memref<!tpu.dma_semaphore, #tpu.memory_space<semaphore_mem>>) src(%dma_wait3A_25 : memref<4096xf32, #tpu.memory_space<vmem>>) dst(%dma_wait3A_22 : memref<4096xf32, #tpu.memory_space<hbm>>)
    }
    %scan3A_12 = arith.constant 2 : i32
    return
  }
}

</mosaic_0001>

<sc_bundles>
// kernel: _run.12.cloned.1.call-start
scs
__scs_entry_jumppad:
0x0: {  	(pc) =	sbr.rel $0x88, $3  }
0x1: {  	(tag) =	ssettag $0x0;
	lr =	simm.s32 $0x1  }
0x2: {  	[smem:$0x3F9C] =	sst lr;
	_ =	strace $0xD0000000  }
0x3: {  	_ = 	snop  }
0x4: {  	_ = 	snop  }
0x5: {  	_ = 	snop  }
0x6: {  	_ = 	snop  }
0x7: {  	_ = 	snop  }
__scs_overlays_trampoline_lowered:
0x8: {  	[smem:$0x3FAB] =	sst s0  }
0x9: {  	[smem:$0x3FAC] =	sst s1  }
0xa: {  	[smem:$0x3FAD] =	sst s2  }
0xb: {  	[smem:$0x3FAE] =	sst s3  }
0xc: {  	[smem:$0x3FAF] =	sst s4  }
0xd: {  	[smem:$0x3FB0] =	sst s5  }
0xe: {  	[smem:$0x3FB1] =	sst s6  }
0xf: {  	[smem:$0x3FB2] =	sst s7  }
0x10: {  	[smem:$0x3FB3] =	sst s8  }
0x11: {  	[smem:$0x3FB4] =	sst s9;
	s0 =	simm.s32 @!p0 $0x0  }
0x12: {  	s1 =	sld [smem:$0x3F9A];
	s0 =	simm.s32 @p0 $0x1  }
0x13: {  	[smem:$0x3FB5] =	sst s0;
	s0 =	simm.s32 @!p1 $0x0  }
0x14: {  	s2 =	sld [smem:$0x3F99];
	s0 =	simm.s32 @p1 $0x1  }
0x15: {  	[smem:$0x3FB6] =	sst s0;
	s0 =	simm.s32 @!p2 $0x0  }
0x16: {  	s3 =	sld [smem:$0x3FDB];
	s0 =	simm.s32 @p2 $0x1  }
0x17: {  	s4 =	simm.s32 $0x1BF5;
	[smem:$0x3FB8] =	sst s0  }
0x18: {  	s0 =	sld [smem:$0x3F9B];
	_ =	swait.ge [sflag:s4], $0x0  }
0x19: {  	s7 =	sld [smem:$0x3F9C]  }
0x1a: {  	s8 =	sadd.s32 $0xFFFFE003, lr  }
0x1b: {  	s9 =	sadd.s32 $0xFFFFFEF7, lr;
	s5 =	simm.s32 $0xFFFFFFFF;
	p2 =	slt.u32 s8, $0xFFFFF086  }
0x1c: {  	p1 =	slt.u32 s9, $0xF7A;
	s5 =	simm.s32 @!p2 $0x0  }
0x1d: {  	s5 =	simm.s32 @p1 $0x1;
	p0 =	seq.s32 s7, s2  }
0x1e: {  	s7 =	smul.u32 @!p0 $0xF7A, s2;
	p2 =	seq.s32 @!p0 s5, $0x0  }
0x1f: {  	s9 =	smul.u32 $0xF7A, s1;
	s8 =	simm.s32 @!p0 $0x1BF5;
	p2 =	por !p2, p0  }
0x20: {  	[sflag:s8] =	ssyncset.s32 @!p0 $0xFFFFF086;
	s6 =	sadd.s32 @!p0 s3, s7;
	s7 =	simm.s32 @!p0 $0x108  }
0x21: {  	s3 =	sadd.s32 s3, s9;
	s6 =	sadd.s32 @!p0 $0x88, s6;
	s7 =	simm.s32 @p2 $0x1082  }
0x22: {  	[simem:s7], [sflag:s8] =	dma.local @!p0 [hbm:s6], $0xF7A  }
0x23: {  	s9 =	sor.u32 $0xD0000000, s2;
	s6 =	simm.s32 $0x108;
	_ =	swait.ge @!p0 [sflag:s8], $0x0  }
0x24: {  	s3 =	sadd.s32 $0x88, s3;
	s6 =	simm.s32 @!p1 $0x1082;
	[sflag:s4] =	ssyncset.s32 $0xFFFFF086  }
0x25: {  	[simem:s6], [sflag:s4] =	dma.local [hbm:s3], $0xF7A  }
0x26: {  	[smem:$0x3F9C] =	sst s1;
	(tag) =	ssettag s2;
	_ =	strace s9  }
0x27: {  	s1 =	sld [smem:$0x3FAC]  }
0x28: {  	s2 =	sld [smem:$0x3FAD]  }
0x29: {  	s4 =	sld [smem:$0x3FAF]  }
0x2a: {  	p0 =	seq.s32 s5, $0x0;
	s5 =	sld [smem:$0x3FB0]  }
0x2b: {  	s6 =	sld [smem:$0x3FB1]  }
0x2c: {  	s7 =	sld [smem:$0x3FB2]  }
0x2d: {  	s3 =	simm.s32 $0x108;
	s8 =	sld [smem:$0x3FB3]  }
0x2e: {  	s3 =	simm.s32 @!p0 $0x1082;
	s9 =	sld [smem:$0x3FB4]  }
0x2f: {  	lr =	sadd.s32 s0, s3;
	s0 =	sld [smem:$0x3FAB]  }
0x30: {  	s3 =	sld [smem:$0x3FAE]  }
0x31: {  	[smem:$0x3FB7] =	sst s10  }
0x32: {  	s10 =	sld [smem:$0x3FB5];
	_ =	sdelay $0x3  }
0x33: {  	p0 =	seq.s32 s10, $0x1;
	s10 =	sld [smem:$0x3FB7];
	_ =	sdelay $0x3  }
0x34: {  	[smem:$0x3FB7] =	sst s10  }
0x35: {  	s10 =	sld [smem:$0x3FB6];
	_ =	sdelay $0x3  }
0x36: {  	p1 =	seq.s32 s10, $0x1;
	s10 =	sld [smem:$0x3FB7];
	_ =	sdelay $0x3  }
0x37: {  	[smem:$0x3FB7] =	sst s10  }
0x38: {  	s10 =	sld [smem:$0x3FB8]  }
0x39: {  	_ = 	snop;
	(pc) =	sbr.ind lr, $3  }
0x3a: {  	_ = 	snop  }
0x3b: {  	_ = 	snop  }
0x3c: {  	p2 =	seq.s32 s10, $0x1;
	s10 =	sld [smem:$0x3FB7]  }
0x3d: {  	_ =	shalt  }
0x3e: {  	_ =	shalt  }
0x3f: {  	_ =	shalt  }
0x40: {  	_ =	shalt  }
0x41: {  	_ =	shalt  }
0x42: {  	_ =	shalt  }
0x43: {  	_ =	shalt  }
0x44: {  	_ =	shalt  }
0x45: {  	_ =	shalt  }
0x46: {  	_ =	shalt  }
0x47: {  	_ =	shalt  }
0x48: {  	_ =	shalt  }
0x49: {  	_ =	shalt  }
0x4a: {  	_ =	shalt  }
0x4b: {  	_ =	shalt  }
0x4c: {  	_ =	shalt  }
0x4d: {  	_ =	shalt  }
0x4e: {  	_ =	shalt  }
0x4f: {  	_ =	shalt  }
0x50: {  	_ =	shalt  }
0x51: {  	_ =	shalt  }
0x52: {  	_ =	shalt  }
0x53: {  	_ =	shalt  }
0x54: {  	_ =	shalt  }
0x55: {  	_ =	shalt  }
0x56: {  	_ =	shalt  }
0x57: {  	_ =	shalt  }
0x58: {  	_ =	shalt  }
0x59: {  	_ =	shalt  }
0x5a: {  	_ =	shalt  }
0x5b: {  	_ =	shalt  }
0x5c: {  	_ =	shalt  }
0x5d: {  	_ =	shalt  }
0x5e: {  	_ =	shalt  }
0x5f: {  	_ =	shalt  }
0x60: {  	_ =	shalt  }
0x61: {  	_ =	shalt  }
0x62: {  	_ =	shalt  }
0x63: {  	_ =	shalt  }
0x64: {  	_ =	shalt  }
0x65: {  	_ =	shalt  }
0x66: {  	_ =	shalt  }
0x67: {  	_ =	shalt  }
0x68: {  	_ =	shalt  }
0x69: {  	_ =	shalt  }
0x6a: {  	_ =	shalt  }
0x6b: {  	_ =	shalt  }
0x6c: {  	_ =	shalt  }
0x6d: {  	_ =	shalt  }
0x6e: {  	_ =	shalt  }
0x6f: {  	_ =	shalt  }
0x70: {  	_ =	shalt  }
0x71: {  	_ =	shalt  }
0x72: {  	_ =	shalt  }
0x73: {  	_ =	shalt  }
0x74: {  	_ =	shalt  }
0x75: {  	_ =	shalt  }
0x76: {  	_ =	shalt  }
0x77: {  	_ =	shalt  }
0x78: {  	_ =	shalt  }
0x79: {  	_ =	shalt  }
0x7a: {  	_ =	shalt  }
0x7b: {  	_ =	shalt  }
0x7c: {  	_ =	shalt  }
0x7d: {  	_ =	shalt  }
0x7e: {  	_ =	shalt  }
0x7f: {  	_ =	shalt  }
0x80: {  	_ =	shalt  }
0x81: {  	_ =	shalt  }
0x82: {  	_ =	shalt  }
0x83: {  	_ =	shalt  }
0x84: {  	_ =	shalt  }
0x85: {  	_ =	shalt  }
0x86: {  	_ =	shalt  }
0x87: {  	_ =	shalt  }
.Lfunc_end0:
.L_simem_size_0:
called_computation.2_lowered:
.L_overlay_start_0:
0x88: {  	s2 =	sld [smem:$0x3FD9]  }
0x89: {  	s3 =	sld [smem:$0x3FFE];
	_ =	sdelay $0x1  }
0x8a: {  	s1 =	srdreg.scid  }
0x8b: {  	s0 =	sand.u32 $0x1, s1  }
0x8c: {  	s17 =	sshll.u32 s0, $0xA;
	s2 =	sadd.s32 s3, s2  }
0x8d: {  	s2 =	sadd.s32 s2, s17  }
0x8e: {  	[smem:$0x3FC3] =	sst s2  }
0x8f: {  	_ = 	snop  }
0x90: {  	s2 =	sld [smem:$0x3FC6]  }
0x91: {  	s18 =	sld [smem:$0x3FC5];
	(tm) =	ssettm $0x1  }
0x92: {  	s4 =	sld [smem:$0x3FFB];
	_ =	sdelay $0x3  }
0x93: {  	_ =	strace s4  }
0x94: {  	s4 =	sld [smem:$0x3FFC];
	_ =	sdelay $0x3  }
0x95: {  	_ =	strace s4  }
0x96: {  	s4 =	sld [smem:$0x3FFD];
	_ =	sdelay $0x3  }
0x97: {  	_ =	strace s4  }
0x98: {  	_ =	strace $0x8FFFFFFF  }
0x99: {  	s19 =	sld [smem:$0x3FDB];
	_ =	sdelay $0x1  }
0x9a: {  	s5 =	simm.s32 $_scs_section_size  }
0x9b: {  	s6 =	simm.s32 $_size__tile_overlayer_lowered;
	s7 =	simm.s32 $_tile_overlayer_lowered  }
0x9c: {  	s22 =	simm.s32 $0x1BFF;
	s21 =	sshll.u32 s7, $0x1;
	s4 =	sadd.s32 s5, s19  }
0x9d: {  	s8 =	simm.s32 $0x0;
	s20 =	sshll.u32 s6, $0x1;
	s6 =	sadd.s32 s21, s4  }
0x9e: {  	[timem:s8], [sflag:s22] =	dma.local [hbm:s6], s20  }
0x9f: {  	_ =	swait.ge [sflag:s22], s20  }
0xa0: {  	s5 =	ssub.s32 $0x0, s20;
	[sflag:s22] =	ssyncset.done $0x0  }
0xa1: {  	[sflag:s22] =	ssyncadd.s32 s5;
	_ =	sdelay $0x1  }
0xa2: {  	s23 =	simm.s32 $0x1B8B  }
0xa3: {  	_ =	swait.ge [sflag:s23], $0x1  }
0xa4: {  	[sflag:s23] =	ssyncset.done $0x0  }
0xa5: {  	s25 =	simm.s32 $0x1B8E;
	s24 =	sld [smem:$0x3FFE];
	[sflag:s23] =	ssyncadd.s32 $0xFFFFFFFF  }
0xa6: {  	s26 =	simm.s32 $execute0_lowered;
	[smem:$0x3FD2] =	sst s25  }
0xa7: {  	s6 =	sshll.u32 s26, $0x1;
	_ =	strace $0x80000046;
	[dreg:$0x1] =	wrdreg $0xFFFFFFFF  }
0xa8: {  	s28 =	simm.s32 $_size_execute0_lowered;
	s4 =	sadd.s32 s4, s6;
	[dreg:$0x0] =	wrdreg $0x0  }
0xa9: {  	s6 =	sshll.u32 s28, $0x1;
	[dreg:$0x2] =	wrdreg s4  }
0xaa: {  	[dreg:$0x3] =	wrdreg s6  }
0xab: {  	[dreg:$0x4] =	wrdreg $0xC0  }
0xac: {  	_ =	task [dreg:s8], $0x5FFFF  }
0xad: {  	[dreg:$0x1] =	wrdreg $0xFFFFFFFF  }
0xae: {  	[dreg:$0x0] =	wrdreg $0x60  }
0xaf: {  	[dreg:$0x2] =	wrdreg s24  }
0xb0: {  	[dreg:$0x3] =	wrdreg s2  }
0xb1: {  	[dreg:$0x4] =	wrdreg s18  }
0xb2: {  	[dreg:$0x5] =	wrdreg $0xB  }
0xb3: {  	_ =	task.clear_ibuf [dreg:s8], $0x6FFFF;
	_ =	strace $0x90000046  }
0xb4: {  	s29 =	simm.s32 $0xB;
	_ =	strace $0x80000048  }
0xb5: {  	_ =	swait.ge [sflag:s29], $0x1  }
0xb6: {  	[sflag:s29] =	ssyncadd.s32 $0xFFFFFFFF  }
0xb7: {  	_ =	strace $0x90000048  }
0xb8: {  	_ =	sfence  }
0xb9: {  	s30 =	sld [smem:$0x0];
	_ =	sdelay $0x2  }
0xba: {  	s31 =	sshll.u32 s1, $0xD;
	s1 =	sshrl.u32 s1, $0x2  }
0xbb: {  	s3 =	sand.u32 $0x4000, s31;
	s1 =	sadd.s32 s1, s30  }
0xbc: {  	s0 =	sor.u32 s3, s0;
	s1 =	sshll.u32 s1, $0x11  }
0xbd: {  	s0 =	sor.u32 s1, s0  }
0xbe: {  	s0 =	sadd.s32 $0x8F2B, s0  }
0xbf: {  	[sflag:s0] =	ssyncadd.remote.s32 $0x1  }
0xc0: {  	_ =	sfence.sel $0xFFFF  }
0xc1: {  	[dreg:$0x0] =	wrdreg $0xFFFFFFFF;
	(pc) =	sbr.abs _section_cstart, $3  }
0xc2: {  	[dreg:$0x1] =	wrdreg $0xFFFFFFFF  }
0xc3: {  	_ =	task.clear_ibuf [dreg:s8], $0x2FFFF;
	_ =	strace $0x9FFFFFFF  }
0xc4: {  	(tm) =	ssettm $0x7FFFFFFF  }
0xc5: {  	_ =	shalt  }
tec
execute0_lowered:
.L_overlay_start_1:
0x0: {  	(tag) =	ssettag $0x1  }
0x1: {  	s7 =	rddreg [dreg:$0x0]  }
0x2: {  	s1 =	rddreg [dreg:$0x1]  }
0x3: {  	s3 =	rddreg [dreg:$0x2]  }
0x4: {  	s0 =	rddreg [dreg:$0x3]  }
0x5: {  	s4 =	simm.s32 $0x0;
	s5 =	srdreg.scid;
	s2 =	stileid.u32  }
0x6: {  	s12 =	simm.s32 $0x1E6C0;
	s13 =	simm.s32 $0x186A0;
	s14 =	simm.s32 $0x1  }
0x7: {  	[smem:$0x7FF] =	sst s4;
	s5 =	sand.u32 $0x1, s5;
	s6 =	sshll.u32 s2, $0x1  }
0x8: {  	s15 =	simm.s32 $0x0;
	_ =	strace $0x80000047;
	s8 =	sor.u32 s5, s6  }
0x9: {  	s9 =	ssub.s32 $0x2, s5;
	s5 =	sadd.s32 $0x7E00, s7;
	s10 =	sshll.u32 s8, $0xB  }
0xa: {  	s6 =	sadd.s32 $0x560600, s7;
	s11 =	sshrl.u32 s9, $0x1;
	s10 =	sadd.s32 s10, s7  }
0xb: {  	s9 =	ssub.s32 s9, s11;
	s7 =	smul.u32 $0x186A0, s8;
	s11 =	simm.s32 $0x2  }
0xc: {  	s8 =	sadd.s32 $0xB600, s10;
	s9 =	smax.u32 s9, $0x1;
	s10 =	simm.s32 $0x1E6A0  }
.LBB2_1:
0xd: {  	[tilespmem:s10], [sflag:$0x2] =	stream.linear.gather [hbm4b:s1+s4], $0x20, $0x38;
	[tilespmem:$0x1E6E0] =	vst v63  }
0xe: {  	_ =	swait.ge [sflag:s11], $0x20  }
0xf: {  	[sflag:s11] =	ssyncset.done $0x0  }
0x10: {  	[sflag:s11] =	ssyncadd.s32 $0xFFFFFFE0  }
0x11: {  	[tilespmem:s12], [sflag:$0x2] =	stream.linear.gather [hbm4b:s3+s4], $0x20, $0x38;
	[tilespmem:$0x1E6E0] =	vst v63  }
0x12: {  	_ =	swait.ge [sflag:s11], $0x20  }
0x13: {  	[sflag:s11] =	ssyncset.done $0x0  }
0x14: {  	s16 =	simm.s32 $0x0;
	[sflag:s11] =	ssyncadd.s32 $0xFFFFFFE0  }
.LBB2_2:
0x15: {  	s17 =	sshll.u32 s16, $0xB  }
0x16: {  	s19 =	smul.u32 $0x30D400, s16;
	s18 =	sadd.s32 s5, s17;
	s17 =	simm.s32 $0x0  }
0x17: {  	[tilespmem:s13], [sflag:$0x2] =	stream.linear.gather [hbm4b:s18+s17], $0x4000, $0x38;
	[tilespmem:$0x1E6E0] =	vst v63  }
0x18: {  	s30 =	sadd.s32 s7, s19;
	_ =	swait.ge [sflag:s11], $0x4000  }
0x19: {  	s18 =	sshrl.u32 s30, $0x3;
	[sflag:s11] =	ssyncset.done $0x0  }
0x1a: {  	s18 =	sadd.s32 s6, s18;
	[sflag:s11] =	ssyncadd.s32 $0xFFFFC000  }
0x1b: {  	[tilespmem:s17], [sflag:$0x2] =	stream.linear.gather [hbm4b:s18+s17], $0x186A0, $0x38;
	[tilespmem:$0x1E6E0] =	vst v63  }
0x1c: {  	s31 =	sshll.u32 s16, $0x10;
	_ =	swait.ge [sflag:s11], $0x186A0  }
0x1d: {  	s20 =	simm.s32 $0x186E0;
	p0 =	por $0x0, $0x0;
	[sflag:s11] =	ssyncset.done $0x0  }
0x1e: {  	s19 =	sadd.s32 s31, s8;
	s18 =	sshll.u32 s16, $0x2;
	[sflag:s11] =	ssyncadd.s32 $0xFFFE7960  }
.LBB2_3:
0x1f: {  	s21 =	sadd.s32 s18, s17  }
0x20: {  	s22 =	simm.s32 $0x1;
	p1 =	slt.u32 s21, $0x2  }
0x21: {  	v0 =	vmov s20;
	s22 =	simm.s32 @!p0 $0x0;
	s21 =	simm.s32 @!p1 $0x1  }
0x22: {  	s23 =	sshll.u32 s17, $0xC;
	s22 =	sshll.u32 s22, $0xC;
	_ =	swait.ge @!p1 [sflag:s21], $0x1000  }
0x23: {  	s23 =	sand.u32 $0x1000, s23;
	s22 =	sor.u32 $0x1C6E0, s22;
	[sflag:s21] =	ssyncset.done @!p1 $0x0  }
0x24: {  	v1 =	vmov s22;
	s22 =	simm.s32 $0x0;
	[sflag:s21] =	ssyncadd.s32 @!p1 $0xFFFFF000;
	s21 =	sor.u32 $0x1C6A0, s23  }
.LBB2_4:
0x25: {  	s23 =	sshra.s32 s22, $0x2  }
0x26: {  	v2 =	vld.idx.msk [tilespmem:v0+s23+$0xFFFFFFC0 ss:$0x1], $0xffff;
	_ =	sdelay $0x7  }
0x27: {  	v2 =	vld.idx.msk [tilespmem:v2+s4+$0x0], $0xffff;
	_ =	sdelay $0x4  }
0x28: {  	[tilespmem:v1+s23+$0xFFFFFFC0 ss:$0x1] =	vst.idx.msk $0xffff, v2  }
0x29: {  	v2 =	vld.idx.msk [tilespmem:v0+s23+$0xFFFFFFD0 ss:$0x1], $0xffff;
	_ =	sdelay $0x7  }
0x2a: {  	v2 =	vld.idx.msk [tilespmem:v2+s4+$0x0], $0xffff;
	_ =	sdelay $0x4  }
0x2b: {  	[tilespmem:v1+s23+$0xFFFFFFD0 ss:$0x1] =	vst.idx.msk $0xffff, v2  }
0x2c: {  	v2 =	vld.idx.msk [tilespmem:v0+s23+$0xFFFFFFE0 ss:$0x1], $0xffff;
	_ =	sdelay $0x7  }
0x2d: {  	v2 =	vld.idx.msk [tilespmem:v2+s4+$0x0], $0xffff;
	_ =	sdelay $0x4  }
0x2e: {  	[tilespmem:v1+s23+$0xFFFFFFE0 ss:$0x1] =	vst.idx.msk $0xffff, v2  }
0x2f: {  	v2 =	vld.idx.msk [tilespmem:v0+s23+$0xFFFFFFF0 ss:$0x1], $0xffff;
	_ =	sdelay $0x7  }
0x30: {  	v2 =	vld.idx.msk [tilespmem:v2+s4+$0x0], $0xffff;
	_ =	sdelay $0x4  }
0x31: {  	[tilespmem:v1+s23+$0xFFFFFFF0 ss:$0x1] =	vst.idx.msk $0xffff, v2  }
0x32: {  	v2 =	vld.idx.msk [tilespmem:v0+s23+$0x0 ss:$0x1], $0xffff;
	_ =	sdelay $0x7  }
0x33: {  	v2 =	vld.idx.msk [tilespmem:v2+s4+$0x0], $0xffff;
	_ =	sdelay $0x4  }
0x34: {  	[tilespmem:v1+s23+$0x0 ss:$0x1] =	vst.idx.msk $0xffff, v2  }
0x35: {  	v2 =	vld.idx.msk [tilespmem:v0+s23+$0x10 ss:$0x1], $0xffff;
	_ =	sdelay $0x7  }
0x36: {  	v2 =	vld.idx.msk [tilespmem:v2+s4+$0x0], $0xffff;
	_ =	sdelay $0x4  }
0x37: {  	[tilespmem:v1+s23+$0x10 ss:$0x1] =	vst.idx.msk $0xffff, v2  }
0x38: {  	v2 =	vld.idx.msk [tilespmem:v0+s23+$0x20 ss:$0x1], $0xffff;
	_ =	sdelay $0x7  }
0x39: {  	v2 =	vld.idx.msk [tilespmem:v2+s4+$0x0], $0xffff;
	_ =	sdelay $0x4  }
0x3a: {  	[tilespmem:v1+s23+$0x20 ss:$0x1] =	vst.idx.msk $0xffff, v2  }
0x3b: {  	v2 =	vld.idx.msk [tilespmem:v0+s23+$0x30 ss:$0x1], $0xffff;
	_ =	sdelay $0x7  }
0x3c: {  	p1 =	sne.s32 s22, $0x3E00;
	v2 =	vld.idx.msk [tilespmem:v2+s4+$0x0], $0xffff  }
.Ltmp0:
0x3d: {  	_ = 	snop;
	(pc) =	sbr.rel @p1 .LBB2_4-.Ltmp0, $2  }
0x3e: {  	_ =	sdelay $0x2  }
0x3f: {  	s22 =	sadd.s32 $0x200, s22;
	[tilespmem:v1+s23+$0x30 ss:$0x1] =	vst.idx.msk $0xffff, v2  }
0x40: {  	s22 =	sshll.u32 s17, $0x9;
	s17 =	sadd.s32 $0x1, s17  }
0x41: {  	p1 =	sne.s32 s17, $0x4  }
.Ltmp1:
0x42: {  	_ = 	snop;
	(pc) =	sbr.rel @p1 .LBB2_3-.Ltmp1, $3  }
0x43: {  	_ =	sdelay $0x1  }
0x44: {  	s20 =	sadd.s32 $0x1000, s20;
	p0 =	por !p0, !p0;
	s22 =	sadd.s32 s22, s19  }
0x45: {  	[hbm4b:s22+s4] =	stream.linear.scatter [tilespmem:s21], [sflag:$0x1], $0x1000, $0x38;
	[tilespmem:$0x1E6E0] =	vst v63  }
0x46: {  	s16 =	sadd.s32 $0x1, s16  }
0x47: {  	p0 =	sne.s32 s16, $0x7  }
.Ltmp2:
0x48: {  	_ = 	snop;
	(pc) =	sbr.rel @p0 .LBB2_2-.Ltmp2, $1  }
0x49: {  	_ =	sdelay $0x3  }
0x4a: {  	s15 =	sadd.s32 $0x1, s15  }
0x4b: {  	_ =	swait.ge [sflag:s14], $0x1000;
	p0 =	sne.s32 s15, s9  }
.Ltmp3:
0x4c: {  	[sflag:s14] =	ssyncset.done $0x0;
	(pc) =	sbr.rel @p0 .LBB2_1-.Ltmp3, $4  }
0x4d: {  	[sflag:s14] =	ssyncadd.s32 $0xFFFFF000  }
0x4e: {  	_ =	swait.ge [sflag:s14], $0x1000  }
0x4f: {  	[sflag:s14] =	ssyncset.done $0x0  }
0x50: {  	[sflag:s14] =	ssyncadd.s32 $0xFFFFF000  }
0x51: {  	_ =	sfence.sel $0x180000  }
0x52: {  	[bflag:$0x0] =	sbarrier.arrive $0xFFFF  }
0x53: {  	p0 =	sne.s32 s2, $0x0;
	_ =	strace $0x90000047  }
0x54: {  	s0 =	sadd.s32 @!p0 $0x100000, s0;
	[bflag:$0x2] =	sbarrier.arrive $0xFFFF  }
0x55: {  	[sflag:s0] =	ssyncadd.tile.s32 @!p0 $0x1;
	_ =	shalt  }
.Lfunc_end2:
_tile_overlayer_lowered:
.L_overlay_start_2:
0x56: {  	(tag) =	ssettag $0x2  }
0x57: {  	s0 =	rddreg [dreg:$0x0];
	s2 =	stileid.u32  }
0x58: {  	s1 =	rddreg [dreg:$0x1];
	p0 =	sne.s32 s2, $0x0  }
0x59: {  	s3 =	rddreg [dreg:$0x2];
	[bflag:$0x3] =	sbarrier.arrive $0xFFFF;
	s2 =	simm.s32 @!p0 $0x1C02  }
0x5a: {  	[timem:s3], [sflag:s2] =	dma.local @!p0 [hbm:s0], s1  }
0x5b: {  	s0 =	simm.s32 @!p0 $0x2  }
0x5c: {  	_ =	swait.ge @!p0 [sflag:s0], s1  }
0x5d: {  	s1 =	ssub.s32 @!p0 $0x0, s1;
	[sflag:s0] =	ssyncset.done @!p0 $0x0  }
0x5e: {  	[sflag:s0] =	ssyncadd.s32 @!p0 s1  }
0x5f: {  	[bflag:$0x3] =	sbarrier.arrive $0xFFFF  }
0x60: {  	_ =	shalt  }

// kernel: _run.15.cloned.1.call-start
scs
__scs_entry_jumppad:
0x0: {  	(pc) =	sbr.rel $0x88, $3  }
0x1: {  	(tag) =	ssettag $0x0;
	lr =	simm.s32 $0x1  }
0x2: {  	[smem:$0x3F9C] =	sst lr;
	_ =	strace $0xD0000000  }
0x3: {  	_ = 	snop  }
0x4: {  	_ = 	snop  }
0x5: {  	_ = 	snop  }
0x6: {  	_ = 	snop  }
0x7: {  	_ = 	snop  }
__scs_overlays_trampoline_lowered:
0x8: {  	[smem:$0x3FAB] =	sst s0  }
0x9: {  	[smem:$0x3FAC] =	sst s1  }
0xa: {  	[smem:$0x3FAD] =	sst s2  }
0xb: {  	[smem:$0x3FAE] =	sst s3  }
0xc: {  	[smem:$0x3FAF] =	sst s4  }
0xd: {  	[smem:$0x3FB0] =	sst s5  }
0xe: {  	[smem:$0x3FB1] =	sst s6  }
0xf: {  	[smem:$0x3FB2] =	sst s7  }
0x10: {  	[smem:$0x3FB3] =	sst s8  }
0x11: {  	[smem:$0x3FB4] =	sst s9;
	s0 =	simm.s32 @!p0 $0x0  }
0x12: {  	s1 =	sld [smem:$0x3F9A];
	s0 =	simm.s32 @p0 $0x1  }
0x13: {  	[smem:$0x3FB5] =	sst s0;
	s0 =	simm.s32 @!p1 $0x0  }
0x14: {  	s2 =	sld [smem:$0x3F99];
	s0 =	simm.s32 @p1 $0x1  }
0x15: {  	[smem:$0x3FB6] =	sst s0;
	s0 =	simm.s32 @!p2 $0x0  }
0x16: {  	s3 =	sld [smem:$0x3FDB];
	s0 =	simm.s32 @p2 $0x1  }
0x17: {  	s4 =	simm.s32 $0x1BF5;
	[smem:$0x3FB8] =	sst s0  }
0x18: {  	s0 =	sld [smem:$0x3F9B];
	_ =	swait.ge [sflag:s4], $0x0  }
0x19: {  	s7 =	sld [smem:$0x3F9C]  }
0x1a: {  	s8 =	sadd.s32 $0xFFFFE003, lr  }
0x1b: {  	s9 =	sadd.s32 $0xFFFFFEF7, lr;
	s5 =	simm.s32 $0xFFFFFFFF;
	p2 =	slt.u32 s8, $0xFFFFF086  }
0x1c: {  	p1 =	slt.u32 s9, $0xF7A;
	s5 =	simm.s32 @!p2 $0x0  }
0x1d: {  	s5 =	simm.s32 @p1 $0x1;
	p0 =	seq.s32 s7, s2  }
0x1e: {  	s7 =	smul.u32 @!p0 $0xF7A, s2;
	p2 =	seq.s32 @!p0 s5, $0x0  }
0x1f: {  	s9 =	smul.u32 $0xF7A, s1;
	s8 =	simm.s32 @!p0 $0x1BF5;
	p2 =	por !p2, p0  }
0x20: {  	[sflag:s8] =	ssyncset.s32 @!p0 $0xFFFFF086;
	s6 =	sadd.s32 @!p0 s3, s7;
	s7 =	simm.s32 @!p0 $0x108  }
0x21: {  	s3 =	sadd.s32 s3, s9;
	s6 =	sadd.s32 @!p0 $0x88, s6;
	s7 =	simm.s32 @p2 $0x1082  }
0x22: {  	[simem:s7], [sflag:s8] =	dma.local @!p0 [hbm:s6], $0xF7A  }
0x23: {  	s9 =	sor.u32 $0xD0000000, s2;
	s6 =	simm.s32 $0x108;
	_ =	swait.ge @!p0 [sflag:s8], $0x0  }
0x24: {  	s3 =	sadd.s32 $0x88, s3;
	s6 =	simm.s32 @!p1 $0x1082;
	[sflag:s4] =	ssyncset.s32 $0xFFFFF086  }
0x25: {  	[simem:s6], [sflag:s4] =	dma.local [hbm:s3], $0xF7A  }
0x26: {  	[smem:$0x3F9C] =	sst s1;
	(tag) =	ssettag s2;
	_ =	strace s9  }
0x27: {  	s1 =	sld [smem:$0x3FAC]  }
0x28: {  	s2 =	sld [smem:$0x3FAD]  }
0x29: {  	s4 =	sld [smem:$0x3FAF]  }
0x2a: {  	p0 =	seq.s32 s5, $0x0;
	s5 =	sld [smem:$0x3FB0]  }
0x2b: {  	s6 =	sld [smem:$0x3FB1]  }
0x2c: {  	s7 =	sld [smem:$0x3FB2]  }
0x2d: {  	s3 =	simm.s32 $0x108;
	s8 =	sld [smem:$0x3FB3]  }
0x2e: {  	s3 =	simm.s32 @!p0 $0x1082;
	s9 =	sld [smem:$0x3FB4]  }
0x2f: {  	lr =	sadd.s32 s0, s3;
	s0 =	sld [smem:$0x3FAB]  }
0x30: {  	s3 =	sld [smem:$0x3FAE]  }
0x31: {  	[smem:$0x3FB7] =	sst s10  }
0x32: {  	s10 =	sld [smem:$0x3FB5];
	_ =	sdelay $0x3  }
0x33: {  	p0 =	seq.s32 s10, $0x1;
	s10 =	sld [smem:$0x3FB7];
	_ =	sdelay $0x3  }
0x34: {  	[smem:$0x3FB7] =	sst s10  }
0x35: {  	s10 =	sld [smem:$0x3FB6];
	_ =	sdelay $0x3  }
0x36: {  	p1 =	seq.s32 s10, $0x1;
	s10 =	sld [smem:$0x3FB7];
	_ =	sdelay $0x3  }
0x37: {  	[smem:$0x3FB7] =	sst s10  }
0x38: {  	s10 =	sld [smem:$0x3FB8]  }
0x39: {  	_ = 	snop;
	(pc) =	sbr.ind lr, $3  }
0x3a: {  	_ = 	snop  }
0x3b: {  	_ = 	snop  }
0x3c: {  	p2 =	seq.s32 s10, $0x1;
	s10 =	sld [smem:$0x3FB7]  }
0x3d: {  	_ =	shalt  }
0x3e: {  	_ =	shalt  }
0x3f: {  	_ =	shalt  }
0x40: {  	_ =	shalt  }
0x41: {  	_ =	shalt  }
0x42: {  	_ =	shalt  }
0x43: {  	_ =	shalt  }
0x44: {  	_ =	shalt  }
0x45: {  	_ =	shalt  }
0x46: {  	_ =	shalt  }
0x47: {  	_ =	shalt  }
0x48: {  	_ =	shalt  }
0x49: {  	_ =	shalt  }
0x4a: {  	_ =	shalt  }
0x4b: {  	_ =	shalt  }
0x4c: {  	_ =	shalt  }
0x4d: {  	_ =	shalt  }
0x4e: {  	_ =	shalt  }
0x4f: {  	_ =	shalt  }
0x50: {  	_ =	shalt  }
0x51: {  	_ =	shalt  }
0x52: {  	_ =	shalt  }
0x53: {  	_ =	shalt  }
0x54: {  	_ =	shalt  }
0x55: {  	_ =	shalt  }
0x56: {  	_ =	shalt  }
0x57: {  	_ =	shalt  }
0x58: {  	_ =	shalt  }
0x59: {  	_ =	shalt  }
0x5a: {  	_ =	shalt  }
0x5b: {  	_ =	shalt  }
0x5c: {  	_ =	shalt  }
0x5d: {  	_ =	shalt  }
0x5e: {  	_ =	shalt  }
0x5f: {  	_ =	shalt  }
0x60: {  	_ =	shalt  }
0x61: {  	_ =	shalt  }
0x62: {  	_ =	shalt  }
0x63: {  	_ =	shalt  }
0x64: {  	_ =	shalt  }
0x65: {  	_ =	shalt  }
0x66: {  	_ =	shalt  }
0x67: {  	_ =	shalt  }
0x68: {  	_ =	shalt  }
0x69: {  	_ =	shalt  }
0x6a: {  	_ =	shalt  }
0x6b: {  	_ =	shalt  }
0x6c: {  	_ =	shalt  }
0x6d: {  	_ =	shalt  }
0x6e: {  	_ =	shalt  }
0x6f: {  	_ =	shalt  }
0x70: {  	_ =	shalt  }
0x71: {  	_ =	shalt  }
0x72: {  	_ =	shalt  }
0x73: {  	_ =	shalt  }
0x74: {  	_ =	shalt  }
0x75: {  	_ =	shalt  }
0x76: {  	_ =	shalt  }
0x77: {  	_ =	shalt  }
0x78: {  	_ =	shalt  }
0x79: {  	_ =	shalt  }
0x7a: {  	_ =	shalt  }
0x7b: {  	_ =	shalt  }
0x7c: {  	_ =	shalt  }
0x7d: {  	_ =	shalt  }
0x7e: {  	_ =	shalt  }
0x7f: {  	_ =	shalt  }
0x80: {  	_ =	shalt  }
0x81: {  	_ =	shalt  }
0x82: {  	_ =	shalt  }
0x83: {  	_ =	shalt  }
0x84: {  	_ =	shalt  }
0x85: {  	_ =	shalt  }
0x86: {  	_ =	shalt  }
0x87: {  	_ =	shalt  }
.Lfunc_end0:
.L_simem_size_0:
called_computation.3_lowered:
.L_overlay_start_0:
0x88: {  	s2 =	sld [smem:$0x3FD9]  }
0x89: {  	s3 =	sld [smem:$0x3FFE];
	_ =	sdelay $0x1  }
0x8a: {  	s1 =	srdreg.scid  }
0x8b: {  	s0 =	sand.u32 $0x1, s1  }
0x8c: {  	s17 =	sshll.u32 s0, $0xA;
	s2 =	sadd.s32 s3, s2  }
0x8d: {  	s2 =	sadd.s32 s2, s17  }
0x8e: {  	[smem:$0x3FC3] =	sst s2  }
0x8f: {  	_ = 	snop  }
0x90: {  	s18 =	sld [smem:$0x3FC6]  }
0x91: {  	s4 =	sld [smem:$0x3FC5];
	(tm) =	ssettm $0x1  }
0x92: {  	s19 =	sld [smem:$0x3FFB];
	_ =	sdelay $0x3  }
0x93: {  	_ =	strace s19  }
0x94: {  	s2 =	sld [smem:$0x3FFC];
	_ =	sdelay $0x3  }
0x95: {  	_ =	strace s2  }
0x96: {  	s2 =	sld [smem:$0x3FFD];
	_ =	sdelay $0x3  }
0x97: {  	_ =	strace s2  }
0x98: {  	_ =	strace $0x8FFFFFFF  }
0x99: {  	s20 =	sld [smem:$0x3FDB];
	_ =	sdelay $0x1  }
0x9a: {  	s5 =	simm.s32 $_scs_section_size  }
0x9b: {  	s6 =	simm.s32 $_size__tile_overlayer_lowered;
	s7 =	simm.s32 $_tile_overlayer_lowered  }
0x9c: {  	s8 =	simm.s32 $0x1BFF;
	s21 =	sshll.u32 s7, $0x1;
	s5 =	sadd.s32 s5, s20  }
0x9d: {  	s22 =	simm.s32 $0x0;
	s6 =	sshll.u32 s6, $0x1;
	s7 =	sadd.s32 s21, s5  }
0x9e: {  	[timem:s22], [sflag:s8] =	dma.local [hbm:s7], s6  }
0x9f: {  	_ =	swait.ge [sflag:s8], s6  }
0xa0: {  	s6 =	ssub.s32 $0x0, s6;
	[sflag:s8] =	ssyncset.done $0x0  }
0xa1: {  	[sflag:s8] =	ssyncadd.s32 s6;
	_ =	sdelay $0x1  }
0xa2: {  	s23 =	simm.s32 $0x1B8B  }
0xa3: {  	_ =	swait.ge [sflag:s23], $0x1  }
0xa4: {  	[sflag:s23] =	ssyncset.done $0x0  }
0xa5: {  	[sflag:s23] =	ssyncadd.s32 $0xFFFFFFFF  }
0xa6: {  	s6 =	sld [smem:$0x0]  }
0xa7: {  	s7 =	sand.u32 $0xFFFFFFFE, s1  }
0xa8: {  	p0 =	sne.s32 s1, s7  }
0xa9: {  	s7 =	sshll.u32 @p0 s7, $0xE  }
0xaa: {  	s7 =	sadd.s32 @p0 $0x11B8D, s7;
	s8 =	sshll.u32 @p0 s6, $0x11  }
0xab: {  	s7 =	sor.u32 @p0 s8, s7  }
0xac: {  	[sflag:s7] =	ssyncadd.remote.s32 @p0 $0x1;
	_ =	sdelay $0x1  }
0xad: {  	s7 =	simm.s32 @p0 $0x1B8D  }
0xae: {  	_ =	swait.eq @p0 [sflag:s7], $0x1  }
0xaf: {  	[sflag:s7] =	ssyncadd.s32 @p0 $0xFFFFFFFF  }
0xb0: {  	s8 =	sshll.u32 @!p0 s1, $0xE  }
0xb1: {  	s8 =	sor.u32 @!p0 $0x4000, s8;
	s7 =	simm.s32 @!p0 $0x1B8D  }
0xb2: {  	s6 =	sshll.u32 @!p0 s6, $0x11;
	s8 =	sadd.s32 @!p0 $0x11B8D, s8;
	_ =	swait.eq @!p0 [sflag:s7], $0x1  }
0xb3: {  	s6 =	sor.u32 @!p0 s6, s8;
	[sflag:s7] =	ssyncadd.s32 @!p0 $0xFFFFFFFF  }
0xb4: {  	s25 =	simm.s32 $0x1B8E;
	s24 =	sld [smem:$0x3FFE];
	[sflag:s6] =	ssyncadd.remote.s32 @!p0 $0x1  }
0xb5: {  	s26 =	simm.s32 $execute0_lowered;
	[smem:$0x3FD2] =	sst s25  }
0xb6: {  	s7 =	sshll.u32 s26, $0x1;
	_ =	strace $0x8000004C;
	[dreg:$0x1] =	wrdreg $0xFFFFFFFF  }
0xb7: {  	s28 =	simm.s32 $_size_execute0_lowered;
	s5 =	sadd.s32 s5, s7;
	[dreg:$0x0] =	wrdreg $0x0  }
0xb8: {  	s7 =	sshll.u32 s28, $0x1;
	[dreg:$0x2] =	wrdreg s5  }
0xb9: {  	[dreg:$0x3] =	wrdreg s7  }
0xba: {  	[dreg:$0x4] =	wrdreg $0xC0  }
0xbb: {  	_ =	task [dreg:s22], $0x5FFFF  }
0xbc: {  	[dreg:$0x1] =	wrdreg $0xFFFFFFFF  }
0xbd: {  	[dreg:$0x0] =	wrdreg $0x60  }
0xbe: {  	[dreg:$0x2] =	wrdreg s24  }
0xbf: {  	[dreg:$0x3] =	wrdreg s18  }
0xc0: {  	[dreg:$0x4] =	wrdreg s4  }
0xc1: {  	[dreg:$0x5] =	wrdreg $0xC  }
0xc2: {  	_ =	task.clear_ibuf [dreg:s22], $0x6FFFF;
	_ =	strace $0x9000004C  }
0xc3: {  	s29 =	simm.s32 $0xC;
	_ =	strace $0x8000004E  }
0xc4: {  	_ =	swait.ge [sflag:s29], $0x1  }
0xc5: {  	[sflag:s29] =	ssyncadd.s32 $0xFFFFFFFF  }
0xc6: {  	_ =	strace $0x9000004E  }
0xc7: {  	_ =	sfence  }
0xc8: {  	s30 =	sld [smem:$0x0];
	_ =	sdelay $0x2  }
0xc9: {  	s31 =	sshll.u32 s1, $0xD;
	s1 =	sshrl.u32 s1, $0x2  }
0xca: {  	s4 =	sand.u32 $0x4000, s31;
	s1 =	sadd.s32 s1, s30  }
0xcb: {  	s0 =	sor.u32 s4, s0;
	s1 =	sshll.u32 s1, $0x11  }
0xcc: {  	s0 =	sor.u32 s1, s0  }
0xcd: {  	s0 =	sadd.s32 $0x8F2B, s0  }
0xce: {  	[sflag:s0] =	ssyncadd.remote.s32 $0x1  }
0xcf: {  	_ =	sfence.sel $0xFFFF  }
0xd0: {  	[dreg:$0x0] =	wrdreg $0xFFFFFFFF;
	(pc) =	sbr.abs _section_cstart, $3  }
0xd1: {  	[dreg:$0x1] =	wrdreg $0xFFFFFFFF  }
0xd2: {  	_ =	task.clear_ibuf [dreg:s22], $0x2FFFF;
	_ =	strace $0x9FFFFFFF  }
0xd3: {  	(tm) =	ssettm $0x7FFFFFFF  }
tec
execute0_lowered:
.L_overlay_start_1:
0x0: {  	(tag) =	ssettag $0x1  }
0x1: {  	s8 =	rddreg [dreg:$0x0]  }
0x2: {  	s1 =	rddreg [dreg:$0x1]  }
0x3: {  	s3 =	rddreg [dreg:$0x2]  }
0x4: {  	s0 =	rddreg [dreg:$0x3];
	s4 =	simm.s32 $0x0  }
0x5: {  	s5 =	srdreg.scid;
	s2 =	stileid.u32;
	s11 =	simm.s32 $0x1E6A0  }
0x6: {  	s12 =	simm.s32 $0x2;
	s14 =	simm.s32 $0x1;
	s15 =	simm.s32 $0x0  }
0x7: {  	[smem:$0x7FF] =	sst s4;
	s7 =	sand.u32 $0x1, s5;
	s6 =	sshll.u32 s2, $0x1  }
.Ltmp0:
0x8: {  	s5 =	sadd.s32 $0xEEE00, s8;
	_ =	strace $0x8000004D;
	(pc) =	sbr.rel .LBB2_1-.Ltmp0, $4  }
0x9: {  	s13 =	sor.u32 s7, s6;
	s6 =	sadd.s32 $0x1600, s8;
	s10 =	ssub.s32 $0x2, s7  }
0xa: {  	s7 =	sadd.s32 $0xAB7A00, s8;
	s9 =	sshll.u32 s13, $0xB;
	s31 =	sshrl.u32 s10, $0x1  }
0xb: {  	s9 =	sadd.s32 s9, s8;
	s10 =	ssub.s32 s10, s31;
	s8 =	smul.u32 $0x186A0, s13  }
0xc: {  	v0 =	vmov s13;
	s13 =	simm.s32 $0x1E6C0;
	s9 =	sadd.s32 $0xF2E00, s9;
	s10 =	smax.u32 s10, $0x1  }
.LBB2_10:
0xd: {  	s15 =	sadd.s32 $0x1, s15  }
0xe: {  	_ =	swait.ge [sflag:s14], $0x1000;
	p0 =	sne.s32 s15, s10  }
.Ltmp1:
0xf: {  	[sflag:s14] =	ssyncset.done $0x0;
	(pc) =	sbr.rel @!p0 .LBB2_11-.Ltmp1, $4  }
0x10: {  	[sflag:s14] =	ssyncadd.s32 $0xFFFFF000  }
0x11: {  	_ =	swait.ge [sflag:s14], $0x1000  }
0x12: {  	[sflag:s14] =	ssyncset.done $0x0  }
0x13: {  	[sflag:s14] =	ssyncadd.s32 $0xFFFFF000  }
.LBB2_1:
0x14: {  	[tilespmem:s11], [sflag:$0x2] =	stream.linear.gather [hbm4b:s1+s4], $0x20, $0x38;
	[tilespmem:$0x1E6E0] =	vst v63  }
0x15: {  	_ =	swait.ge [sflag:s12], $0x20  }
0x16: {  	[sflag:s12] =	ssyncset.done $0x0  }
0x17: {  	[sflag:s12] =	ssyncadd.s32 $0xFFFFFFE0  }
0x18: {  	[tilespmem:s13], [sflag:$0x2] =	stream.linear.gather [hbm4b:s3+s4], $0x20, $0x38;
	[tilespmem:$0x1E6E0] =	vst v63  }
.Ltmp2:
0x19: {  	_ =	swait.ge [sflag:s12], $0x20;
	(pc) =	sbr.rel .LBB2_2-.Ltmp2, $4  }
0x1a: {  	[sflag:s12] =	ssyncset.done $0x0  }
0x1b: {  	[sflag:s12] =	ssyncadd.s32 $0xFFFFFFE0  }
0x1c: {  	v1 =	vld.idx.msk [tilespmem:v0+s11+$0x0], $0xffff  }
0x1d: {  	s16 =	simm.s32 $0x0;
	v2 =	vld.idx.msk [tilespmem:v0+s13+$0x0], $0xffff  }
.LBB2_9:
0x1e: {  	s16 =	sadd.s32 $0x1, s16  }
0x1f: {  	p0 =	sne.s32 s16, $0x15  }
.Ltmp3:
0x20: {  	_ = 	snop;
	(pc) =	sbr.rel @!p0 .LBB2_10-.Ltmp3, $1  }
0x21: {  	_ =	sdelay $0x3  }
.LBB2_2:
0x22: {  	p0 =	sgt.u32 s16, $0x7  }
0x23: {  	s17 =	sshll.u32 @p0 s16, $0xE  }
0x24: {  	s17 =	sadd.s32 @p0 $0xFFFE0000, s17  }
0x25: {  	s17 =	sshrl.u32 @p0 s17, $0x3  }
0x26: {  	s18 =	simm.s32 @p0 $0x0;
	s17 =	sadd.s32 @p0 s6, s17  }
0x27: {  	[tilespmem:s18], [sflag:$0x2] =	stream.linear.gather @p0 [hbm4b:s17+s18], $0x4000, $0x38;
	[tilespmem:$0x1E6E0] =	vst v63  }
0x28: {  	s17 =	simm.s32 @p0 $0x2  }
0x29: {  	_ =	swait.ge @p0 [sflag:s17], $0x4000  }
0x2a: {  	[sflag:s17] =	ssyncset.done @p0 $0x0  }
0x2b: {  	[sflag:s17] =	ssyncadd.s32 @p0 $0xFFFFC000;
	s17 =	sshll.u32 @!p0 s16, $0xB  }
0x2c: {  	s19 =	simm.s32 @!p0 $0x186A0;
	s18 =	simm.s32 @!p0 $0x0;
	s17 =	sadd.s32 @!p0 s5, s17  }
0x2d: {  	[tilespmem:s19], [sflag:$0x2] =	stream.linear.gather @!p0 [hbm4b:s17+s18], $0x4000, $0x38;
	[tilespmem:$0x1E6E0] =	vst v63  }
0x2e: {  	s17 =	smul.u32 @!p0 $0x30D400, s16  }
0x2f: {  	s19 =	simm.s32 @!p0 $0x2  }
0x30: {  	s31 =	sshll.u32 s16, $0x10;
	_ =	swait.ge @!p0 [sflag:s19], $0x4000;
	s17 =	sadd.s32 @!p0 s8, s17  }
0x31: {  	s20 =	simm.s32 $0x186E0;
	[sflag:s19] =	ssyncset.done @!p0 $0x0;
	s17 =	sshrl.u32 @!p0 s17, $0x3  }
.Ltmp4:
0x32: {  	[sflag:s19] =	ssyncadd.s32 @!p0 $0xFFFFC000;
	s17 =	sadd.s32 @!p0 s7, s17;
	(pc) =	sbr.rel .LBB2_3-.Ltmp4, $4  }
0x33: {  	[tilespmem:s18], [sflag:$0x2] =	stream.linear.gather @!p0 [hbm4b:s17+s18], $0x186A0, $0x38;
	[tilespmem:$0x1E6E0] =	vst v63  }
0x34: {  	p1 =	por $0x0, $0x0;
	s21 =	simm.s32 $0x40;
	_ =	swait.ge @!p0 [sflag:s19], $0x186A0  }
0x35: {  	s22 =	simm.s32 $0x0;
	s17 =	sshll.u32 s16, $0x2;
	[sflag:s19] =	ssyncset.done @!p0 $0x0  }
0x36: {  	s18 =	sadd.s32 s31, s9;
	[sflag:s19] =	ssyncadd.s32 @!p0 $0xFFFE7960;
	s19 =	simm.s32 $0x0  }
.LBB2_7:
0x37: {  	s25 =	sadd.s32 s28, s21;
	[tilespmem:s24+$0x30] =	vst v3  }
0x38: {  	v3 =	vld [tilespmem:s25+$0xFFFFFFC0];
	_ =	sdelay $0x4  }
0x39: {  	v3 =	vmul.f32 v3, v1;
	_ =	sdelay $0x1  }
0x3a: {  	v3 =	vadd.f32 v3, v2  }
0x3b: {  	s23 =	sadd.s32 s28, s23  }
0x3c: {  	[tilespmem:s23+$0xFFFFFFC0] =	vst v3  }
0x3d: {  	v3 =	vld [tilespmem:s25+$0xFFFFFFD0];
	_ =	sdelay $0x4  }
0x3e: {  	v3 =	vmul.f32 v3, v1;
	_ =	sdelay $0x1  }
0x3f: {  	v3 =	vadd.f32 v3, v2;
	_ =	sdelay $0x1  }
0x40: {  	[tilespmem:s23+$0xFFFFFFD0] =	vst v3  }
0x41: {  	v3 =	vld [tilespmem:s25+$0xFFFFFFE0];
	_ =	sdelay $0x4  }
0x42: {  	v3 =	vmul.f32 v3, v1;
	_ =	sdelay $0x1  }
0x43: {  	v3 =	vadd.f32 v3, v2;
	_ =	sdelay $0x1  }
0x44: {  	[tilespmem:s23+$0xFFFFFFE0] =	vst v3  }
0x45: {  	v3 =	vld [tilespmem:s25+$0xFFFFFFF0];
	_ =	sdelay $0x4  }
0x46: {  	v3 =	vmul.f32 v3, v1;
	_ =	sdelay $0x1  }
0x47: {  	v3 =	vadd.f32 v3, v2;
	_ =	sdelay $0x1  }
0x48: {  	[tilespmem:s23+$0xFFFFFFF0] =	vst v3  }
0x49: {  	v3 =	vld [tilespmem:s25+$0x0];
	_ =	sdelay $0x4  }
0x4a: {  	v3 =	vmul.f32 v3, v1;
	_ =	sdelay $0x1  }
0x4b: {  	v3 =	vadd.f32 v3, v2;
	_ =	sdelay $0x1  }
0x4c: {  	[tilespmem:s23+$0x0] =	vst v3  }
0x4d: {  	v3 =	vld [tilespmem:s25+$0x10];
	_ =	sdelay $0x4  }
0x4e: {  	v3 =	vmul.f32 v3, v1;
	_ =	sdelay $0x1  }
0x4f: {  	v3 =	vadd.f32 v3, v2;
	_ =	sdelay $0x1  }
0x50: {  	[tilespmem:s23+$0x10] =	vst v3  }
0x51: {  	v3 =	vld [tilespmem:s25+$0x20];
	_ =	sdelay $0x4  }
0x52: {  	v3 =	vmul.f32 v3, v1;
	_ =	sdelay $0x1  }
0x53: {  	v3 =	vadd.f32 v3, v2;
	_ =	sdelay $0x1  }
0x54: {  	[tilespmem:s23+$0x20] =	vst v3  }
0x55: {  	v3 =	vld [tilespmem:s25+$0x30];
	_ =	sdelay $0x4  }
0x56: {  	v3 =	vmul.f32 v3, v1;
	_ =	sdelay $0x1  }
0x57: {  	v3 =	vadd.f32 v3, v2;
	_ =	sdelay $0x1  }
0x58: {  	[tilespmem:s23+$0x30] =	vst v3  }
.LBB2_8:
0x59: {  	s23 =	sshll.u32 s22, $0xC;
	s24 =	sshll.u32 s22, $0x9;
	s22 =	sadd.s32 $0x1, s22  }
0x5a: {  	p2 =	sne.s32 s22, $0x4  }
.Ltmp5:
0x5b: {  	_ = 	snop;
	(pc) =	sbr.rel @!p2 .LBB2_9-.Ltmp5, $4  }
0x5c: {  	_ = 	snop  }
0x5d: {  	s20 =	sadd.s32 $0x1000, s20;
	p1 =	por !p1, !p1;
	s23 =	sand.u32 $0x1000, s23  }
0x5e: {  	s21 =	sadd.s32 $0x1000, s21;
	s24 =	sadd.s32 s24, s18;
	s23 =	sor.u32 $0x1C6A0, s23  }
0x5f: {  	[hbm4b:s24+s4] =	stream.linear.scatter [tilespmem:s23], [sflag:$0x1], $0x1000, $0x38;
	[tilespmem:$0x1E6E0] =	vst v63  }
.LBB2_3:
0x60: {  	s23 =	sadd.s32 s17, s22  }
.Ltmp6:
0x61: {  	p2 =	slt.u32 s23, $0x2;
	(pc) =	sbr.rel @!p0 .LBB2_4-.Ltmp6, $4  }
0x62: {  	s23 =	simm.s32 $0x1;
	s24 =	simm.s32 @!p2 $0x1  }
0x63: {  	s23 =	simm.s32 @!p1 $0x0;
	_ =	swait.ge @!p2 [sflag:s24], $0x1000  }
0x64: {  	s23 =	sshll.u32 s23, $0xC;
	[sflag:s24] =	ssyncset.done @!p2 $0x0  }
0x65: {  	s23 =	sor.u32 $0x1C6E0, s23;
	[sflag:s24] =	ssyncadd.s32 @!p2 $0xFFFFF000;
	s24 =	simm.s32 $0x0  }
0x66: {  	s24 =	sshra.s32 s19, $0x2  }
0x67: {  	s25 =	sadd.s32 s24, s21  }
0x68: {  	v3 =	vld [tilespmem:s25+$0xFFFFFFC0];
	_ =	sdelay $0x4  }
0x69: {  	v3 =	vmul.f32 v3, v1;
	_ =	sdelay $0x1  }
0x6a: {  	v3 =	vadd.f32 v3, v2  }
0x6b: {  	s24 =	sadd.s32 s24, s23  }
0x6c: {  	[tilespmem:s24+$0xFFFFFFC0] =	vst v3  }
0x6d: {  	v3 =	vld [tilespmem:s25+$0xFFFFFFD0];
	_ =	sdelay $0x4  }
0x6e: {  	v3 =	vmul.f32 v3, v1;
	_ =	sdelay $0x1  }
0x6f: {  	v3 =	vadd.f32 v3, v2;
	_ =	sdelay $0x1  }
0x70: {  	[tilespmem:s24+$0xFFFFFFD0] =	vst v3  }
0x71: {  	v3 =	vld [tilespmem:s25+$0xFFFFFFE0];
	_ =	sdelay $0x4  }
0x72: {  	v3 =	vmul.f32 v3, v1;
	_ =	sdelay $0x1  }
0x73: {  	v3 =	vadd.f32 v3, v2;
	_ =	sdelay $0x1  }
0x74: {  	[tilespmem:s24+$0xFFFFFFE0] =	vst v3  }
0x75: {  	v3 =	vld [tilespmem:s25+$0xFFFFFFF0];
	_ =	sdelay $0x4  }
0x76: {  	v3 =	vmul.f32 v3, v1;
	_ =	sdelay $0x1  }
0x77: {  	v3 =	vadd.f32 v3, v2;
	_ =	sdelay $0x1  }
0x78: {  	[tilespmem:s24+$0xFFFFFFF0] =	vst v3  }
0x79: {  	v3 =	vld [tilespmem:s25+$0x0];
	_ =	sdelay $0x4  }
0x7a: {  	v3 =	vmul.f32 v3, v1;
	_ =	sdelay $0x1  }
0x7b: {  	v3 =	vadd.f32 v3, v2;
	_ =	sdelay $0x1  }
0x7c: {  	[tilespmem:s24+$0x0] =	vst v3  }
0x7d: {  	v3 =	vld [tilespmem:s25+$0x10];
	_ =	sdelay $0x4  }
0x7e: {  	v3 =	vmul.f32 v3, v1;
	_ =	sdelay $0x1  }
0x7f: {  	v3 =	vadd.f32 v3, v2;
	_ =	sdelay $0x1  }
0x80: {  	[tilespmem:s24+$0x10] =	vst v3  }
0x81: {  	v3 =	vld [tilespmem:s25+$0x20];
	_ =	sdelay $0x4  }
0x82: {  	v3 =	vmul.f32 v3, v1;
	_ =	sdelay $0x1  }
0x83: {  	v3 =	vadd.f32 v3, v2;
	_ =	sdelay $0x1  }
0x84: {  	[tilespmem:s24+$0x20] =	vst v3  }
0x85: {  	v3 =	vld [tilespmem:s25+$0x30];
	_ =	sdelay $0x4  }
0x86: {  	v3 =	vmul.f32 v3, v1;
	_ =	sdelay $0x1  }
0x87: {  	s31 =	sadd.s32 $0x200, s19;
	v3 =	vadd.f32 v3, v2  }
0x88: {  	s28 =	sshra.s32 s31, $0x2;
	s25 =	sadd.s32 $0x200, s31  }
.LBB2_6:
0x89: {  	p2 =	sne.s32 s25, $0x3E00;
	s26 =	sadd.s32 s28, s21;
	[tilespmem:s24+$0x30] =	vst v3  }
0x8a: {  	v3 =	vld [tilespmem:s26+$0xFFFFFFC0];
	_ =	sdelay $0x4  }
0x8b: {  	v3 =	vmul.f32 v3, v1;
	_ =	sdelay $0x1  }
0x8c: {  	v3 =	vadd.f32 v3, v2  }
0x8d: {  	s24 =	sadd.s32 s28, s23  }
0x8e: {  	[tilespmem:s24+$0xFFFFFFC0] =	vst v3  }
0x8f: {  	v3 =	vld [tilespmem:s26+$0xFFFFFFD0];
	_ =	sdelay $0x4  }
0x90: {  	v3 =	vmul.f32 v3, v1;
	_ =	sdelay $0x1  }
0x91: {  	v3 =	vadd.f32 v3, v2;
	_ =	sdelay $0x1  }
0x92: {  	[tilespmem:s24+$0xFFFFFFD0] =	vst v3  }
0x93: {  	v3 =	vld [tilespmem:s26+$0xFFFFFFE0];
	_ =	sdelay $0x4  }
0x94: {  	v3 =	vmul.f32 v3, v1;
	_ =	sdelay $0x1  }
0x95: {  	v3 =	vadd.f32 v3, v2;
	_ =	sdelay $0x1  }
0x96: {  	[tilespmem:s24+$0xFFFFFFE0] =	vst v3  }
0x97: {  	v3 =	vld [tilespmem:s26+$0xFFFFFFF0];
	_ =	sdelay $0x4  }
0x98: {  	v3 =	vmul.f32 v3, v1;
	_ =	sdelay $0x1  }
0x99: {  	v3 =	vadd.f32 v3, v2;
	_ =	sdelay $0x1  }
0x9a: {  	[tilespmem:s24+$0xFFFFFFF0] =	vst v3  }
0x9b: {  	v3 =	vld [tilespmem:s26+$0x0];
	_ =	sdelay $0x4  }
0x9c: {  	v3 =	vmul.f32 v3, v1;
	_ =	sdelay $0x1  }
0x9d: {  	v3 =	vadd.f32 v3, v2;
	_ =	sdelay $0x1  }
0x9e: {  	[tilespmem:s24+$0x0] =	vst v3  }
0x9f: {  	v3 =	vld [tilespmem:s26+$0x10];
	_ =	sdelay $0x4  }
0xa0: {  	v3 =	vmul.f32 v3, v1;
	_ =	sdelay $0x1  }
0xa1: {  	v3 =	vadd.f32 v3, v2;
	_ =	sdelay $0x1  }
0xa2: {  	[tilespmem:s24+$0x10] =	vst v3  }
0xa3: {  	v3 =	vld [tilespmem:s26+$0x20];
	_ =	sdelay $0x4  }
0xa4: {  	v3 =	vmul.f32 v3, v1;
	_ =	sdelay $0x1  }
0xa5: {  	v3 =	vadd.f32 v3, v2;
	_ =	sdelay $0x1  }
0xa6: {  	[tilespmem:s24+$0x20] =	vst v3  }
0xa7: {  	v3 =	vld [tilespmem:s26+$0x30];
	_ =	sdelay $0x3  }
.Ltmp7:
0xa8: {  	(pc) =	sbr.rel @p2 .LBB2_6-.Ltmp7, $3  }
0xa9: {  	v3 =	vmul.f32 v3, v1;
	_ =	sdelay $0x1  }
0xaa: {  	v3 =	vadd.f32 v3, v2  }
0xab: {  	s28 =	sshra.s32 s25, $0x2;
	s25 =	sadd.s32 $0x200, s25  }
.Ltmp8:
0xac: {  	_ = 	snop;
	(pc) =	sbr.rel .LBB2_7-.Ltmp8, $1  }
0xad: {  	_ =	sdelay $0x3  }
.LBB2_4:
0xae: {  	s25 =	sshra.s32 s24, $0x2  }
0xaf: {  	s26 =	sadd.s32 s25, s20  }
0xb0: {  	v3 =	vld [tilespmem:s26+$0xFFFFFFC0];
	_ =	sdelay $0x7  }
0xb1: {  	v3 =	vld.idx.msk [tilespmem:v3+s4+$0x0], $0xffff;
	_ =	sdelay $0x3  }
0xb2: {  	s25 =	sadd.s32 s25, s23  }
0xb3: {  	[tilespmem:s25+$0xFFFFFFC0] =	vst v3  }
0xb4: {  	v3 =	vld [tilespmem:s26+$0xFFFFFFD0];
	_ =	sdelay $0x7  }
0xb5: {  	v3 =	vld.idx.msk [tilespmem:v3+s4+$0x0], $0xffff;
	_ =	sdelay $0x4  }
0xb6: {  	[tilespmem:s25+$0xFFFFFFD0] =	vst v3  }
0xb7: {  	v3 =	vld [tilespmem:s26+$0xFFFFFFE0];
	_ =	sdelay $0x7  }
0xb8: {  	v3 =	vld.idx.msk [tilespmem:v3+s4+$0x0], $0xffff;
	_ =	sdelay $0x4  }
0xb9: {  	[tilespmem:s25+$0xFFFFFFE0] =	vst v3  }
0xba: {  	v3 =	vld [tilespmem:s26+$0xFFFFFFF0];
	_ =	sdelay $0x7  }
0xbb: {  	v3 =	vld.idx.msk [tilespmem:v3+s4+$0x0], $0xffff;
	_ =	sdelay $0x4  }
0xbc: {  	[tilespmem:s25+$0xFFFFFFF0] =	vst v3  }
0xbd: {  	v3 =	vld [tilespmem:s26+$0x0];
	_ =	sdelay $0x7  }
0xbe: {  	v3 =	vld.idx.msk [tilespmem:v3+s4+$0x0], $0xffff;
	_ =	sdelay $0x4  }
0xbf: {  	[tilespmem:s25+$0x0] =	vst v3  }
0xc0: {  	v3 =	vld [tilespmem:s26+$0x10];
	_ =	sdelay $0x7  }
0xc1: {  	v3 =	vld.idx.msk [tilespmem:v3+s4+$0x0], $0xffff;
	_ =	sdelay $0x4  }
0xc2: {  	[tilespmem:s25+$0x10] =	vst v3  }
0xc3: {  	v3 =	vld [tilespmem:s26+$0x20];
	_ =	sdelay $0x7  }
0xc4: {  	v3 =	vld.idx.msk [tilespmem:v3+s4+$0x0], $0xffff;
	_ =	sdelay $0x4  }
0xc5: {  	[tilespmem:s25+$0x20] =	vst v3  }
0xc6: {  	v3 =	vld [tilespmem:s26+$0x30];
	_ =	sdelay $0x7  }
0xc7: {  	p2 =	seq.s32 s24, $0x3E00;
	v3 =	vld.idx.msk [tilespmem:v3+s4+$0x0], $0xffff  }
.Ltmp9:
0xc8: {  	_ = 	snop;
	(pc) =	sbr.rel @!p2 .LBB2_4-.Ltmp9, $2  }
0xc9: {  	_ =	sdelay $0x2  }
0xca: {  	s24 =	sadd.s32 $0x200, s24;
	[tilespmem:s25+$0x30] =	vst v3  }
.Ltmp10:
0xcb: {  	_ = 	snop;
	(pc) =	sbr.rel .LBB2_8-.Ltmp10, $1  }
0xcc: {  	_ =	sdelay $0x3  }
.LBB2_11:
0xcd: {  	_ =	sfence.sel $0x180000  }
0xce: {  	[bflag:$0x0] =	sbarrier.arrive $0xFFFF  }
0xcf: {  	p0 =	sne.s32 s2, $0x0;
	_ =	strace $0x9000004D  }
0xd0: {  	s0 =	sadd.s32 @!p0 $0x100000, s0;
	[bflag:$0x2] =	sbarrier.arrive $0xFFFF  }
0xd1: {  	[sflag:s0] =	ssyncadd.tile.s32 @!p0 $0x1;
	_ =	shalt  }
.Lfunc_end2:
_tile_overlayer_lowered:
.L_overlay_start_2:
0xd2: {  	(tag) =	ssettag $0x2  }
0xd3: {  	s0 =	rddreg [dreg:$0x0];
	s2 =	stileid.u32  }
0xd4: {  	s1 =	rddreg [dreg:$0x1];
	p0 =	sne.s32 s2, $0x0  }
0xd5: {  	s3 =	rddreg [dreg:$0x2];
	[bflag:$0x3] =	sbarrier.arrive $0xFFFF;
	s2 =	simm.s32 @!p0 $0x1C02  }
0xd6: {  	[timem:s3], [sflag:s2] =	dma.local @!p0 [hbm:s0], s1  }
0xd7: {  	s0 =	simm.s32 @!p0 $0x2  }
0xd8: {  	_ =	swait.ge @!p0 [sflag:s0], s1  }
0xd9: {  	s1 =	ssub.s32 @!p0 $0x0, s1;
	[sflag:s0] =	ssyncset.done @!p0 $0x0  }
0xda: {  	[sflag:s0] =	ssyncadd.s32 @!p0 s1  }
0xdb: {  	[bflag:$0x3] =	sbarrier.arrive $0xFFFF  }
0xdc: {  	_ =	shalt  }

// kernel: _run.6.cloned.1.call-start
scs
__scs_entry_jumppad:
0x0: {  	(pc) =	sbr.rel $0x88, $3  }
0x1: {  	(tag) =	ssettag $0x0;
	lr =	simm.s32 $0x1  }
0x2: {  	[smem:$0x3F9C] =	sst lr;
	_ =	strace $0xD0000000  }
0x3: {  	_ = 	snop  }
0x4: {  	_ = 	snop  }
0x5: {  	_ = 	snop  }
0x6: {  	_ = 	snop  }
0x7: {  	_ = 	snop  }
__scs_overlays_trampoline_lowered:
0x8: {  	[smem:$0x3FAB] =	sst s0  }
0x9: {  	[smem:$0x3FAC] =	sst s1  }
0xa: {  	[smem:$0x3FAD] =	sst s2  }
0xb: {  	[smem:$0x3FAE] =	sst s3  }
0xc: {  	[smem:$0x3FAF] =	sst s4  }
0xd: {  	[smem:$0x3FB0] =	sst s5  }
0xe: {  	[smem:$0x3FB1] =	sst s6  }
0xf: {  	[smem:$0x3FB2] =	sst s7  }
0x10: {  	[smem:$0x3FB3] =	sst s8  }
0x11: {  	[smem:$0x3FB4] =	sst s9;
	s0 =	simm.s32 @!p0 $0x0  }
0x12: {  	s1 =	sld [smem:$0x3F9A];
	s0 =	simm.s32 @p0 $0x1  }
0x13: {  	[smem:$0x3FB5] =	sst s0;
	s0 =	simm.s32 @!p1 $0x0  }
0x14: {  	s2 =	sld [smem:$0x3F99];
	s0 =	simm.s32 @p1 $0x1  }
0x15: {  	[smem:$0x3FB6] =	sst s0;
	s0 =	simm.s32 @!p2 $0x0  }
0x16: {  	s3 =	sld [smem:$0x3FDB];
	s0 =	simm.s32 @p2 $0x1  }
0x17: {  	s4 =	simm.s32 $0x1BF5;
	[smem:$0x3FB8] =	sst s0  }
0x18: {  	s0 =	sld [smem:$0x3F9B];
	_ =	swait.ge [sflag:s4], $0x0  }
0x19: {  	s7 =	sld [smem:$0x3F9C]  }
0x1a: {  	s8 =	sadd.s32 $0xFFFFE003, lr  }
0x1b: {  	s9 =	sadd.s32 $0xFFFFFEF7, lr;
	s5 =	simm.s32 $0xFFFFFFFF;
	p2 =	slt.u32 s8, $0xFFFFF086  }
0x1c: {  	p1 =	slt.u32 s9, $0xF7A;
	s5 =	simm.s32 @!p2 $0x0  }
0x1d: {  	s5 =	simm.s32 @p1 $0x1;
	p0 =	seq.s32 s7, s2  }
0x1e: {  	s7 =	smul.u32 @!p0 $0xF7A, s2;
	p2 =	seq.s32 @!p0 s5, $0x0  }
0x1f: {  	s9 =	smul.u32 $0xF7A, s1;
	s8 =	simm.s32 @!p0 $0x1BF5;
	p2 =	por !p2, p0  }
0x20: {  	[sflag:s8] =	ssyncset.s32 @!p0 $0xFFFFF086;
	s6 =	sadd.s32 @!p0 s3, s7;
	s7 =	simm.s32 @!p0 $0x108  }
0x21: {  	s3 =	sadd.s32 s3, s9;
	s6 =	sadd.s32 @!p0 $0x88, s6;
	s7 =	simm.s32 @p2 $0x1082  }
0x22: {  	[simem:s7], [sflag:s8] =	dma.local @!p0 [hbm:s6], $0xF7A  }
0x23: {  	s9 =	sor.u32 $0xD0000000, s2;
	s6 =	simm.s32 $0x108;
	_ =	swait.ge @!p0 [sflag:s8], $0x0  }
0x24: {  	s3 =	sadd.s32 $0x88, s3;
	s6 =	simm.s32 @!p1 $0x1082;
	[sflag:s4] =	ssyncset.s32 $0xFFFFF086  }
0x25: {  	[simem:s6], [sflag:s4] =	dma.local [hbm:s3], $0xF7A  }
0x26: {  	[smem:$0x3F9C] =	sst s1;
	(tag) =	ssettag s2;
	_ =	strace s9  }
0x27: {  	s1 =	sld [smem:$0x3FAC]  }
0x28: {  	s2 =	sld [smem:$0x3FAD]  }
0x29: {  	s4 =	sld [smem:$0x3FAF]  }
0x2a: {  	p0 =	seq.s32 s5, $0x0;
	s5 =	sld [smem:$0x3FB0]  }
0x2b: {  	s6 =	sld [smem:$0x3FB1]  }
0x2c: {  	s7 =	sld [smem:$0x3FB2]  }
0x2d: {  	s3 =	simm.s32 $0x108;
	s8 =	sld [smem:$0x3FB3]  }
0x2e: {  	s3 =	simm.s32 @!p0 $0x1082;
	s9 =	sld [smem:$0x3FB4]  }
0x2f: {  	lr =	sadd.s32 s0, s3;
	s0 =	sld [smem:$0x3FAB]  }
0x30: {  	s3 =	sld [smem:$0x3FAE]  }
0x31: {  	[smem:$0x3FB7] =	sst s10  }
0x32: {  	s10 =	sld [smem:$0x3FB5];
	_ =	sdelay $0x3  }
0x33: {  	p0 =	seq.s32 s10, $0x1;
	s10 =	sld [smem:$0x3FB7];
	_ =	sdelay $0x3  }
0x34: {  	[smem:$0x3FB7] =	sst s10  }
0x35: {  	s10 =	sld [smem:$0x3FB6];
	_ =	sdelay $0x3  }
0x36: {  	p1 =	seq.s32 s10, $0x1;
	s10 =	sld [smem:$0x3FB7];
	_ =	sdelay $0x3  }
0x37: {  	[smem:$0x3FB7] =	sst s10  }
0x38: {  	s10 =	sld [smem:$0x3FB8]  }
0x39: {  	_ = 	snop;
	(pc) =	sbr.ind lr, $3  }
0x3a: {  	_ = 	snop  }
0x3b: {  	_ = 	snop  }
0x3c: {  	p2 =	seq.s32 s10, $0x1;
	s10 =	sld [smem:$0x3FB7]  }
0x3d: {  	_ =	shalt  }
0x3e: {  	_ =	shalt  }
0x3f: {  	_ =	shalt  }
0x40: {  	_ =	shalt  }
0x41: {  	_ =	shalt  }
0x42: {  	_ =	shalt  }
0x43: {  	_ =	shalt  }
0x44: {  	_ =	shalt  }
0x45: {  	_ =	shalt  }
0x46: {  	_ =	shalt  }
0x47: {  	_ =	shalt  }
0x48: {  	_ =	shalt  }
0x49: {  	_ =	shalt  }
0x4a: {  	_ =	shalt  }
0x4b: {  	_ =	shalt  }
0x4c: {  	_ =	shalt  }
0x4d: {  	_ =	shalt  }
0x4e: {  	_ =	shalt  }
0x4f: {  	_ =	shalt  }
0x50: {  	_ =	shalt  }
0x51: {  	_ =	shalt  }
0x52: {  	_ =	shalt  }
0x53: {  	_ =	shalt  }
0x54: {  	_ =	shalt  }
0x55: {  	_ =	shalt  }
0x56: {  	_ =	shalt  }
0x57: {  	_ =	shalt  }
0x58: {  	_ =	shalt  }
0x59: {  	_ =	shalt  }
0x5a: {  	_ =	shalt  }
0x5b: {  	_ =	shalt  }
0x5c: {  	_ =	shalt  }
0x5d: {  	_ =	shalt  }
0x5e: {  	_ =	shalt  }
0x5f: {  	_ =	shalt  }
0x60: {  	_ =	shalt  }
0x61: {  	_ =	shalt  }
0x62: {  	_ =	shalt  }
0x63: {  	_ =	shalt  }
0x64: {  	_ =	shalt  }
0x65: {  	_ =	shalt  }
0x66: {  	_ =	shalt  }
0x67: {  	_ =	shalt  }
0x68: {  	_ =	shalt  }
0x69: {  	_ =	shalt  }
0x6a: {  	_ =	shalt  }
0x6b: {  	_ =	shalt  }
0x6c: {  	_ =	shalt  }
0x6d: {  	_ =	shalt  }
0x6e: {  	_ =	shalt  }
0x6f: {  	_ =	shalt  }
0x70: {  	_ =	shalt  }
0x71: {  	_ =	shalt  }
0x72: {  	_ =	shalt  }
0x73: {  	_ =	shalt  }
0x74: {  	_ =	shalt  }
0x75: {  	_ =	shalt  }
0x76: {  	_ =	shalt  }
0x77: {  	_ =	shalt  }
0x78: {  	_ =	shalt  }
0x79: {  	_ =	shalt  }
0x7a: {  	_ =	shalt  }
0x7b: {  	_ =	shalt  }
0x7c: {  	_ =	shalt  }
0x7d: {  	_ =	shalt  }
0x7e: {  	_ =	shalt  }
0x7f: {  	_ =	shalt  }
0x80: {  	_ =	shalt  }
0x81: {  	_ =	shalt  }
0x82: {  	_ =	shalt  }
0x83: {  	_ =	shalt  }
0x84: {  	_ =	shalt  }
0x85: {  	_ =	shalt  }
0x86: {  	_ =	shalt  }
0x87: {  	_ =	shalt  }
.Lfunc_end0:
.L_simem_size_0:
called_computation_lowered:
.L_overlay_start_0:
0x88: {  	s2 =	sld [smem:$0x3FD9]  }
0x89: {  	s3 =	sld [smem:$0x3FFE];
	_ =	sdelay $0x1  }
0x8a: {  	s1 =	srdreg.scid  }
0x8b: {  	s0 =	sand.u32 $0x1, s1  }
0x8c: {  	s17 =	sshll.u32 s0, $0xA;
	s2 =	sadd.s32 s3, s2  }
0x8d: {  	s2 =	sadd.s32 s2, s17  }
0x8e: {  	[smem:$0x3FC3] =	sst s2  }
0x8f: {  	_ = 	snop  }
0x90: {  	s18 =	sld [smem:$0x3FC6]  }
0x91: {  	s4 =	sld [smem:$0x3FC5]  }
0x92: {  	s5 =	sld [smem:$0x3FD0];
	(tm) =	ssettm $0x1  }
0x93: {  	s19 =	sld [smem:$0x3FFB];
	_ =	sdelay $0x3  }
0x94: {  	_ =	strace s19  }
0x95: {  	s2 =	sld [smem:$0x3FFC];
	_ =	sdelay $0x3  }
0x96: {  	_ =	strace s2  }
0x97: {  	s2 =	sld [smem:$0x3FFD];
	_ =	sdelay $0x3  }
0x98: {  	_ =	strace s2  }
0x99: {  	_ =	strace $0x8FFFFFFF  }
0x9a: {  	s20 =	sld [smem:$0x3FDB];
	_ =	sdelay $0x1  }
0x9b: {  	s6 =	simm.s32 $_scs_section_size  }
0x9c: {  	s7 =	simm.s32 $_size__tile_overlayer_lowered;
	s8 =	simm.s32 $_tile_overlayer_lowered  }
0x9d: {  	s9 =	simm.s32 $0x1BFF;
	s21 =	sshll.u32 s8, $0x1;
	s6 =	sadd.s32 s6, s20  }
0x9e: {  	s22 =	simm.s32 $0x0;
	s7 =	sshll.u32 s7, $0x1;
	s8 =	sadd.s32 s21, s6  }
0x9f: {  	[timem:s22], [sflag:s9] =	dma.local [hbm:s8], s7  }
0xa0: {  	_ =	swait.ge [sflag:s9], s7  }
0xa1: {  	s7 =	ssub.s32 $0x0, s7;
	[sflag:s9] =	ssyncset.done $0x0  }
0xa2: {  	[sflag:s9] =	ssyncadd.s32 s7;
	_ =	sdelay $0x1  }
0xa3: {  	s23 =	simm.s32 $0x1B8B  }
0xa4: {  	_ =	swait.ge [sflag:s23], $0x1  }
0xa5: {  	[sflag:s23] =	ssyncset.done $0x0  }
0xa6: {  	[sflag:s23] =	ssyncadd.s32 $0xFFFFFFFF  }
0xa7: {  	s7 =	sld [smem:$0x0]  }
0xa8: {  	s8 =	sand.u32 $0xFFFFFFFE, s1  }
0xa9: {  	p0 =	sne.s32 s1, s8  }
0xaa: {  	s8 =	sshll.u32 @p0 s8, $0xE  }
0xab: {  	s8 =	sadd.s32 @p0 $0x11B8D, s8;
	s9 =	sshll.u32 @p0 s7, $0x11  }
0xac: {  	s8 =	sor.u32 @p0 s9, s8  }
0xad: {  	[sflag:s8] =	ssyncadd.remote.s32 @p0 $0x1;
	_ =	sdelay $0x1  }
0xae: {  	s8 =	simm.s32 @p0 $0x1B8D  }
0xaf: {  	_ =	swait.eq @p0 [sflag:s8], $0x1  }
0xb0: {  	[sflag:s8] =	ssyncadd.s32 @p0 $0xFFFFFFFF  }
0xb1: {  	s9 =	sshll.u32 @!p0 s1, $0xE  }
0xb2: {  	s9 =	sor.u32 @!p0 $0x4000, s9;
	s8 =	simm.s32 @!p0 $0x1B8D  }
0xb3: {  	s7 =	sshll.u32 @!p0 s7, $0x11;
	s9 =	sadd.s32 @!p0 $0x11B8D, s9;
	_ =	swait.eq @!p0 [sflag:s8], $0x1  }
0xb4: {  	s7 =	sor.u32 @!p0 s7, s9;
	[sflag:s8] =	ssyncadd.s32 @!p0 $0xFFFFFFFF  }
0xb5: {  	s25 =	simm.s32 $0x1B8E;
	s24 =	sld [smem:$0x3FFE];
	[sflag:s7] =	ssyncadd.remote.s32 @!p0 $0x1  }
0xb6: {  	s26 =	simm.s32 $execute0_lowered;
	[smem:$0x3FD2] =	sst s25  }
0xb7: {  	s8 =	sshll.u32 s26, $0x1;
	_ =	strace $0x8000004F;
	[dreg:$0x1] =	wrdreg $0xFFFFFFFF  }
0xb8: {  	s28 =	simm.s32 $_size_execute0_lowered;
	s6 =	sadd.s32 s6, s8;
	[dreg:$0x0] =	wrdreg $0x0  }
0xb9: {  	s8 =	sshll.u32 s28, $0x1;
	[dreg:$0x2] =	wrdreg s6  }
0xba: {  	[dreg:$0x3] =	wrdreg s8  }
0xbb: {  	[dreg:$0x4] =	wrdreg $0xC0  }
0xbc: {  	_ =	task [dreg:s22], $0x5FFFF  }
0xbd: {  	[dreg:$0x1] =	wrdreg $0xFFFFFFFF  }
0xbe: {  	[dreg:$0x0] =	wrdreg $0x60  }
0xbf: {  	[dreg:$0x2] =	wrdreg s24  }
0xc0: {  	[dreg:$0x3] =	wrdreg s18  }
0xc1: {  	[dreg:$0x4] =	wrdreg s4  }
0xc2: {  	[dreg:$0x5] =	wrdreg s5  }
0xc3: {  	[dreg:$0x6] =	wrdreg $0x9  }
0xc4: {  	_ =	task.clear_ibuf [dreg:s22], $0x7FFFF;
	_ =	strace $0x9000004F  }
0xc5: {  	s29 =	simm.s32 $0x9;
	_ =	strace $0x80000051  }
0xc6: {  	_ =	swait.ge [sflag:s29], $0x1  }
0xc7: {  	[sflag:s29] =	ssyncadd.s32 $0xFFFFFFFF  }
0xc8: {  	_ =	strace $0x90000051  }
0xc9: {  	_ =	sfence  }
0xca: {  	s30 =	sld [smem:$0x0];
	_ =	sdelay $0x2  }
0xcb: {  	s31 =	sshll.u32 s1, $0xD;
	s1 =	sshrl.u32 s1, $0x2  }
0xcc: {  	s4 =	sand.u32 $0x4000, s31;
	s1 =	sadd.s32 s1, s30  }
0xcd: {  	s0 =	sor.u32 s4, s0;
	s1 =	sshll.u32 s1, $0x11  }
0xce: {  	s0 =	sor.u32 s1, s0  }
0xcf: {  	s0 =	sadd.s32 $0x8F2B, s0  }
0xd0: {  	[sflag:s0] =	ssyncadd.remote.s32 $0x1  }
0xd1: {  	_ =	sfence.sel $0xFFFF  }
0xd2: {  	[dreg:$0x0] =	wrdreg $0xFFFFFFFF;
	(pc) =	sbr.abs _section_cstart, $3  }
0xd3: {  	[dreg:$0x1] =	wrdreg $0xFFFFFFFF  }
0xd4: {  	_ =	task.clear_ibuf [dreg:s22], $0x2FFFF;
	_ =	strace $0x9FFFFFFF  }
0xd5: {  	(tm) =	ssettm $0x7FFFFFFF  }
tec
execute0_lowered:
.L_overlay_start_1:
0x0: {  	(tag) =	ssettag $0x1  }
0x1: {  	s6 =	rddreg [dreg:$0x0]  }
0x2: {  	s1 =	rddreg [dreg:$0x1]  }
0x3: {  	s2 =	rddreg [dreg:$0x2]  }
0x4: {  	s8 =	rddreg [dreg:$0x3]  }
0x5: {  	s0 =	rddreg [dreg:$0x4];
	s4 =	simm.s32 $0x0;
	s5 =	srdreg.scid  }
0x6: {  	s3 =	stileid.u32;
	s12 =	simm.s32 $0x1E6C0;
	s13 =	simm.s32 $0x186A0  }
0x7: {  	s14 =	simm.s32 $0x1;
	s15 =	simm.s32 $0x0;
	[smem:$0x7FF] =	sst s4  }
0x8: {  	s7 =	sand.u32 $0x1, s5;
	s10 =	sshll.u32 s3, $0x1;
	s5 =	sadd.s32 $0x3C9800, s6  }
0x9: {  	s6 =	sadd.s32 $0x242E00, s6;
	s9 =	ssub.s32 $0x2, s7;
	s7 =	sor.u32 s7, s10  }
0xa: {  	_ =	strace $0x80000050;
	s11 =	sshrl.u32 s9, $0x1;
	s10 =	sshll.u32 s7, $0xB  }
0xb: {  	s7 =	smul.u32 $0x186A0, s7;
	s9 =	ssub.s32 s9, s11;
	s8 =	sadd.s32 s8, s10  }
0xc: {  	s10 =	simm.s32 $0x1E6A0;
	s11 =	simm.s32 $0x2;
	s9 =	smax.u32 s9, $0x1  }
.LBB2_1:
0xd: {  	[tilespmem:s10], [sflag:$0x2] =	stream.linear.gather [hbm4b:s1+s4], $0x20, $0x38;
	[tilespmem:$0x1E6E0] =	vst v63  }
0xe: {  	_ =	swait.ge [sflag:s11], $0x20  }
0xf: {  	[sflag:s11] =	ssyncset.done $0x0  }
0x10: {  	[sflag:s11] =	ssyncadd.s32 $0xFFFFFFE0  }
0x11: {  	[tilespmem:s12], [sflag:$0x2] =	stream.linear.gather [hbm4b:s2+s4], $0x20, $0x38;
	[tilespmem:$0x1E6E0] =	vst v63  }
0x12: {  	_ =	swait.ge [sflag:s11], $0x20  }
0x13: {  	[sflag:s11] =	ssyncset.done $0x0  }
0x14: {  	s16 =	simm.s32 $0x0;
	[sflag:s11] =	ssyncadd.s32 $0xFFFFFFE0  }
.LBB2_2:
0x15: {  	s17 =	sshll.u32 s16, $0xB  }
0x16: {  	s19 =	smul.u32 $0x30D400, s16;
	s18 =	sadd.s32 s5, s17;
	s17 =	simm.s32 $0x0  }
0x17: {  	[tilespmem:s13], [sflag:$0x2] =	stream.linear.gather [hbm4b:s18+s17], $0x4000, $0x38;
	[tilespmem:$0x1E6E0] =	vst v63  }
0x18: {  	s30 =	sadd.s32 s7, s19;
	_ =	swait.ge [sflag:s11], $0x4000  }
0x19: {  	s18 =	sshrl.u32 s30, $0x3;
	[sflag:s11] =	ssyncset.done $0x0  }
0x1a: {  	s18 =	sadd.s32 s6, s18;
	[sflag:s11] =	ssyncadd.s32 $0xFFFFC000  }
0x1b: {  	[tilespmem:s17], [sflag:$0x2] =	stream.linear.gather [hbm4b:s18+s17], $0x186A0, $0x38;
	[tilespmem:$0x1E6E0] =	vst v63  }
0x1c: {  	s31 =	sshll.u32 s16, $0x10;
	_ =	swait.ge [sflag:s11], $0x186A0  }
0x1d: {  	s20 =	simm.s32 $0x186E0;
	p0 =	por $0x0, $0x0;
	[sflag:s11] =	ssyncset.done $0x0  }
0x1e: {  	s19 =	sadd.s32 s31, s8;
	s18 =	sshll.u32 s16, $0x2;
	[sflag:s11] =	ssyncadd.s32 $0xFFFE7960  }
.LBB2_3:
0x1f: {  	s21 =	sadd.s32 s18, s17  }
0x20: {  	s22 =	simm.s32 $0x1;
	p1 =	slt.u32 s21, $0x2  }
0x21: {  	v0 =	vmov s20;
	s22 =	simm.s32 @!p0 $0x0;
	s21 =	simm.s32 @!p1 $0x1  }
0x22: {  	s23 =	sshll.u32 s17, $0xC;
	s22 =	sshll.u32 s22, $0xC;
	_ =	swait.ge @!p1 [sflag:s21], $0x1000  }
0x23: {  	s23 =	sand.u32 $0x1000, s23;
	s22 =	sor.u32 $0x1C6E0, s22;
	[sflag:s21] =	ssyncset.done @!p1 $0x0  }
0x24: {  	v1 =	vmov s22;
	s22 =	simm.s32 $0x0;
	[sflag:s21] =	ssyncadd.s32 @!p1 $0xFFFFF000;
	s21 =	sor.u32 $0x1C6A0, s23  }
.LBB2_4:
0x25: {  	s23 =	sshra.s32 s22, $0x2  }
0x26: {  	v2 =	vld.idx.msk [tilespmem:v0+s23+$0xFFFFFFC0 ss:$0x1], $0xffff;
	_ =	sdelay $0x7  }
0x27: {  	v2 =	vld.idx.msk [tilespmem:v2+s4+$0x0], $0xffff;
	_ =	sdelay $0x4  }
0x28: {  	[tilespmem:v1+s23+$0xFFFFFFC0 ss:$0x1] =	vst.idx.msk $0xffff, v2  }
0x29: {  	v2 =	vld.idx.msk [tilespmem:v0+s23+$0xFFFFFFD0 ss:$0x1], $0xffff;
	_ =	sdelay $0x7  }
0x2a: {  	v2 =	vld.idx.msk [tilespmem:v2+s4+$0x0], $0xffff;
	_ =	sdelay $0x4  }
0x2b: {  	[tilespmem:v1+s23+$0xFFFFFFD0 ss:$0x1] =	vst.idx.msk $0xffff, v2  }
0x2c: {  	v2 =	vld.idx.msk [tilespmem:v0+s23+$0xFFFFFFE0 ss:$0x1], $0xffff;
	_ =	sdelay $0x7  }
0x2d: {  	v2 =	vld.idx.msk [tilespmem:v2+s4+$0x0], $0xffff;
	_ =	sdelay $0x4  }
0x2e: {  	[tilespmem:v1+s23+$0xFFFFFFE0 ss:$0x1] =	vst.idx.msk $0xffff, v2  }
0x2f: {  	v2 =	vld.idx.msk [tilespmem:v0+s23+$0xFFFFFFF0 ss:$0x1], $0xffff;
	_ =	sdelay $0x7  }
0x30: {  	v2 =	vld.idx.msk [tilespmem:v2+s4+$0x0], $0xffff;
	_ =	sdelay $0x4  }
0x31: {  	[tilespmem:v1+s23+$0xFFFFFFF0 ss:$0x1] =	vst.idx.msk $0xffff, v2  }
0x32: {  	v2 =	vld.idx.msk [tilespmem:v0+s23+$0x0 ss:$0x1], $0xffff;
	_ =	sdelay $0x7  }
0x33: {  	v2 =	vld.idx.msk [tilespmem:v2+s4+$0x0], $0xffff;
	_ =	sdelay $0x4  }
0x34: {  	[tilespmem:v1+s23+$0x0 ss:$0x1] =	vst.idx.msk $0xffff, v2  }
0x35: {  	v2 =	vld.idx.msk [tilespmem:v0+s23+$0x10 ss:$0x1], $0xffff;
	_ =	sdelay $0x7  }
0x36: {  	v2 =	vld.idx.msk [tilespmem:v2+s4+$0x0], $0xffff;
	_ =	sdelay $0x4  }
0x37: {  	[tilespmem:v1+s23+$0x10 ss:$0x1] =	vst.idx.msk $0xffff, v2  }
0x38: {  	v2 =	vld.idx.msk [tilespmem:v0+s23+$0x20 ss:$0x1], $0xffff;
	_ =	sdelay $0x7  }
0x39: {  	v2 =	vld.idx.msk [tilespmem:v2+s4+$0x0], $0xffff;
	_ =	sdelay $0x4  }
0x3a: {  	[tilespmem:v1+s23+$0x20 ss:$0x1] =	vst.idx.msk $0xffff, v2  }
0x3b: {  	v2 =	vld.idx.msk [tilespmem:v0+s23+$0x30 ss:$0x1], $0xffff;
	_ =	sdelay $0x7  }
0x3c: {  	p1 =	sne.s32 s22, $0x3E00;
	v2 =	vld.idx.msk [tilespmem:v2+s4+$0x0], $0xffff  }
.Ltmp0:
0x3d: {  	_ = 	snop;
	(pc) =	sbr.rel @p1 .LBB2_4-.Ltmp0, $2  }
0x3e: {  	_ =	sdelay $0x2  }
0x3f: {  	s22 =	sadd.s32 $0x200, s22;
	[tilespmem:v1+s23+$0x30 ss:$0x1] =	vst.idx.msk $0xffff, v2  }
0x40: {  	s22 =	sshll.u32 s17, $0x9;
	s17 =	sadd.s32 $0x1, s17  }
0x41: {  	p1 =	sne.s32 s17, $0x4  }
.Ltmp1:
0x42: {  	_ = 	snop;
	(pc) =	sbr.rel @p1 .LBB2_3-.Ltmp1, $3  }
0x43: {  	_ =	sdelay $0x1  }
0x44: {  	s20 =	sadd.s32 $0x1000, s20;
	p0 =	por !p0, !p0;
	s22 =	sadd.s32 s22, s19  }
0x45: {  	[hbm4b:s22+s4] =	stream.linear.scatter [tilespmem:s21], [sflag:$0x1], $0x1000, $0x38;
	[tilespmem:$0x1E6E0] =	vst v63  }
0x46: {  	s16 =	sadd.s32 $0x1, s16  }
0x47: {  	p0 =	sne.s32 s16, $0x4  }
.Ltmp2:
0x48: {  	_ = 	snop;
	(pc) =	sbr.rel @p0 .LBB2_2-.Ltmp2, $1  }
0x49: {  	_ =	sdelay $0x3  }
0x4a: {  	s15 =	sadd.s32 $0x1, s15  }
0x4b: {  	_ =	swait.ge [sflag:s14], $0x1000;
	p0 =	sne.s32 s15, s9  }
.Ltmp3:
0x4c: {  	[sflag:s14] =	ssyncset.done $0x0;
	(pc) =	sbr.rel @p0 .LBB2_1-.Ltmp3, $4  }
0x4d: {  	[sflag:s14] =	ssyncadd.s32 $0xFFFFF000  }
0x4e: {  	_ =	swait.ge [sflag:s14], $0x1000  }
0x4f: {  	[sflag:s14] =	ssyncset.done $0x0  }
0x50: {  	[sflag:s14] =	ssyncadd.s32 $0xFFFFF000  }
0x51: {  	_ =	sfence.sel $0x180000  }
0x52: {  	[bflag:$0x0] =	sbarrier.arrive $0xFFFF  }
0x53: {  	p0 =	sne.s32 s3, $0x0;
	_ =	strace $0x90000050  }
0x54: {  	s0 =	sadd.s32 @!p0 $0x100000, s0;
	[bflag:$0x2] =	sbarrier.arrive $0xFFFF  }
0x55: {  	[sflag:s0] =	ssyncadd.tile.s32 @!p0 $0x1;
	_ =	shalt  }
.Lfunc_end2:
_tile_overlayer_lowered:
.L_overlay_start_2:
0x56: {  	(tag) =	ssettag $0x2  }
0x57: {  	s0 =	rddreg [dreg:$0x0];
	s2 =	stileid.u32  }
0x58: {  	s1 =	rddreg [dreg:$0x1];
	p0 =	sne.s32 s2, $0x0  }
0x59: {  	s3 =	rddreg [dreg:$0x2];
	[bflag:$0x3] =	sbarrier.arrive $0xFFFF;
	s2 =	simm.s32 @!p0 $0x1C02  }
0x5a: {  	[timem:s3], [sflag:s2] =	dma.local @!p0 [hbm:s0], s1  }
0x5b: {  	s0 =	simm.s32 @!p0 $0x2  }
0x5c: {  	_ =	swait.ge @!p0 [sflag:s0], s1  }
0x5d: {  	s1 =	ssub.s32 @!p0 $0x0, s1;
	[sflag:s0] =	ssyncset.done @!p0 $0x0  }
0x5e: {  	[sflag:s0] =	ssyncadd.s32 @!p0 s1  }
0x5f: {  	[bflag:$0x3] =	sbarrier.arrive $0xFFFF  }
0x60: {  	_ =	shalt  }

// kernel: _run.9.cloned.1.call-start
scs
__scs_entry_jumppad:
0x0: {  	(pc) =	sbr.rel $0x88, $3  }
0x1: {  	(tag) =	ssettag $0x0;
	lr =	simm.s32 $0x1  }
0x2: {  	[smem:$0x3F9C] =	sst lr;
	_ =	strace $0xD0000000  }
0x3: {  	_ = 	snop  }
0x4: {  	_ = 	snop  }
0x5: {  	_ = 	snop  }
0x6: {  	_ = 	snop  }
0x7: {  	_ = 	snop  }
__scs_overlays_trampoline_lowered:
0x8: {  	[smem:$0x3FAB] =	sst s0  }
0x9: {  	[smem:$0x3FAC] =	sst s1  }
0xa: {  	[smem:$0x3FAD] =	sst s2  }
0xb: {  	[smem:$0x3FAE] =	sst s3  }
0xc: {  	[smem:$0x3FAF] =	sst s4  }
0xd: {  	[smem:$0x3FB0] =	sst s5  }
0xe: {  	[smem:$0x3FB1] =	sst s6  }
0xf: {  	[smem:$0x3FB2] =	sst s7  }
0x10: {  	[smem:$0x3FB3] =	sst s8  }
0x11: {  	[smem:$0x3FB4] =	sst s9;
	s0 =	simm.s32 @!p0 $0x0  }
0x12: {  	s1 =	sld [smem:$0x3F9A];
	s0 =	simm.s32 @p0 $0x1  }
0x13: {  	[smem:$0x3FB5] =	sst s0;
	s0 =	simm.s32 @!p1 $0x0  }
0x14: {  	s2 =	sld [smem:$0x3F99];
	s0 =	simm.s32 @p1 $0x1  }
0x15: {  	[smem:$0x3FB6] =	sst s0;
	s0 =	simm.s32 @!p2 $0x0  }
0x16: {  	s3 =	sld [smem:$0x3FDB];
	s0 =	simm.s32 @p2 $0x1  }
0x17: {  	s4 =	simm.s32 $0x1BF5;
	[smem:$0x3FB8] =	sst s0  }
0x18: {  	s0 =	sld [smem:$0x3F9B];
	_ =	swait.ge [sflag:s4], $0x0  }
0x19: {  	s7 =	sld [smem:$0x3F9C]  }
0x1a: {  	s8 =	sadd.s32 $0xFFFFE003, lr  }
0x1b: {  	s9 =	sadd.s32 $0xFFFFFEF7, lr;
	s5 =	simm.s32 $0xFFFFFFFF;
	p2 =	slt.u32 s8, $0xFFFFF086  }
0x1c: {  	p1 =	slt.u32 s9, $0xF7A;
	s5 =	simm.s32 @!p2 $0x0  }
0x1d: {  	s5 =	simm.s32 @p1 $0x1;
	p0 =	seq.s32 s7, s2  }
0x1e: {  	s7 =	smul.u32 @!p0 $0xF7A, s2;
	p2 =	seq.s32 @!p0 s5, $0x0  }
0x1f: {  	s9 =	smul.u32 $0xF7A, s1;
	s8 =	simm.s32 @!p0 $0x1BF5;
	p2 =	por !p2, p0  }
0x20: {  	[sflag:s8] =	ssyncset.s32 @!p0 $0xFFFFF086;
	s6 =	sadd.s32 @!p0 s3, s7;
	s7 =	simm.s32 @!p0 $0x108  }
0x21: {  	s3 =	sadd.s32 s3, s9;
	s6 =	sadd.s32 @!p0 $0x88, s6;
	s7 =	simm.s32 @p2 $0x1082  }
0x22: {  	[simem:s7], [sflag:s8] =	dma.local @!p0 [hbm:s6], $0xF7A  }
0x23: {  	s9 =	sor.u32 $0xD0000000, s2;
	s6 =	simm.s32 $0x108;
	_ =	swait.ge @!p0 [sflag:s8], $0x0  }
0x24: {  	s3 =	sadd.s32 $0x88, s3;
	s6 =	simm.s32 @!p1 $0x1082;
	[sflag:s4] =	ssyncset.s32 $0xFFFFF086  }
0x25: {  	[simem:s6], [sflag:s4] =	dma.local [hbm:s3], $0xF7A  }
0x26: {  	[smem:$0x3F9C] =	sst s1;
	(tag) =	ssettag s2;
	_ =	strace s9  }
0x27: {  	s1 =	sld [smem:$0x3FAC]  }
0x28: {  	s2 =	sld [smem:$0x3FAD]  }
0x29: {  	s4 =	sld [smem:$0x3FAF]  }
0x2a: {  	p0 =	seq.s32 s5, $0x0;
	s5 =	sld [smem:$0x3FB0]  }
0x2b: {  	s6 =	sld [smem:$0x3FB1]  }
0x2c: {  	s7 =	sld [smem:$0x3FB2]  }
0x2d: {  	s3 =	simm.s32 $0x108;
	s8 =	sld [smem:$0x3FB3]  }
0x2e: {  	s3 =	simm.s32 @!p0 $0x1082;
	s9 =	sld [smem:$0x3FB4]  }
0x2f: {  	lr =	sadd.s32 s0, s3;
	s0 =	sld [smem:$0x3FAB]  }
0x30: {  	s3 =	sld [smem:$0x3FAE]  }
0x31: {  	[smem:$0x3FB7] =	sst s10  }
0x32: {  	s10 =	sld [smem:$0x3FB5];
	_ =	sdelay $0x3  }
0x33: {  	p0 =	seq.s32 s10, $0x1;
	s10 =	sld [smem:$0x3FB7];
	_ =	sdelay $0x3  }
0x34: {  	[smem:$0x3FB7] =	sst s10  }
0x35: {  	s10 =	sld [smem:$0x3FB6];
	_ =	sdelay $0x3  }
0x36: {  	p1 =	seq.s32 s10, $0x1;
	s10 =	sld [smem:$0x3FB7];
	_ =	sdelay $0x3  }
0x37: {  	[smem:$0x3FB7] =	sst s10  }
0x38: {  	s10 =	sld [smem:$0x3FB8]  }
0x39: {  	_ = 	snop;
	(pc) =	sbr.ind lr, $3  }
0x3a: {  	_ = 	snop  }
0x3b: {  	_ = 	snop  }
0x3c: {  	p2 =	seq.s32 s10, $0x1;
	s10 =	sld [smem:$0x3FB7]  }
0x3d: {  	_ =	shalt  }
0x3e: {  	_ =	shalt  }
0x3f: {  	_ =	shalt  }
0x40: {  	_ =	shalt  }
0x41: {  	_ =	shalt  }
0x42: {  	_ =	shalt  }
0x43: {  	_ =	shalt  }
0x44: {  	_ =	shalt  }
0x45: {  	_ =	shalt  }
0x46: {  	_ =	shalt  }
0x47: {  	_ =	shalt  }
0x48: {  	_ =	shalt  }
0x49: {  	_ =	shalt  }
0x4a: {  	_ =	shalt  }
0x4b: {  	_ =	shalt  }
0x4c: {  	_ =	shalt  }
0x4d: {  	_ =	shalt  }
0x4e: {  	_ =	shalt  }
0x4f: {  	_ =	shalt  }
0x50: {  	_ =	shalt  }
0x51: {  	_ =	shalt  }
0x52: {  	_ =	shalt  }
0x53: {  	_ =	shalt  }
0x54: {  	_ =	shalt  }
0x55: {  	_ =	shalt  }
0x56: {  	_ =	shalt  }
0x57: {  	_ =	shalt  }
0x58: {  	_ =	shalt  }
0x59: {  	_ =	shalt  }
0x5a: {  	_ =	shalt  }
0x5b: {  	_ =	shalt  }
0x5c: {  	_ =	shalt  }
0x5d: {  	_ =	shalt  }
0x5e: {  	_ =	shalt  }
0x5f: {  	_ =	shalt  }
0x60: {  	_ =	shalt  }
0x61: {  	_ =	shalt  }
0x62: {  	_ =	shalt  }
0x63: {  	_ =	shalt  }
0x64: {  	_ =	shalt  }
0x65: {  	_ =	shalt  }
0x66: {  	_ =	shalt  }
0x67: {  	_ =	shalt  }
0x68: {  	_ =	shalt  }
0x69: {  	_ =	shalt  }
0x6a: {  	_ =	shalt  }
0x6b: {  	_ =	shalt  }
0x6c: {  	_ =	shalt  }
0x6d: {  	_ =	shalt  }
0x6e: {  	_ =	shalt  }
0x6f: {  	_ =	shalt  }
0x70: {  	_ =	shalt  }
0x71: {  	_ =	shalt  }
0x72: {  	_ =	shalt  }
0x73: {  	_ =	shalt  }
0x74: {  	_ =	shalt  }
0x75: {  	_ =	shalt  }
0x76: {  	_ =	shalt  }
0x77: {  	_ =	shalt  }
0x78: {  	_ =	shalt  }
0x79: {  	_ =	shalt  }
0x7a: {  	_ =	shalt  }
0x7b: {  	_ =	shalt  }
0x7c: {  	_ =	shalt  }
0x7d: {  	_ =	shalt  }
0x7e: {  	_ =	shalt  }
0x7f: {  	_ =	shalt  }
0x80: {  	_ =	shalt  }
0x81: {  	_ =	shalt  }
0x82: {  	_ =	shalt  }
0x83: {  	_ =	shalt  }
0x84: {  	_ =	shalt  }
0x85: {  	_ =	shalt  }
0x86: {  	_ =	shalt  }
0x87: {  	_ =	shalt  }
.Lfunc_end0:
.L_simem_size_0:
called_computation.1_lowered:
.L_overlay_start_0:
0x88: {  	s2 =	sld [smem:$0x3FD9]  }
0x89: {  	s3 =	sld [smem:$0x3FFE];
	_ =	sdelay $0x1  }
0x8a: {  	s1 =	srdreg.scid  }
0x8b: {  	s0 =	sand.u32 $0x1, s1  }
0x8c: {  	s17 =	sshll.u32 s0, $0xA;
	s2 =	sadd.s32 s3, s2  }
0x8d: {  	s2 =	sadd.s32 s2, s17  }
0x8e: {  	[smem:$0x3FC3] =	sst s2  }
0x8f: {  	_ = 	snop  }
0x90: {  	s18 =	sld [smem:$0x3FC6]  }
0x91: {  	s4 =	sld [smem:$0x3FC5];
	(tm) =	ssettm $0x1  }
0x92: {  	s19 =	sld [smem:$0x3FFB];
	_ =	sdelay $0x3  }
0x93: {  	_ =	strace s19  }
0x94: {  	s2 =	sld [smem:$0x3FFC];
	_ =	sdelay $0x3  }
0x95: {  	_ =	strace s2  }
0x96: {  	s2 =	sld [smem:$0x3FFD];
	_ =	sdelay $0x3  }
0x97: {  	_ =	strace s2  }
0x98: {  	_ =	strace $0x8FFFFFFF  }
0x99: {  	s20 =	sld [smem:$0x3FDB];
	_ =	sdelay $0x1  }
0x9a: {  	s5 =	simm.s32 $_scs_section_size  }
0x9b: {  	s6 =	simm.s32 $_size__tile_overlayer_lowered;
	s7 =	simm.s32 $_tile_overlayer_lowered  }
0x9c: {  	s8 =	simm.s32 $0x1BFF;
	s21 =	sshll.u32 s7, $0x1;
	s5 =	sadd.s32 s5, s20  }
0x9d: {  	s22 =	simm.s32 $0x0;
	s6 =	sshll.u32 s6, $0x1;
	s7 =	sadd.s32 s21, s5  }
0x9e: {  	[timem:s22], [sflag:s8] =	dma.local [hbm:s7], s6  }
0x9f: {  	_ =	swait.ge [sflag:s8], s6  }
0xa0: {  	s6 =	ssub.s32 $0x0, s6;
	[sflag:s8] =	ssyncset.done $0x0  }
0xa1: {  	[sflag:s8] =	ssyncadd.s32 s6;
	_ =	sdelay $0x1  }
0xa2: {  	s23 =	simm.s32 $0x1B8B  }
0xa3: {  	_ =	swait.ge [sflag:s23], $0x1  }
0xa4: {  	[sflag:s23] =	ssyncset.done $0x0  }
0xa5: {  	[sflag:s23] =	ssyncadd.s32 $0xFFFFFFFF  }
0xa6: {  	s6 =	sld [smem:$0x0]  }
0xa7: {  	s7 =	sand.u32 $0xFFFFFFFE, s1  }
0xa8: {  	p0 =	sne.s32 s1, s7  }
0xa9: {  	s7 =	sshll.u32 @p0 s7, $0xE  }
0xaa: {  	s7 =	sadd.s32 @p0 $0x11B8D, s7;
	s8 =	sshll.u32 @p0 s6, $0x11  }
0xab: {  	s7 =	sor.u32 @p0 s8, s7  }
0xac: {  	[sflag:s7] =	ssyncadd.remote.s32 @p0 $0x1;
	_ =	sdelay $0x1  }
0xad: {  	s7 =	simm.s32 @p0 $0x1B8D  }
0xae: {  	_ =	swait.eq @p0 [sflag:s7], $0x1  }
0xaf: {  	[sflag:s7] =	ssyncadd.s32 @p0 $0xFFFFFFFF  }
0xb0: {  	s8 =	sshll.u32 @!p0 s1, $0xE  }
0xb1: {  	s8 =	sor.u32 @!p0 $0x4000, s8;
	s7 =	simm.s32 @!p0 $0x1B8D  }
0xb2: {  	s6 =	sshll.u32 @!p0 s6, $0x11;
	s8 =	sadd.s32 @!p0 $0x11B8D, s8;
	_ =	swait.eq @!p0 [sflag:s7], $0x1  }
0xb3: {  	s6 =	sor.u32 @!p0 s6, s8;
	[sflag:s7] =	ssyncadd.s32 @!p0 $0xFFFFFFFF  }
0xb4: {  	s25 =	simm.s32 $0x1B8E;
	s24 =	sld [smem:$0x3FFE];
	[sflag:s6] =	ssyncadd.remote.s32 @!p0 $0x1  }
0xb5: {  	s26 =	simm.s32 $execute0_lowered;
	[smem:$0x3FD2] =	sst s25  }
0xb6: {  	s7 =	sshll.u32 s26, $0x1;
	_ =	strace $0x80000049;
	[dreg:$0x1] =	wrdreg $0xFFFFFFFF  }
0xb7: {  	s28 =	simm.s32 $_size_execute0_lowered;
	s5 =	sadd.s32 s5, s7;
	[dreg:$0x0] =	wrdreg $0x0  }
0xb8: {  	s7 =	sshll.u32 s28, $0x1;
	[dreg:$0x2] =	wrdreg s5  }
0xb9: {  	[dreg:$0x3] =	wrdreg s7  }
0xba: {  	[dreg:$0x4] =	wrdreg $0xC0  }
0xbb: {  	_ =	task [dreg:s22], $0x5FFFF  }
0xbc: {  	[dreg:$0x1] =	wrdreg $0xFFFFFFFF  }
0xbd: {  	[dreg:$0x0] =	wrdreg $0x60  }
0xbe: {  	[dreg:$0x2] =	wrdreg s24  }
0xbf: {  	[dreg:$0x3] =	wrdreg s18  }
0xc0: {  	[dreg:$0x4] =	wrdreg s4  }
0xc1: {  	[dreg:$0x5] =	wrdreg $0xA  }
0xc2: {  	_ =	task.clear_ibuf [dreg:s22], $0x6FFFF;
	_ =	strace $0x90000049  }
0xc3: {  	s29 =	simm.s32 $0xA;
	_ =	strace $0x8000004B  }
0xc4: {  	_ =	swait.ge [sflag:s29], $0x1  }
0xc5: {  	[sflag:s29] =	ssyncadd.s32 $0xFFFFFFFF  }
0xc6: {  	_ =	strace $0x9000004B  }
0xc7: {  	_ =	sfence  }
0xc8: {  	s30 =	sld [smem:$0x0];
	_ =	sdelay $0x2  }
0xc9: {  	s31 =	sshll.u32 s1, $0xD;
	s1 =	sshrl.u32 s1, $0x2  }
0xca: {  	s4 =	sand.u32 $0x4000, s31;
	s1 =	sadd.s32 s1, s30  }
0xcb: {  	s0 =	sor.u32 s4, s0;
	s1 =	sshll.u32 s1, $0x11  }
0xcc: {  	s0 =	sor.u32 s1, s0  }
0xcd: {  	s0 =	sadd.s32 $0x8F2B, s0  }
0xce: {  	[sflag:s0] =	ssyncadd.remote.s32 $0x1  }
0xcf: {  	_ =	sfence.sel $0xFFFF  }
0xd0: {  	[dreg:$0x0] =	wrdreg $0xFFFFFFFF;
	(pc) =	sbr.abs _section_cstart, $3  }
0xd1: {  	[dreg:$0x1] =	wrdreg $0xFFFFFFFF  }
0xd2: {  	_ =	task.clear_ibuf [dreg:s22], $0x2FFFF;
	_ =	strace $0x9FFFFFFF  }
0xd3: {  	(tm) =	ssettm $0x7FFFFFFF  }
tec
execute0_lowered:
.L_overlay_start_1:
0x0: {  	(tag) =	ssettag $0x1  }
0x1: {  	s7 =	rddreg [dreg:$0x0]  }
0x2: {  	s1 =	rddreg [dreg:$0x1]  }
0x3: {  	s3 =	rddreg [dreg:$0x2]  }
0x4: {  	s0 =	rddreg [dreg:$0x3]  }
0x5: {  	s4 =	simm.s32 $0x0;
	s5 =	srdreg.scid;
	s2 =	stileid.u32  }
0x6: {  	s12 =	simm.s32 $0x1E6C0;
	s13 =	simm.s32 $0x186A0;
	s14 =	simm.s32 $0x1  }
0x7: {  	[smem:$0x7FF] =	sst s4;
	s5 =	sand.u32 $0x1, s5;
	s6 =	sshll.u32 s2, $0x1  }
0x8: {  	s15 =	simm.s32 $0x0;
	_ =	strace $0x8000004A;
	s8 =	sor.u32 s5, s6  }
0x9: {  	s9 =	ssub.s32 $0x2, s5;
	s5 =	sadd.s32 $0x7B600, s7;
	s10 =	sshll.u32 s8, $0xB  }
0xa: {  	s6 =	sadd.s32 $0x80C000, s7;
	s11 =	sshrl.u32 s9, $0x1;
	s10 =	sadd.s32 s10, s7  }
0xb: {  	s9 =	ssub.s32 s9, s11;
	s7 =	smul.u32 $0x186A0, s8;
	s11 =	simm.s32 $0x2  }
0xc: {  	s8 =	sadd.s32 $0x7EE00, s10;
	s9 =	smax.u32 s9, $0x1;
	s10 =	simm.s32 $0x1E6A0  }
.LBB2_1:
0xd: {  	[tilespmem:s10], [sflag:$0x2] =	stream.linear.gather [hbm4b:s1+s4], $0x20, $0x38;
	[tilespmem:$0x1E6E0] =	vst v63  }
0xe: {  	_ =	swait.ge [sflag:s11], $0x20  }
0xf: {  	[sflag:s11] =	ssyncset.done $0x0  }
0x10: {  	[sflag:s11] =	ssyncadd.s32 $0xFFFFFFE0  }
0x11: {  	[tilespmem:s12], [sflag:$0x2] =	stream.linear.gather [hbm4b:s3+s4], $0x20, $0x38;
	[tilespmem:$0x1E6E0] =	vst v63  }
0x12: {  	_ =	swait.ge [sflag:s11], $0x20  }
0x13: {  	[sflag:s11] =	ssyncset.done $0x0  }
0x14: {  	s16 =	simm.s32 $0x0;
	[sflag:s11] =	ssyncadd.s32 $0xFFFFFFE0  }
.LBB2_2:
0x15: {  	s17 =	sshll.u32 s16, $0xB  }
0x16: {  	s19 =	smul.u32 $0x30D400, s16;
	s18 =	sadd.s32 s5, s17;
	s17 =	simm.s32 $0x0  }
0x17: {  	[tilespmem:s13], [sflag:$0x2] =	stream.linear.gather [hbm4b:s18+s17], $0x4000, $0x38;
	[tilespmem:$0x1E6E0] =	vst v63  }
0x18: {  	s30 =	sadd.s32 s7, s19;
	_ =	swait.ge [sflag:s11], $0x4000  }
0x19: {  	s18 =	sshrl.u32 s30, $0x3;
	[sflag:s11] =	ssyncset.done $0x0  }
0x1a: {  	s18 =	sadd.s32 s6, s18;
	[sflag:s11] =	ssyncadd.s32 $0xFFFFC000  }
0x1b: {  	[tilespmem:s17], [sflag:$0x2] =	stream.linear.gather [hbm4b:s18+s17], $0x186A0, $0x38;
	[tilespmem:$0x1E6E0] =	vst v63  }
0x1c: {  	s31 =	sshll.u32 s16, $0x10;
	_ =	swait.ge [sflag:s11], $0x186A0  }
0x1d: {  	s20 =	simm.s32 $0x186E0;
	p0 =	por $0x0, $0x0;
	[sflag:s11] =	ssyncset.done $0x0  }
0x1e: {  	s19 =	sadd.s32 s31, s8;
	s18 =	sshll.u32 s16, $0x2;
	[sflag:s11] =	ssyncadd.s32 $0xFFFE7960  }
.LBB2_3:
0x1f: {  	s21 =	sadd.s32 s18, s17  }
0x20: {  	s22 =	simm.s32 $0x1;
	p1 =	slt.u32 s21, $0x2  }
0x21: {  	v0 =	vmov s20;
	s22 =	simm.s32 @!p0 $0x0;
	s21 =	simm.s32 @!p1 $0x1  }
0x22: {  	s23 =	sshll.u32 s17, $0xC;
	s22 =	sshll.u32 s22, $0xC;
	_ =	swait.ge @!p1 [sflag:s21], $0x1000  }
0x23: {  	s23 =	sand.u32 $0x1000, s23;
	s22 =	sor.u32 $0x1C6E0, s22;
	[sflag:s21] =	ssyncset.done @!p1 $0x0  }
0x24: {  	v1 =	vmov s22;
	s22 =	simm.s32 $0x0;
	[sflag:s21] =	ssyncadd.s32 @!p1 $0xFFFFF000;
	s21 =	sor.u32 $0x1C6A0, s23  }
.LBB2_4:
0x25: {  	s23 =	sshra.s32 s22, $0x2  }
0x26: {  	v2 =	vld.idx.msk [tilespmem:v0+s23+$0xFFFFFFC0 ss:$0x1], $0xffff;
	_ =	sdelay $0x7  }
0x27: {  	v2 =	vld.idx.msk [tilespmem:v2+s4+$0x0], $0xffff;
	_ =	sdelay $0x4  }
0x28: {  	[tilespmem:v1+s23+$0xFFFFFFC0 ss:$0x1] =	vst.idx.msk $0xffff, v2  }
0x29: {  	v2 =	vld.idx.msk [tilespmem:v0+s23+$0xFFFFFFD0 ss:$0x1], $0xffff;
	_ =	sdelay $0x7  }
0x2a: {  	v2 =	vld.idx.msk [tilespmem:v2+s4+$0x0], $0xffff;
	_ =	sdelay $0x4  }
0x2b: {  	[tilespmem:v1+s23+$0xFFFFFFD0 ss:$0x1] =	vst.idx.msk $0xffff, v2  }
0x2c: {  	v2 =	vld.idx.msk [tilespmem:v0+s23+$0xFFFFFFE0 ss:$0x1], $0xffff;
	_ =	sdelay $0x7  }
0x2d: {  	v2 =	vld.idx.msk [tilespmem:v2+s4+$0x0], $0xffff;
	_ =	sdelay $0x4  }
0x2e: {  	[tilespmem:v1+s23+$0xFFFFFFE0 ss:$0x1] =	vst.idx.msk $0xffff, v2  }
0x2f: {  	v2 =	vld.idx.msk [tilespmem:v0+s23+$0xFFFFFFF0 ss:$0x1], $0xffff;
	_ =	sdelay $0x7  }
0x30: {  	v2 =	vld.idx.msk [tilespmem:v2+s4+$0x0], $0xffff;
	_ =	sdelay $0x4  }
0x31: {  	[tilespmem:v1+s23+$0xFFFFFFF0 ss:$0x1] =	vst.idx.msk $0xffff, v2  }
0x32: {  	v2 =	vld.idx.msk [tilespmem:v0+s23+$0x0 ss:$0x1], $0xffff;
	_ =	sdelay $0x7  }
0x33: {  	v2 =	vld.idx.msk [tilespmem:v2+s4+$0x0], $0xffff;
	_ =	sdelay $0x4  }
0x34: {  	[tilespmem:v1+s23+$0x0 ss:$0x1] =	vst.idx.msk $0xffff, v2  }
0x35: {  	v2 =	vld.idx.msk [tilespmem:v0+s23+$0x10 ss:$0x1], $0xffff;
	_ =	sdelay $0x7  }
0x36: {  	v2 =	vld.idx.msk [tilespmem:v2+s4+$0x0], $0xffff;
	_ =	sdelay $0x4  }
0x37: {  	[tilespmem:v1+s23+$0x10 ss:$0x1] =	vst.idx.msk $0xffff, v2  }
0x38: {  	v2 =	vld.idx.msk [tilespmem:v0+s23+$0x20 ss:$0x1], $0xffff;
	_ =	sdelay $0x7  }
0x39: {  	v2 =	vld.idx.msk [tilespmem:v2+s4+$0x0], $0xffff;
	_ =	sdelay $0x4  }
0x3a: {  	[tilespmem:v1+s23+$0x20 ss:$0x1] =	vst.idx.msk $0xffff, v2  }
0x3b: {  	v2 =	vld.idx.msk [tilespmem:v0+s23+$0x30 ss:$0x1], $0xffff;
	_ =	sdelay $0x7  }
0x3c: {  	p1 =	sne.s32 s22, $0x3E00;
	v2 =	vld.idx.msk [tilespmem:v2+s4+$0x0], $0xffff  }
.Ltmp0:
0x3d: {  	_ = 	snop;
	(pc) =	sbr.rel @p1 .LBB2_4-.Ltmp0, $2  }
0x3e: {  	_ =	sdelay $0x2  }
0x3f: {  	s22 =	sadd.s32 $0x200, s22;
	[tilespmem:v1+s23+$0x30 ss:$0x1] =	vst.idx.msk $0xffff, v2  }
0x40: {  	s22 =	sshll.u32 s17, $0x9;
	s17 =	sadd.s32 $0x1, s17  }
0x41: {  	p1 =	sne.s32 s17, $0x4  }
.Ltmp1:
0x42: {  	_ = 	snop;
	(pc) =	sbr.rel @p1 .LBB2_3-.Ltmp1, $3  }
0x43: {  	_ =	sdelay $0x1  }
0x44: {  	s20 =	sadd.s32 $0x1000, s20;
	p0 =	por !p0, !p0;
	s22 =	sadd.s32 s22, s19  }
0x45: {  	[hbm4b:s22+s4] =	stream.linear.scatter [tilespmem:s21], [sflag:$0x1], $0x1000, $0x38;
	[tilespmem:$0x1E6E0] =	vst v63  }
0x46: {  	s16 =	sadd.s32 $0x1, s16  }
0x47: {  	p0 =	sne.s32 s16, $0x7  }
.Ltmp2:
0x48: {  	_ = 	snop;
	(pc) =	sbr.rel @p0 .LBB2_2-.Ltmp2, $1  }
0x49: {  	_ =	sdelay $0x3  }
0x4a: {  	s15 =	sadd.s32 $0x1, s15  }
0x4b: {  	_ =	swait.ge [sflag:s14], $0x1000;
	p0 =	sne.s32 s15, s9  }
.Ltmp3:
0x4c: {  	[sflag:s14] =	ssyncset.done $0x0;
	(pc) =	sbr.rel @p0 .LBB2_1-.Ltmp3, $4  }
0x4d: {  	[sflag:s14] =	ssyncadd.s32 $0xFFFFF000  }
0x4e: {  	_ =	swait.ge [sflag:s14], $0x1000  }
0x4f: {  	[sflag:s14] =	ssyncset.done $0x0  }
0x50: {  	[sflag:s14] =	ssyncadd.s32 $0xFFFFF000  }
0x51: {  	_ =	sfence.sel $0x180000  }
0x52: {  	[bflag:$0x0] =	sbarrier.arrive $0xFFFF  }
0x53: {  	p0 =	sne.s32 s2, $0x0;
	_ =	strace $0x9000004A  }
0x54: {  	s0 =	sadd.s32 @!p0 $0x100000, s0;
	[bflag:$0x2] =	sbarrier.arrive $0xFFFF  }
0x55: {  	[sflag:s0] =	ssyncadd.tile.s32 @!p0 $0x1;
	_ =	shalt  }
.Lfunc_end2:
_tile_overlayer_lowered:
.L_overlay_start_2:
0x56: {  	(tag) =	ssettag $0x2  }
0x57: {  	s0 =	rddreg [dreg:$0x0];
	s2 =	stileid.u32  }
0x58: {  	s1 =	rddreg [dreg:$0x1];
	p0 =	sne.s32 s2, $0x0  }
0x59: {  	s3 =	rddreg [dreg:$0x2];
	[bflag:$0x3] =	sbarrier.arrive $0xFFFF;
	s2 =	simm.s32 @!p0 $0x1C02  }
0x5a: {  	[timem:s3], [sflag:s2] =	dma.local @!p0 [hbm:s0], s1  }
0x5b: {  	s0 =	simm.s32 @!p0 $0x2  }
0x5c: {  	_ =	swait.ge @!p0 [sflag:s0], s1  }
0x5d: {  	s1 =	ssub.s32 @!p0 $0x0, s1;
	[sflag:s0] =	ssyncset.done @!p0 $0x0  }
0x5e: {  	[sflag:s0] =	ssyncadd.s32 @!p0 s1  }
0x5f: {  	[bflag:$0x3] =	sbarrier.arrive $0xFFFF  }
0x60: {  	_ =	shalt  }

</sc_bundles>
